<compile_context>
chip_gen: v7x
topology: tpu7x:2x2x1
jax: 0.10.2.dev20260603
libtpu: 0.0.44.dev20260713+nightly
codegen_flags: <defaults>
</compile_context>

<pallas_src>
import jax
import jax.numpy as jnp
from jax.experimental import pallas as pl

N_ENTS = 10000
N_RELS = 500
R_PAD = 512
DIM = 128
N_EDGES = 320000
PROJ_EPS = 1e-5
CW = 0.1

EBLK = 2560
SROW = EBLK // DIM


def _logmap_matmul_body(x_ref, w_ref, t_ref, m_ref):
    x = x_ref[...]
    n2 = jnp.sum(x * x, axis=1, keepdims=True)
    n = jnp.sqrt(jnp.clip(n2, 1e-20, None))
    nc = jnp.clip(n, 1e-10, 1.0 - 1e-5)
    at = 0.5 * jnp.log((1.0 + nc) / (1.0 - nc))
    t = at * x / jnp.clip(n, 1e-10, None)
    t_ref[...] = t
    m_ref[...] = jnp.dot(t, w_ref[...], preferred_element_type=jnp.float32)


def _logmap_matmul(x, w, bm):
    n = x.shape[0]
    return pl.pallas_call(
        _logmap_matmul_body,
        grid=(n // bm,),
        in_specs=[pl.BlockSpec((bm, DIM), lambda i: (i, 0)),
                  pl.BlockSpec((DIM, DIM), lambda i: (0, 0))],
        out_specs=[pl.BlockSpec((bm, DIM), lambda i: (i, 0)),
                   pl.BlockSpec((bm, DIM), lambda i: (i, 0))],
        out_shape=[jax.ShapeDtypeStruct((n, DIM), jnp.float32),
                   jax.ShapeDtypeStruct((n, DIM), jnp.float32)],
    )(x, w)


def _edge_exp_body(a_ref, b_ref, o_ref):
    s = jnp.sum(a_ref[...] * b_ref[...], axis=1)
    o_ref[...] = jnp.exp(s).reshape(1, SROW, DIM)


def _edge_exp(er, ec):
    nblk = N_EDGES // EBLK
    return pl.pallas_call(
        _edge_exp_body,
        grid=(nblk,),
        in_specs=[pl.BlockSpec((EBLK, DIM), lambda i: (i, 0)),
                  pl.BlockSpec((EBLK, DIM), lambda i: (i, 0))],
        out_specs=pl.BlockSpec((1, SROW, DIM), lambda i: (i, 0, 0)),
        out_shape=jax.ShapeDtypeStruct((nblk, SROW, DIM), jnp.float32),
    )(er, ec).reshape(-1)


def _nrm(x):
    return jnp.sqrt(jnp.clip(jnp.sum(x * x, axis=1, keepdims=True), 1e-20, None))


def _proj(x):
    n = _nrm(x)
    maxnorm = 1.0 - PROJ_EPS
    return jnp.where(n > maxnorm, x / n * maxnorm, x)


def _expmap(v):
    n = jnp.clip(_nrm(v), 1e-10, None)
    return jnp.tanh(n) * v / n


def _logmap(x):
    n = _nrm(x)
    nc = jnp.clip(n, 1e-10, 1.0 - 1e-5)
    at = 0.5 * jnp.log((1.0 + nc) / (1.0 - nc))
    return at * x / jnp.clip(n, 1e-10, None)


def _mobius(x, y):
    x2 = jnp.sum(x * x, 1, keepdims=True)
    y2 = jnp.sum(y * y, 1, keepdims=True)
    xy = jnp.sum(x * y, 1, keepdims=True)
    num = (1.0 + 2.0 * xy + y2) * x + (1.0 - x2) * y
    den = 1.0 + 2.0 * xy + x2 * y2
    return num / jnp.clip(den, 1e-10, None)


def _post_ents_body(num_ref, d_ref, enr_ref, nn_ref, out_ref):
    nee = _proj(_expmap(num_ref[...] / jnp.clip(d_ref[...], 1e-10, None)))
    enr = _proj(_expmap(enr_ref[...] / nn_ref[...]))
    m = _proj(_mobius(nee, CW * enr))
    out_ref[...] = _proj(_expmap(jnp.tanh(_logmap(m))))


def _post_ents(num, db, enr, nnb, bm=2000):
    spec = pl.BlockSpec((bm, DIM), lambda i: (i, 0))
    return pl.pallas_call(
        _post_ents_body,
        grid=(N_ENTS // bm,),
        in_specs=[spec] * 4,
        out_specs=spec,
        out_shape=jax.ShapeDtypeStruct((N_ENTS, DIM), jnp.float32),
    )(num, db, enr, nnb)


def _post_rels_body(t_ref, c_ref, out_ref):
    rn = jnp.where(c_ref[...] > 0.0, t_ref[...], 0.0)
    rv = _proj(_expmap(rn))
    out_ref[...] = _proj(_expmap(jnp.tanh(_logmap(rv))))


def _post_rels(t_pad, cb):
    spec = pl.BlockSpec((R_PAD, DIM), lambda: (0, 0))
    return pl.pallas_call(
        _post_rels_body,
        in_specs=[spec] * 2,
        out_specs=spec,
        out_shape=jax.ShapeDtypeStruct((R_PAD, DIM), jnp.float32),
    )(t_pad, cb)


def kernel(ents_embed_input, rels_embed_input, W_ent, W_rel, bias_vec,
           ent_adj_row, ent_adj_col, rel_adj_row, rel_ids,
           ents_near_rels_num, rels_near_ents_num):
    del bias_vec, rels_near_ents_num
    _, em = _logmap_matmul(ents_embed_input, W_ent, 2000)
    r_pad = jnp.concatenate(
        [rels_embed_input,
         jnp.zeros((R_PAD - N_RELS, DIM), jnp.float32)], axis=0)
    rt_pad, rm_pad = _logmap_matmul(r_pad, W_rel, R_PAD)

    ec = em[ent_adj_col]
    ex = _edge_exp(em[ent_adj_row], ec)
    den = jax.ops.segment_sum(ex, ent_adj_row, num_segments=N_ENTS)
    num = jax.ops.segment_sum(ex[:, None] * ec, ent_adj_row,
                              num_segments=N_ENTS)

    enr = jax.ops.segment_sum(rm_pad[rel_ids], rel_adj_row,
                              num_segments=N_ENTS)
    rcnt = jax.ops.segment_sum(jnp.ones((N_EDGES,), jnp.float32), rel_ids,
                               num_segments=R_PAD)

    db = jnp.broadcast_to(den[:, None], (N_ENTS, DIM))
    nnb = jnp.broadcast_to(ents_near_rels_num[:, None], (N_ENTS, DIM))
    cb = jnp.broadcast_to(rcnt[:, None], (R_PAD, DIM))

    ents_out = _post_ents(num, db, enr, nnb)
    rels_out = _post_rels(rt_pad, cb)[:N_RELS]
    return (ents_out, rels_out)

# --- scband reference (transcript-rebuilt; emitter-appended) ---
"""Pipeline reference for scband-hyper-ka-61555471286969 (READ-ONLY COPY).

The authoritative reference and input builder live on the scoring server;
editing this copy changes nothing except your own understanding.
"""

import jax, jax.numpy as jnp
import numpy as np

PROJ_EPS = 1e-5
N_ENTS = 10000
N_RELS = 500
DIM = 128
N_ENT_EDGES = 320000
N_REL_EDGES = 320000
COMBINE_RELS_WEIGHT = 0.1


def _norm(x):
    return jnp.sqrt(jnp.clip(jnp.sum(x * x, axis=-1, keepdims=True), 1e-20, None))


def hyperbolic_projection(x):
    n = _norm(x)
    maxnorm = 1.0 - PROJ_EPS
    return jnp.where(n > maxnorm, x / n * maxnorm, x)


def log_map_zero(x):
    n = _norm(x)
    nc = jnp.clip(n, 1e-10, 1.0 - 1e-5)
    return jnp.arctanh(nc) * x / jnp.clip(n, 1e-10, None)


def exp_map_zero(v):
    n = jnp.clip(_norm(v), 1e-10, None)
    return jnp.tanh(n) * v / n


def mobius_addition(x, y):
    x2 = jnp.sum(x * x, -1, keepdims=True)
    y2 = jnp.sum(y * y, -1, keepdims=True)
    xy = jnp.sum(x * y, -1, keepdims=True)
    num = (1.0 + 2.0 * xy + y2) * x + (1.0 - x2) * y
    den = 1.0 + 2.0 * xy + x2 * y2
    return num / jnp.clip(den, 1e-10, None)


def setup_inputs(seed: int = 0):
    key = jax.random.key(seed)
    ks = jax.random.split(key, 10)
    ents_embed_input = jax.random.normal(ks[0], (N_ENTS, DIM), dtype=jnp.float32) * 0.01
    rels_embed_input = jax.random.normal(ks[1], (N_RELS, DIM), dtype=jnp.float32) * 0.01
    W_ent = jax.random.normal(ks[2], (DIM, DIM), dtype=jnp.float32) * (1.0 / np.sqrt(DIM))
    W_rel = jax.random.normal(ks[3], (DIM, DIM), dtype=jnp.float32) * (1.0 / np.sqrt(DIM))
    bias_vec = jnp.zeros((1, DIM), dtype=jnp.float32)
    ent_adj_row = jnp.sort(jax.random.randint(ks[4], (N_ENT_EDGES,), 0, N_ENTS))
    ent_adj_col = jax.random.randint(ks[5], (N_ENT_EDGES,), 0, N_ENTS)
    rel_adj_row = jnp.sort(jax.random.randint(ks[6], (N_REL_EDGES,), 0, N_ENTS))
    rel_ids = jax.random.randint(ks[7], (N_REL_EDGES,), 0, N_RELS)
    ents_near_rels_num = jnp.clip(jnp.bincount(rel_adj_row, length=N_ENTS), 1).astype(jnp.float32)
    rels_near_ents_num = jnp.clip(jnp.bincount(rel_ids, length=N_RELS), 1).astype(jnp.float32)
    return {
        'ents_embed_input': ents_embed_input,
        'rels_embed_input': rels_embed_input,
        'W_ent': W_ent,
        'W_rel': W_rel,
        'bias_vec': bias_vec,
        'ent_adj_row': ent_adj_row,
        'ent_adj_col': ent_adj_col,
        'rel_adj_row': rel_adj_row,
        'rel_ids': rel_ids,
        'ents_near_rels_num': ents_near_rels_num,
        'rels_near_ents_num': rels_near_ents_num,
    }


def reference(ents_embed_input, rels_embed_input, W_ent, W_rel, bias_vec,
              ent_adj_row, ent_adj_col, rel_adj_row, rel_ids,
              ents_near_rels_num, rels_near_ents_num):
    N = ents_embed_input.shape[0]
    R = rels_embed_input.shape[0]
    # log map to tangent space at origin
    ents_pre_sup_tangent = log_map_zero(ents_embed_input)
    rels_pre_sup_tangent = log_map_zero(rels_embed_input)
    # linear maps
    ents_embed_mapped = ents_pre_sup_tangent @ W_ent
    rels_embed_mapped = rels_pre_sup_tangent @ W_rel
    rels_embed_origin = rels_pre_sup_tangent
    # sparse attention (detached scores): score_e = <m[row], m[col]> on adjacency nnz
    em = jax.lax.stop_gradient(ents_embed_mapped)
    scores = jnp.sum(em[ent_adj_row] * em[ent_adj_col], axis=-1)
    row_max = jax.ops.segment_max(scores, ent_adj_row, num_segments=N)
    row_max = jnp.where(jnp.isfinite(row_max), row_max, 0.0)
    ex = jnp.exp(scores - row_max[ent_adj_row])
    denom = jax.ops.segment_sum(ex, ent_adj_row, num_segments=N)
    alpha = ex / jnp.clip(denom[ent_adj_row], 1e-10, None)
    # sparse.mm(alpha, ents_embed_mapped)
    ents_near_ents = jax.ops.segment_sum(alpha[:, None] * ents_embed_mapped[ent_adj_col], ent_adj_row, num_segments=N)
    ents_near_ents = hyperbolic_projection(exp_map_zero(ents_near_ents))
    # entity <- neighboring relations aggregation (mean)
    mapped_edge_embeddings = rels_embed_mapped[rel_ids]
    ents_near_rels = jax.ops.segment_sum(mapped_edge_embeddings, rel_adj_row, num_segments=N)
    ents_near_rels = ents_near_rels / ents_near_rels_num[:, None]
    ents_near_rels = hyperbolic_projection(exp_map_zero(ents_near_rels))
    # relation <- neighboring entities aggregation (mean over transposed adjacency)
    edge_embeddings = rels_embed_origin[rel_ids]
    rels_near = jax.ops.segment_sum(edge_embeddings, rel_ids, num_segments=R)
    rels_near = rels_near / rels_near_ents_num[:, None]
    rels_near = hyperbolic_projection(exp_map_zero(rels_near))
    # combine via mobius addition
    ents_out = hyperbolic_projection(mobius_addition(ents_near_ents, COMBINE_RELS_WEIGHT * ents_near_rels))
    rels_out = rels_near
    # bias
    bias = hyperbolic_projection(exp_map_zero(bias_vec))
    ents_out = hyperbolic_projection(mobius_addition(ents_out, bias))
    # activation = tanh applied in tangent space
    ents_out = hyperbolic_projection(exp_map_zero(jnp.tanh(log_map_zero(ents_out))))
    rels_out = hyperbolic_projection(exp_map_zero(jnp.tanh(log_map_zero(rels_out))))
    return (ents_out, rels_out)

if __name__ == "__main__":
    import jax
    _d = setup_inputs()
    print(jax.jit(kernel)(*tuple(_d.values())))

</pallas_src>

<mosaic_0001>
module attributes {stable_mosaic.version = 14 : i64} {
  func.func @_logmap_matmul_body(%arg0: i32, %arg1: memref<2000x128xf32, #tpu.memory_space<vmem>>, %arg2: memref<128x128xf32, #tpu.memory_space<vmem>>, %arg3: memref<2000x128xf32, #tpu.memory_space<vmem>>, %arg4: memref<2000x128xf32, #tpu.memory_space<vmem>>) attributes {dimension_semantics = [#tpu.dimension_semantics<arbitrary>], iteration_bounds = array<i64: 5>, scalar_prefetch = 0 : i64, scratch_operands = 0 : i64, tpu.core_type = #tpu.core_type<tc>, window_params = [{transform_indices = @transform_0, window_bounds = array<i64: 2000, 128>}, {pipeline_mode = #tpu.pipeline_mode<synchronous>, transform_indices = @transform_1, window_bounds = array<i64: 128, 128>}, {transform_indices = @transform_2, window_bounds = array<i64: 2000, 128>}, {transform_indices = @transform_3, window_bounds = array<i64: 2000, 128>}]} {
    %get3A = arith.constant 0 : index
    %get3A_0 = arith.constant 0 : index
    %get3A_1 = vector.load %arg1[%get3A, %get3A_0] : memref<2000x128xf32, #tpu.memory_space<vmem>>, vector<2000x128xf32>
    %mul3A = arith.mulf %get3A_1, %get3A_1 : vector<2000x128xf32>
    %reduce_sum3A = arith.constant dense<0.000000e+00> : vector<2000xf32>
    %reduce_sum3A_2 = vector.multi_reduction <add>, %mul3A, %reduce_sum3A [1] : vector<2000x128xf32> to vector<2000xf32>
    %broadcast_in_dim3A = vector.shape_cast %reduce_sum3A_2 : vector<2000xf32> to vector<2000x1xf32>
    %jit3A = arith.constant 9.99999968E-21 : f32
    %max3A = vector.broadcast %jit3A : f32 to vector<2000x1xf32>
    %max3A_3 = arith.maximumf %max3A, %broadcast_in_dim3A : vector<2000x1xf32>
    %sqrt3A = math.sqrt %max3A_3 : vector<2000x1xf32>
    %jit3A_4 = arith.constant 1.000000e-10 : f32
    %jit3A_5 = arith.constant 0.999989986 : f32
    %max3A_6 = vector.broadcast %jit3A_4 : f32 to vector<2000x1xf32>
    %max3A_7 = arith.maximumf %max3A_6, %sqrt3A : vector<2000x1xf32>
    %min3A = vector.broadcast %jit3A_5 : f32 to vector<2000x1xf32>
    %min3A_8 = arith.minimumf %min3A, %max3A_7 : vector<2000x1xf32>
    %add3A = arith.constant 1.000000e+00 : f32
    %add3A_9 = vector.broadcast %add3A : f32 to vector<2000x1xf32>
    %add3A_10 = arith.addf %add3A_9, %min3A_8 : vector<2000x1xf32>
    %sub3A = arith.constant 1.000000e+00 : f32
    %sub3A_11 = vector.broadcast %sub3A : f32 to vector<2000x1xf32>
    %sub3A_12 = arith.subf %sub3A_11, %min3A_8 : vector<2000x1xf32>
    %div3A = arith.divf %add3A_10, %sub3A_12 : vector<2000x1xf32>
    %log3A = math.log %div3A : vector<2000x1xf32>
    %mul3A_13 = arith.constant 5.000000e-01 : f32
    %mul3A_14 = vector.broadcast %mul3A_13 : f32 to vector<2000x1xf32>
    %mul3A_15 = arith.mulf %mul3A_14, %log3A : vector<2000x1xf32>
    %mul3A_16 = vector.broadcast %mul3A_15 : vector<2000x1xf32> to vector<2000x128xf32>
    %mul3A_17 = arith.mulf %mul3A_16, %get3A_1 : vector<2000x128xf32>
    %jit3A_18 = arith.constant 1.000000e-10 : f32
    %max3A_19 = vector.broadcast %jit3A_18 : f32 to vector<2000x1xf32>
    %max3A_20 = arith.maximumf %max3A_19, %sqrt3A : vector<2000x1xf32>
    %div3A_21 = vector.broadcast %max3A_20 : vector<2000x1xf32> to vector<2000x128xf32>
    %div3A_22 = arith.divf %mul3A_17, %div3A_21 : vector<2000x128xf32>
    %swap3A = arith.constant 0 : index
    %swap3A_23 = arith.constant 0 : index
    %swap3A_24 = vector.load %arg3[%swap3A, %swap3A_23] : memref<2000x128xf32, #tpu.memory_space<vmem>>, vector<2000x128xf32>
    tpu.vector_store %arg3[%swap3A, %swap3A_23], %div3A_22 {strides = array<i32>} : memref<2000x128xf32, #tpu.memory_space<vmem>>, vector<2000x128xf32>,
    %get3A_25 = arith.constant 0 : index
    %get3A_26 = arith.constant 0 : index
    %get3A_27 = vector.load %arg2[%get3A_25, %get3A_26] : memref<128x128xf32, #tpu.memory_space<vmem>>, vector<128x128xf32>
    %dot_general3A = arith.constant dense<0.000000e+00> : vector<2000x128xf32>
    %dot_general3A_28 = tpu.matmul %div3A_22, %get3A_27, %dot_general3A {dimension_numbers = #tpu.dot_dimension_numbers<[1], [0], [0], [1], [0, 0, 1, 1], [], []>, transpose_lhs_hint = false} : vector<2000x128xf32>, vector<128x128xf32>, vector<2000x128xf32> -> vector<2000x128xf32>
    %swap3A_29 = arith.constant 0 : index
    %swap3A_30 = arith.constant 0 : index
    %swap3A_31 = vector.load %arg4[%swap3A_29, %swap3A_30] : memref<2000x128xf32, #tpu.memory_space<vmem>>, vector<2000x128xf32>
    tpu.vector_store %arg4[%swap3A_29, %swap3A_30], %dot_general3A_28 {strides = array<i32>} : memref<2000x128xf32, #tpu.memory_space<vmem>>, vector<2000x128xf32>,
    return
  }
  func.func @transform_0(%arg0: i32) -> (i32, i32) {
    %c0_i32 = arith.constant 0 : i32
    %c0_i32_0 = arith.constant 0 : i32
    return %arg0, %c0_i32 : i32, i32
  }
  func.func @transform_1(%arg0: i32) -> (i32, i32) {
    %c0_i32 = arith.constant 0 : i32
    %c0_i32_0 = arith.constant 0 : i32
    %c0_i32_1 = arith.constant 0 : i32
    return %c0_i32, %c0_i32_0 : i32, i32
  }
  func.func @transform_2(%arg0: i32) -> (i32, i32) {
    %c0_i32 = arith.constant 0 : i32
    %c0_i32_0 = arith.constant 0 : i32
    return %arg0, %c0_i32 : i32, i32
  }
  func.func @transform_3(%arg0: i32) -> (i32, i32) {
    %c0_i32 = arith.constant 0 : i32
    %c0_i32_0 = arith.constant 0 : i32
    return %arg0, %c0_i32 : i32, i32
  }
}

module attributes {stable_mosaic.version = 14 : i64} {
  func.func @_edge_exp_body(%arg0: i32, %arg1: memref<2560x128xf32, #tpu.memory_space<vmem>>, %arg2: memref<2560x128xf32, #tpu.memory_space<vmem>>, %arg3: memref<1x20x128xf32, #tpu.memory_space<vmem>>) attributes {dimension_semantics = [#tpu.dimension_semantics<arbitrary>], iteration_bounds = array<i64: 125>, scalar_prefetch = 0 : i64, scratch_operands = 0 : i64, tpu.core_type = #tpu.core_type<tc>, window_params = [{transform_indices = @transform_0, window_bounds = array<i64: 2560, 128>}, {transform_indices = @transform_1, window_bounds = array<i64: 2560, 128>}, {transform_indices = @transform_2, window_bounds = array<i64: 1, 20, 128>}]} {
    %get3A = arith.constant 0 : index
    %get3A_0 = arith.constant 0 : index
    %get3A_1 = vector.load %arg1[%get3A, %get3A_0] : memref<2560x128xf32, #tpu.memory_space<vmem>>, vector<2560x128xf32>
    %get3A_2 = arith.constant 0 : index
    %get3A_3 = arith.constant 0 : index
    %get3A_4 = vector.load %arg2[%get3A_2, %get3A_3] : memref<2560x128xf32, #tpu.memory_space<vmem>>, vector<2560x128xf32>
    %mul3A = arith.mulf %get3A_1, %get3A_4 : vector<2560x128xf32>
    %reduce_sum3A = arith.constant dense<0.000000e+00> : vector<2560xf32>
    %reduce_sum3A_5 = vector.multi_reduction <add>, %mul3A, %reduce_sum3A [1] : vector<2560x128xf32> to vector<2560xf32>
    %exp3A = math.exp %reduce_sum3A_5 : vector<2560xf32>
    %reshape3A = vector.shape_cast %exp3A : vector<2560xf32> to vector<1x20x128xf32>
    %swap3A = arith.constant 0 : index
    %swap3A_6 = arith.constant 0 : index
    %swap3A_7 = arith.constant 0 : index
    %swap3A_8 = vector.load %arg3[%swap3A, %swap3A_6, %swap3A_7] : memref<1x20x128xf32, #tpu.memory_space<vmem>>, vector<1x20x128xf32>
    tpu.vector_store %arg3[%swap3A, %swap3A_6, %swap3A_7], %reshape3A {strides = array<i32>} : memref<1x20x128xf32, #tpu.memory_space<vmem>>, vector<1x20x128xf32>,
    return
  }
  func.func @transform_0(%arg0: i32) -> (i32, i32) {
    %c0_i32 = arith.constant 0 : i32
    %c0_i32_0 = arith.constant 0 : i32
    return %arg0, %c0_i32 : i32, i32
  }
  func.func @transform_1(%arg0: i32) -> (i32, i32) {
    %c0_i32 = arith.constant 0 : i32
    %c0_i32_0 = arith.constant 0 : i32
    return %arg0, %c0_i32 : i32, i32
  }
  func.func @transform_2(%arg0: i32) -> (i32, i32, i32) {
    %c0_i32 = arith.constant 0 : i32
    %c0_i32_0 = arith.constant 0 : i32
    %c0_i32_1 = arith.constant 0 : i32
    return %arg0, %c0_i32, %c0_i32_0 : i32, i32, i32
  }
}

module attributes {stable_mosaic.version = 14 : i64} {
  func.func @_logmap_matmul_body(%arg0: i32, %arg1: memref<512x128xf32, #tpu.memory_space<vmem>>, %arg2: memref<128x128xf32, #tpu.memory_space<vmem>>, %arg3: memref<512x128xf32, #tpu.memory_space<vmem>>, %arg4: memref<512x128xf32, #tpu.memory_space<vmem>>) attributes {dimension_semantics = [#tpu.dimension_semantics<arbitrary>], iteration_bounds = array<i64: 1>, scalar_prefetch = 0 : i64, scratch_operands = 0 : i64, tpu.core_type = #tpu.core_type<tc>, window_params = [{transform_indices = @transform_0, window_bounds = array<i64: 512, 128>}, {pipeline_mode = #tpu.pipeline_mode<synchronous>, transform_indices = @transform_1, window_bounds = array<i64: 128, 128>}, {transform_indices = @transform_2, window_bounds = array<i64: 512, 128>}, {transform_indices = @transform_3, window_bounds = array<i64: 512, 128>}]} {
    %get3A = arith.constant 0 : index
    %get3A_0 = arith.constant 0 : index
    %get3A_1 = vector.load %arg1[%get3A, %get3A_0] : memref<512x128xf32, #tpu.memory_space<vmem>>, vector<512x128xf32>
    %mul3A = arith.mulf %get3A_1, %get3A_1 : vector<512x128xf32>
    %reduce_sum3A = arith.constant dense<0.000000e+00> : vector<512xf32>
    %reduce_sum3A_2 = vector.multi_reduction <add>, %mul3A, %reduce_sum3A [1] : vector<512x128xf32> to vector<512xf32>
    %broadcast_in_dim3A = vector.shape_cast %reduce_sum3A_2 : vector<512xf32> to vector<512x1xf32>
    %jit3A = arith.constant 9.99999968E-21 : f32
    %max3A = vector.broadcast %jit3A : f32 to vector<512x1xf32>
    %max3A_3 = arith.maximumf %max3A, %broadcast_in_dim3A : vector<512x1xf32>
    %sqrt3A = math.sqrt %max3A_3 : vector<512x1xf32>
    %jit3A_4 = arith.constant 1.000000e-10 : f32
    %jit3A_5 = arith.constant 0.999989986 : f32
    %max3A_6 = vector.broadcast %jit3A_4 : f32 to vector<512x1xf32>
    %max3A_7 = arith.maximumf %max3A_6, %sqrt3A : vector<512x1xf32>
    %min3A = vector.broadcast %jit3A_5 : f32 to vector<512x1xf32>
    %min3A_8 = arith.minimumf %min3A, %max3A_7 : vector<512x1xf32>
    %add3A = arith.constant 1.000000e+00 : f32
    %add3A_9 = vector.broadcast %add3A : f32 to vector<512x1xf32>
    %add3A_10 = arith.addf %add3A_9, %min3A_8 : vector<512x1xf32>
    %sub3A = arith.constant 1.000000e+00 : f32
    %sub3A_11 = vector.broadcast %sub3A : f32 to vector<512x1xf32>
    %sub3A_12 = arith.subf %sub3A_11, %min3A_8 : vector<512x1xf32>
    %div3A = arith.divf %add3A_10, %sub3A_12 : vector<512x1xf32>
    %log3A = math.log %div3A : vector<512x1xf32>
    %mul3A_13 = arith.constant 5.000000e-01 : f32
    %mul3A_14 = vector.broadcast %mul3A_13 : f32 to vector<512x1xf32>
    %mul3A_15 = arith.mulf %mul3A_14, %log3A : vector<512x1xf32>
    %mul3A_16 = vector.broadcast %mul3A_15 : vector<512x1xf32> to vector<512x128xf32>
    %mul3A_17 = arith.mulf %mul3A_16, %get3A_1 : vector<512x128xf32>
    %jit3A_18 = arith.constant 1.000000e-10 : f32
    %max3A_19 = vector.broadcast %jit3A_18 : f32 to vector<512x1xf32>
    %max3A_20 = arith.maximumf %max3A_19, %sqrt3A : vector<512x1xf32>
    %div3A_21 = vector.broadcast %max3A_20 : vector<512x1xf32> to vector<512x128xf32>
    %div3A_22 = arith.divf %mul3A_17, %div3A_21 : vector<512x128xf32>
    %swap3A = arith.constant 0 : index
    %swap3A_23 = arith.constant 0 : index
    %swap3A_24 = vector.load %arg3[%swap3A, %swap3A_23] : memref<512x128xf32, #tpu.memory_space<vmem>>, vector<512x128xf32>
    tpu.vector_store %arg3[%swap3A, %swap3A_23], %div3A_22 {strides = array<i32>} : memref<512x128xf32, #tpu.memory_space<vmem>>, vector<512x128xf32>,
    %get3A_25 = arith.constant 0 : index
    %get3A_26 = arith.constant 0 : index
    %get3A_27 = vector.load %arg2[%get3A_25, %get3A_26] : memref<128x128xf32, #tpu.memory_space<vmem>>, vector<128x128xf32>
    %dot_general3A = arith.constant dense<0.000000e+00> : vector<512x128xf32>
    %dot_general3A_28 = tpu.matmul %div3A_22, %get3A_27, %dot_general3A {dimension_numbers = #tpu.dot_dimension_numbers<[1], [0], [0], [1], [0, 0, 1, 1], [], []>, transpose_lhs_hint = false} : vector<512x128xf32>, vector<128x128xf32>, vector<512x128xf32> -> vector<512x128xf32>
    %swap3A_29 = arith.constant 0 : index
    %swap3A_30 = arith.constant 0 : index
    %swap3A_31 = vector.load %arg4[%swap3A_29, %swap3A_30] : memref<512x128xf32, #tpu.memory_space<vmem>>, vector<512x128xf32>
    tpu.vector_store %arg4[%swap3A_29, %swap3A_30], %dot_general3A_28 {strides = array<i32>} : memref<512x128xf32, #tpu.memory_space<vmem>>, vector<512x128xf32>,
    return
  }
  func.func @transform_0(%arg0: i32) -> (i32, i32) {
    %c0_i32 = arith.constant 0 : i32
    %c0_i32_0 = arith.constant 0 : i32
    return %arg0, %c0_i32 : i32, i32
  }
  func.func @transform_1(%arg0: i32) -> (i32, i32) {
    %c0_i32 = arith.constant 0 : i32
    %c0_i32_0 = arith.constant 0 : i32
    %c0_i32_1 = arith.constant 0 : i32
    return %c0_i32, %c0_i32_0 : i32, i32
  }
  func.func @transform_2(%arg0: i32) -> (i32, i32) {
    %c0_i32 = arith.constant 0 : i32
    %c0_i32_0 = arith.constant 0 : i32
    return %arg0, %c0_i32 : i32, i32
  }
  func.func @transform_3(%arg0: i32) -> (i32, i32) {
    %c0_i32 = arith.constant 0 : i32
    %c0_i32_0 = arith.constant 0 : i32
    return %arg0, %c0_i32 : i32, i32
  }
}

module attributes {stable_mosaic.version = 14 : i64} {
  func.func @_post_rels_body(%arg0: memref<512x128xf32, #tpu.memory_space<vmem>>, %arg1: memref<512x128xf32, #tpu.memory_space<vmem>>, %arg2: memref<512x128xf32, #tpu.memory_space<vmem>>) attributes {dimension_semantics = [], scalar_prefetch = 0 : i64, scratch_operands = 0 : i64, tpu.core_type = #tpu.core_type<tc>} {
    %get3A = arith.constant 0 : index
    %get3A_0 = arith.constant 0 : index
    %get3A_1 = vector.load %arg1[%get3A, %get3A_0] : memref<512x128xf32, #tpu.memory_space<vmem>>, vector<512x128xf32>
    %gt3A = arith.constant 0.000000e+00 : f32
    %gt3A_2 = vector.broadcast %gt3A : f32 to vector<512x128xf32>
    %gt3A_3 = arith.cmpf ogt, %get3A_1, %gt3A_2 : vector<512x128xf32>
    %get3A_4 = arith.constant 0 : index
    %get3A_5 = arith.constant 0 : index
    %get3A_6 = vector.load %arg0[%get3A_4, %get3A_5] : memref<512x128xf32, #tpu.memory_space<vmem>>, vector<512x128xf32>
    %jit3A = arith.constant 0.000000e+00 : f32
    %broadcast_in_dim3A = vector.broadcast %jit3A : f32 to vector<512x128xf32>
    %select_n3A = arith.select %gt3A_3, %get3A_6, %broadcast_in_dim3A : vector<512x128xi1>, vector<512x128xf32>
    %mul3A = arith.mulf %select_n3A, %select_n3A : vector<512x128xf32>
    %reduce_sum3A = arith.constant dense<0.000000e+00> : vector<512xf32>
    %reduce_sum3A_7 = vector.multi_reduction <add>, %mul3A, %reduce_sum3A [1] : vector<512x128xf32> to vector<512xf32>
    %broadcast_in_dim3A_8 = vector.shape_cast %reduce_sum3A_7 : vector<512xf32> to vector<512x1xf32>
    %jit3A_9 = arith.constant 9.99999968E-21 : f32
    %max3A = vector.broadcast %jit3A_9 : f32 to vector<512x1xf32>
    %max3A_10 = arith.maximumf %max3A, %broadcast_in_dim3A_8 : vector<512x1xf32>
    %sqrt3A = math.sqrt %max3A_10 : vector<512x1xf32>
    %jit3A_11 = arith.constant 1.000000e-10 : f32
    %max3A_12 = vector.broadcast %jit3A_11 : f32 to vector<512x1xf32>
    %max3A_13 = arith.maximumf %max3A_12, %sqrt3A : vector<512x1xf32>
    %tanh3A = math.tanh %max3A_13 : vector<512x1xf32>
    %mul3A_14 = vector.broadcast %tanh3A : vector<512x1xf32> to vector<512x128xf32>
    %mul3A_15 = arith.mulf %mul3A_14, %select_n3A : vector<512x128xf32>
    %div3A = vector.broadcast %max3A_13 : vector<512x1xf32> to vector<512x128xf32>
    %div3A_16 = arith.divf %mul3A_15, %div3A : vector<512x128xf32>
    %mul3A_17 = arith.mulf %div3A_16, %div3A_16 : vector<512x128xf32>
    %reduce_sum3A_18 = arith.constant dense<0.000000e+00> : vector<512xf32>
    %reduce_sum3A_19 = vector.multi_reduction <add>, %mul3A_17, %reduce_sum3A_18 [1] : vector<512x128xf32> to vector<512xf32>
    %broadcast_in_dim3A_20 = vector.shape_cast %reduce_sum3A_19 : vector<512xf32> to vector<512x1xf32>
    %jit3A_21 = arith.constant 9.99999968E-21 : f32
    %max3A_22 = vector.broadcast %jit3A_21 : f32 to vector<512x1xf32>
    %max3A_23 = arith.maximumf %max3A_22, %broadcast_in_dim3A_20 : vector<512x1xf32>
    %sqrt3A_24 = math.sqrt %max3A_23 : vector<512x1xf32>
    %gt3A_25 = arith.constant 0.999989986 : f32
    %gt3A_26 = vector.broadcast %gt3A_25 : f32 to vector<512x1xf32>
    %gt3A_27 = arith.cmpf ogt, %sqrt3A_24, %gt3A_26 : vector<512x1xf32>
    %div3A_28 = vector.broadcast %sqrt3A_24 : vector<512x1xf32> to vector<512x128xf32>
    %div3A_29 = arith.divf %div3A_16, %div3A_28 : vector<512x128xf32>
    %mul3A_30 = arith.constant 0.999989986 : f32
    %mul3A_31 = vector.broadcast %mul3A_30 : f32 to vector<512x128xf32>
    %mul3A_32 = arith.mulf %div3A_29, %mul3A_31 : vector<512x128xf32>
    %broadcast_in_dim3A_33 = vector.shape_cast %gt3A_27 : vector<512x1xi1> to vector<512x1xi1>
    %broadcast_in_dim3A_34 = vector.broadcast %broadcast_in_dim3A_33 : vector<512x1xi1> to vector<512x128xi1>
    %select_n3A_35 = arith.select %broadcast_in_dim3A_34, %mul3A_32, %div3A_16 : vector<512x128xi1>, vector<512x128xf32>
    %mul3A_36 = arith.mulf %select_n3A_35, %select_n3A_35 : vector<512x128xf32>
    %reduce_sum3A_37 = arith.constant dense<0.000000e+00> : vector<512xf32>
    %reduce_sum3A_38 = vector.multi_reduction <add>, %mul3A_36, %reduce_sum3A_37 [1] : vector<512x128xf32> to vector<512xf32>
    %broadcast_in_dim3A_39 = vector.shape_cast %reduce_sum3A_38 : vector<512xf32> to vector<512x1xf32>
    %jit3A_40 = arith.constant 9.99999968E-21 : f32
    %max3A_41 = vector.broadcast %jit3A_40 : f32 to vector<512x1xf32>
    %max3A_42 = arith.maximumf %max3A_41, %broadcast_in_dim3A_39 : vector<512x1xf32>
    %sqrt3A_43 = math.sqrt %max3A_42 : vector<512x1xf32>
    %jit3A_44 = arith.constant 1.000000e-10 : f32
    %jit3A_45 = arith.constant 0.999989986 : f32
    %max3A_46 = vector.broadcast %jit3A_44 : f32 to vector<512x1xf32>
    %max3A_47 = arith.maximumf %max3A_46, %sqrt3A_43 : vector<512x1xf32>
    %min3A = vector.broadcast %jit3A_45 : f32 to vector<512x1xf32>
    %min3A_48 = arith.minimumf %min3A, %max3A_47 : vector<512x1xf32>
    %add3A = arith.constant 1.000000e+00 : f32
    %add3A_49 = vector.broadcast %add3A : f32 to vector<512x1xf32>
    %add3A_50 = arith.addf %add3A_49, %min3A_48 : vector<512x1xf32>
    %sub3A = arith.constant 1.000000e+00 : f32
    %sub3A_51 = vector.broadcast %sub3A : f32 to vector<512x1xf32>
    %sub3A_52 = arith.subf %sub3A_51, %min3A_48 : vector<512x1xf32>
    %div3A_53 = arith.divf %add3A_50, %sub3A_52 : vector<512x1xf32>
    %log3A = math.log %div3A_53 : vector<512x1xf32>
    %mul3A_54 = arith.constant 5.000000e-01 : f32
    %mul3A_55 = vector.broadcast %mul3A_54 : f32 to vector<512x1xf32>
    %mul3A_56 = arith.mulf %mul3A_55, %log3A : vector<512x1xf32>
    %mul3A_57 = vector.broadcast %mul3A_56 : vector<512x1xf32> to vector<512x128xf32>
    %mul3A_58 = arith.mulf %mul3A_57, %select_n3A_35 : vector<512x128xf32>
    %jit3A_59 = arith.constant 1.000000e-10 : f32
    %max3A_60 = vector.broadcast %jit3A_59 : f32 to vector<512x1xf32>
    %max3A_61 = arith.maximumf %max3A_60, %sqrt3A_43 : vector<512x1xf32>
    %div3A_62 = vector.broadcast %max3A_61 : vector<512x1xf32> to vector<512x128xf32>
    %div3A_63 = arith.divf %mul3A_58, %div3A_62 : vector<512x128xf32>
    %tanh3A_64 = math.tanh %div3A_63 : vector<512x128xf32>
    %mul3A_65 = arith.mulf %tanh3A_64, %tanh3A_64 : vector<512x128xf32>
    %reduce_sum3A_66 = arith.constant dense<0.000000e+00> : vector<512xf32>
    %reduce_sum3A_67 = vector.multi_reduction <add>, %mul3A_65, %reduce_sum3A_66 [1] : vector<512x128xf32> to vector<512xf32>
    %broadcast_in_dim3A_68 = vector.shape_cast %reduce_sum3A_67 : vector<512xf32> to vector<512x1xf32>
    %jit3A_69 = arith.constant 9.99999968E-21 : f32
    %max3A_70 = vector.broadcast %jit3A_69 : f32 to vector<512x1xf32>
    %max3A_71 = arith.maximumf %max3A_70, %broadcast_in_dim3A_68 : vector<512x1xf32>
    %sqrt3A_72 = math.sqrt %max3A_71 : vector<512x1xf32>
    %jit3A_73 = arith.constant 1.000000e-10 : f32
    %max3A_74 = vector.broadcast %jit3A_73 : f32 to vector<512x1xf32>
    %max3A_75 = arith.maximumf %max3A_74, %sqrt3A_72 : vector<512x1xf32>
    %tanh3A_76 = math.tanh %max3A_75 : vector<512x1xf32>
    %mul3A_77 = vector.broadcast %tanh3A_76 : vector<512x1xf32> to vector<512x128xf32>
    %mul3A_78 = arith.mulf %mul3A_77, %tanh3A_64 : vector<512x128xf32>
    %div3A_79 = vector.broadcast %max3A_75 : vector<512x1xf32> to vector<512x128xf32>
    %div3A_80 = arith.divf %mul3A_78, %div3A_79 : vector<512x128xf32>
    %mul3A_81 = arith.mulf %div3A_80, %div3A_80 : vector<512x128xf32>
    %reduce_sum3A_82 = arith.constant dense<0.000000e+00> : vector<512xf32>
    %reduce_sum3A_83 = vector.multi_reduction <add>, %mul3A_81, %reduce_sum3A_82 [1] : vector<512x128xf32> to vector<512xf32>
    %broadcast_in_dim3A_84 = vector.shape_cast %reduce_sum3A_83 : vector<512xf32> to vector<512x1xf32>
    %jit3A_85 = arith.constant 9.99999968E-21 : f32
    %max3A_86 = vector.broadcast %jit3A_85 : f32 to vector<512x1xf32>
    %max3A_87 = arith.maximumf %max3A_86, %broadcast_in_dim3A_84 : vector<512x1xf32>
    %sqrt3A_88 = math.sqrt %max3A_87 : vector<512x1xf32>
    %gt3A_89 = arith.constant 0.999989986 : f32
    %gt3A_90 = vector.broadcast %gt3A_89 : f32 to vector<512x1xf32>
    %gt3A_91 = arith.cmpf ogt, %sqrt3A_88, %gt3A_90 : vector<512x1xf32>
    %div3A_92 = vector.broadcast %sqrt3A_88 : vector<512x1xf32> to vector<512x128xf32>
    %div3A_93 = arith.divf %div3A_80, %div3A_92 : vector<512x128xf32>
    %mul3A_94 = arith.constant 0.999989986 : f32
    %mul3A_95 = vector.broadcast %mul3A_94 : f32 to vector<512x128xf32>
    %mul3A_96 = arith.mulf %div3A_93, %mul3A_95 : vector<512x128xf32>
    %broadcast_in_dim3A_97 = vector.shape_cast %gt3A_91 : vector<512x1xi1> to vector<512x1xi1>
    %broadcast_in_dim3A_98 = vector.broadcast %broadcast_in_dim3A_97 : vector<512x1xi1> to vector<512x128xi1>
    %select_n3A_99 = arith.select %broadcast_in_dim3A_98, %mul3A_96, %div3A_80 : vector<512x128xi1>, vector<512x128xf32>
    %swap3A = arith.constant 0 : index
    %swap3A_100 = arith.constant 0 : index
    %swap3A_101 = vector.load %arg2[%swap3A, %swap3A_100] : memref<512x128xf32, #tpu.memory_space<vmem>>, vector<512x128xf32>
    tpu.vector_store %arg2[%swap3A, %swap3A_100], %select_n3A_99 {strides = array<i32>} : memref<512x128xf32, #tpu.memory_space<vmem>>, vector<512x128xf32>,
    return
  }
}

module attributes {stable_mosaic.version = 14 : i64} {
  func.func @_post_ents_body(%arg0: i32, %arg1: memref<2000x128xf32, #tpu.memory_space<vmem>>, %arg2: memref<2000x128xf32, #tpu.memory_space<vmem>>, %arg3: memref<2000x128xf32, #tpu.memory_space<vmem>>, %arg4: memref<2000x128xf32, #tpu.memory_space<vmem>>, %arg5: memref<2000x128xf32, #tpu.memory_space<vmem>>) attributes {dimension_semantics = [#tpu.dimension_semantics<arbitrary>], iteration_bounds = array<i64: 5>, scalar_prefetch = 0 : i64, scratch_operands = 0 : i64, tpu.core_type = #tpu.core_type<tc>, window_params = [{transform_indices = @transform_0, window_bounds = array<i64: 2000, 128>}, {transform_indices = @transform_1, window_bounds = array<i64: 2000, 128>}, {transform_indices = @transform_2, window_bounds = array<i64: 2000, 128>}, {transform_indices = @transform_3, window_bounds = array<i64: 2000, 128>}, {transform_indices = @transform_4, window_bounds = array<i64: 2000, 128>}]} {
    %get3A = arith.constant 0 : index
    %get3A_0 = arith.constant 0 : index
    %get3A_1 = vector.load %arg1[%get3A, %get3A_0] : memref<2000x128xf32, #tpu.memory_space<vmem>>, vector<2000x128xf32>
    %get3A_2 = arith.constant 0 : index
    %get3A_3 = arith.constant 0 : index
    %get3A_4 = vector.load %arg2[%get3A_2, %get3A_3] : memref<2000x128xf32, #tpu.memory_space<vmem>>, vector<2000x128xf32>
    %jit3A = arith.constant 1.000000e-10 : f32
    %max3A = vector.broadcast %jit3A : f32 to vector<2000x128xf32>
    %max3A_5 = arith.maximumf %max3A, %get3A_4 : vector<2000x128xf32>
    %div3A = arith.divf %get3A_1, %max3A_5 : vector<2000x128xf32>
    %mul3A = arith.mulf %div3A, %div3A : vector<2000x128xf32>
    %reduce_sum3A = arith.constant dense<0.000000e+00> : vector<2000xf32>
    %reduce_sum3A_6 = vector.multi_reduction <add>, %mul3A, %reduce_sum3A [1] : vector<2000x128xf32> to vector<2000xf32>
    %broadcast_in_dim3A = vector.shape_cast %reduce_sum3A_6 : vector<2000xf32> to vector<2000x1xf32>
    %jit3A_7 = arith.constant 9.99999968E-21 : f32
    %max3A_8 = vector.broadcast %jit3A_7 : f32 to vector<2000x1xf32>
    %max3A_9 = arith.maximumf %max3A_8, %broadcast_in_dim3A : vector<2000x1xf32>
    %sqrt3A = math.sqrt %max3A_9 : vector<2000x1xf32>
    %jit3A_10 = arith.constant 1.000000e-10 : f32
    %max3A_11 = vector.broadcast %jit3A_10 : f32 to vector<2000x1xf32>
    %max3A_12 = arith.maximumf %max3A_11, %sqrt3A : vector<2000x1xf32>
    %tanh3A = math.tanh %max3A_12 : vector<2000x1xf32>
    %mul3A_13 = vector.broadcast %tanh3A : vector<2000x1xf32> to vector<2000x128xf32>
    %mul3A_14 = arith.mulf %mul3A_13, %div3A : vector<2000x128xf32>
    %div3A_15 = vector.broadcast %max3A_12 : vector<2000x1xf32> to vector<2000x128xf32>
    %div3A_16 = arith.divf %mul3A_14, %div3A_15 : vector<2000x128xf32>
    %mul3A_17 = arith.mulf %div3A_16, %div3A_16 : vector<2000x128xf32>
    %reduce_sum3A_18 = arith.constant dense<0.000000e+00> : vector<2000xf32>
    %reduce_sum3A_19 = vector.multi_reduction <add>, %mul3A_17, %reduce_sum3A_18 [1] : vector<2000x128xf32> to vector<2000xf32>
    %broadcast_in_dim3A_20 = vector.shape_cast %reduce_sum3A_19 : vector<2000xf32> to vector<2000x1xf32>
    %jit3A_21 = arith.constant 9.99999968E-21 : f32
    %max3A_22 = vector.broadcast %jit3A_21 : f32 to vector<2000x1xf32>
    %max3A_23 = arith.maximumf %max3A_22, %broadcast_in_dim3A_20 : vector<2000x1xf32>
    %sqrt3A_24 = math.sqrt %max3A_23 : vector<2000x1xf32>
    %gt3A = arith.constant 0.999989986 : f32
    %gt3A_25 = vector.broadcast %gt3A : f32 to vector<2000x1xf32>
    %gt3A_26 = arith.cmpf ogt, %sqrt3A_24, %gt3A_25 : vector<2000x1xf32>
    %div3A_27 = vector.broadcast %sqrt3A_24 : vector<2000x1xf32> to vector<2000x128xf32>
    %div3A_28 = arith.divf %div3A_16, %div3A_27 : vector<2000x128xf32>
    %mul3A_29 = arith.constant 0.999989986 : f32
    %mul3A_30 = vector.broadcast %mul3A_29 : f32 to vector<2000x128xf32>
    %mul3A_31 = arith.mulf %div3A_28, %mul3A_30 : vector<2000x128xf32>
    %broadcast_in_dim3A_32 = vector.shape_cast %gt3A_26 : vector<2000x1xi1> to vector<2000x1xi1>
    %broadcast_in_dim3A_33 = vector.broadcast %broadcast_in_dim3A_32 : vector<2000x1xi1> to vector<2000x128xi1>
    %select_n3A = arith.select %broadcast_in_dim3A_33, %mul3A_31, %div3A_16 : vector<2000x128xi1>, vector<2000x128xf32>
    %get3A_34 = arith.constant 0 : index
    %get3A_35 = arith.constant 0 : index
    %get3A_36 = vector.load %arg3[%get3A_34, %get3A_35] : memref<2000x128xf32, #tpu.memory_space<vmem>>, vector<2000x128xf32>
    %get3A_37 = arith.constant 0 : index
    %get3A_38 = arith.constant 0 : index
    %get3A_39 = vector.load %arg4[%get3A_37, %get3A_38] : memref<2000x128xf32, #tpu.memory_space<vmem>>, vector<2000x128xf32>
    %div3A_40 = arith.divf %get3A_36, %get3A_39 : vector<2000x128xf32>
    %mul3A_41 = arith.mulf %div3A_40, %div3A_40 : vector<2000x128xf32>
    %reduce_sum3A_42 = arith.constant dense<0.000000e+00> : vector<2000xf32>
    %reduce_sum3A_43 = vector.multi_reduction <add>, %mul3A_41, %reduce_sum3A_42 [1] : vector<2000x128xf32> to vector<2000xf32>
    %broadcast_in_dim3A_44 = vector.shape_cast %reduce_sum3A_43 : vector<2000xf32> to vector<2000x1xf32>
    %jit3A_45 = arith.constant 9.99999968E-21 : f32
    %max3A_46 = vector.broadcast %jit3A_45 : f32 to vector<2000x1xf32>
    %max3A_47 = arith.maximumf %max3A_46, %broadcast_in_dim3A_44 : vector<2000x1xf32>
    %sqrt3A_48 = math.sqrt %max3A_47 : vector<2000x1xf32>
    %jit3A_49 = arith.constant 1.000000e-10 : f32
    %max3A_50 = vector.broadcast %jit3A_49 : f32 to vector<2000x1xf32>
    %max3A_51 = arith.maximumf %max3A_50, %sqrt3A_48 : vector<2000x1xf32>
    %tanh3A_52 = math.tanh %max3A_51 : vector<2000x1xf32>
    %mul3A_53 = vector.broadcast %tanh3A_52 : vector<2000x1xf32> to vector<2000x128xf32>
    %mul3A_54 = arith.mulf %mul3A_53, %div3A_40 : vector<2000x128xf32>
    %div3A_55 = vector.broadcast %max3A_51 : vector<2000x1xf32> to vector<2000x128xf32>
    %div3A_56 = arith.divf %mul3A_54, %div3A_55 : vector<2000x128xf32>
    %mul3A_57 = arith.mulf %div3A_56, %div3A_56 : vector<2000x128xf32>
    %reduce_sum3A_58 = arith.constant dense<0.000000e+00> : vector<2000xf32>
    %reduce_sum3A_59 = vector.multi_reduction <add>, %mul3A_57, %reduce_sum3A_58 [1] : vector<2000x128xf32> to vector<2000xf32>
    %broadcast_in_dim3A_60 = vector.shape_cast %reduce_sum3A_59 : vector<2000xf32> to vector<2000x1xf32>
    %jit3A_61 = arith.constant 9.99999968E-21 : f32
    %max3A_62 = vector.broadcast %jit3A_61 : f32 to vector<2000x1xf32>
    %max3A_63 = arith.maximumf %max3A_62, %broadcast_in_dim3A_60 : vector<2000x1xf32>
    %sqrt3A_64 = math.sqrt %max3A_63 : vector<2000x1xf32>
    %gt3A_65 = arith.constant 0.999989986 : f32
    %gt3A_66 = vector.broadcast %gt3A_65 : f32 to vector<2000x1xf32>
    %gt3A_67 = arith.cmpf ogt, %sqrt3A_64, %gt3A_66 : vector<2000x1xf32>
    %div3A_68 = vector.broadcast %sqrt3A_64 : vector<2000x1xf32> to vector<2000x128xf32>
    %div3A_69 = arith.divf %div3A_56, %div3A_68 : vector<2000x128xf32>
    %mul3A_70 = arith.constant 0.999989986 : f32
    %mul3A_71 = vector.broadcast %mul3A_70 : f32 to vector<2000x128xf32>
    %mul3A_72 = arith.mulf %div3A_69, %mul3A_71 : vector<2000x128xf32>
    %broadcast_in_dim3A_73 = vector.shape_cast %gt3A_67 : vector<2000x1xi1> to vector<2000x1xi1>
    %broadcast_in_dim3A_74 = vector.broadcast %broadcast_in_dim3A_73 : vector<2000x1xi1> to vector<2000x128xi1>
    %select_n3A_75 = arith.select %broadcast_in_dim3A_74, %mul3A_72, %div3A_56 : vector<2000x128xi1>, vector<2000x128xf32>
    %mul3A_76 = arith.constant 1.000000e-01 : f32
    %mul3A_77 = vector.broadcast %mul3A_76 : f32 to vector<2000x128xf32>
    %mul3A_78 = arith.mulf %mul3A_77, %select_n3A_75 : vector<2000x128xf32>
    %mul3A_79 = arith.mulf %select_n3A, %select_n3A : vector<2000x128xf32>
    %reduce_sum3A_80 = arith.constant dense<0.000000e+00> : vector<2000xf32>
    %reduce_sum3A_81 = vector.multi_reduction <add>, %mul3A_79, %reduce_sum3A_80 [1] : vector<2000x128xf32> to vector<2000xf32>
    %broadcast_in_dim3A_82 = vector.shape_cast %reduce_sum3A_81 : vector<2000xf32> to vector<2000x1xf32>
    %mul3A_83 = arith.mulf %mul3A_78, %mul3A_78 : vector<2000x128xf32>
    %reduce_sum3A_84 = arith.constant dense<0.000000e+00> : vector<2000xf32>
    %reduce_sum3A_85 = vector.multi_reduction <add>, %mul3A_83, %reduce_sum3A_84 [1] : vector<2000x128xf32> to vector<2000xf32>
    %broadcast_in_dim3A_86 = vector.shape_cast %reduce_sum3A_85 : vector<2000xf32> to vector<2000x1xf32>
    %mul3A_87 = arith.mulf %select_n3A, %mul3A_78 : vector<2000x128xf32>
    %reduce_sum3A_88 = arith.constant dense<0.000000e+00> : vector<2000xf32>
    %reduce_sum3A_89 = vector.multi_reduction <add>, %mul3A_87, %reduce_sum3A_88 [1] : vector<2000x128xf32> to vector<2000xf32>
    %broadcast_in_dim3A_90 = vector.shape_cast %reduce_sum3A_89 : vector<2000xf32> to vector<2000x1xf32>
    %mul3A_91 = arith.constant 2.000000e+00 : f32
    %mul3A_92 = vector.broadcast %mul3A_91 : f32 to vector<2000x1xf32>
    %mul3A_93 = arith.mulf %mul3A_92, %broadcast_in_dim3A_90 : vector<2000x1xf32>
    %add3A = arith.constant 1.000000e+00 : f32
    %add3A_94 = vector.broadcast %add3A : f32 to vector<2000x1xf32>
    %add3A_95 = arith.addf %add3A_94, %mul3A_93 : vector<2000x1xf32>
    %add3A_96 = arith.addf %add3A_95, %broadcast_in_dim3A_86 : vector<2000x1xf32>
    %mul3A_97 = vector.broadcast %add3A_96 : vector<2000x1xf32> to vector<2000x128xf32>
    %mul3A_98 = arith.mulf %mul3A_97, %select_n3A : vector<2000x128xf32>
    %sub3A = arith.constant 1.000000e+00 : f32
    %sub3A_99 = vector.broadcast %sub3A : f32 to vector<2000x1xf32>
    %sub3A_100 = arith.subf %sub3A_99, %broadcast_in_dim3A_82 : vector<2000x1xf32>
    %mul3A_101 = vector.broadcast %sub3A_100 : vector<2000x1xf32> to vector<2000x128xf32>
    %mul3A_102 = arith.mulf %mul3A_101, %mul3A_78 : vector<2000x128xf32>
    %add3A_103 = arith.addf %mul3A_98, %mul3A_102 : vector<2000x128xf32>
    %mul3A_104 = arith.constant 2.000000e+00 : f32
    %mul3A_105 = vector.broadcast %mul3A_104 : f32 to vector<2000x1xf32>
    %mul3A_106 = arith.mulf %mul3A_105, %broadcast_in_dim3A_90 : vector<2000x1xf32>
    %add3A_107 = arith.constant 1.000000e+00 : f32
    %add3A_108 = vector.broadcast %add3A_107 : f32 to vector<2000x1xf32>
    %add3A_109 = arith.addf %add3A_108, %mul3A_106 : vector<2000x1xf32>
    %mul3A_110 = arith.mulf %broadcast_in_dim3A_82, %broadcast_in_dim3A_86 : vector<2000x1xf32>
    %add3A_111 = arith.addf %add3A_109, %mul3A_110 : vector<2000x1xf32>
    %jit3A_112 = arith.constant 1.000000e-10 : f32
    %max3A_113 = vector.broadcast %jit3A_112 : f32 to vector<2000x1xf32>
    %max3A_114 = arith.maximumf %max3A_113, %add3A_111 : vector<2000x1xf32>
    %div3A_115 = vector.broadcast %max3A_114 : vector<2000x1xf32> to vector<2000x128xf32>
    %div3A_116 = arith.divf %add3A_103, %div3A_115 : vector<2000x128xf32>
    %mul3A_117 = arith.mulf %div3A_116, %div3A_116 : vector<2000x128xf32>
    %reduce_sum3A_118 = arith.constant dense<0.000000e+00> : vector<2000xf32>
    %reduce_sum3A_119 = vector.multi_reduction <add>, %mul3A_117, %reduce_sum3A_118 [1] : vector<2000x128xf32> to vector<2000xf32>
    %broadcast_in_dim3A_120 = vector.shape_cast %reduce_sum3A_119 : vector<2000xf32> to vector<2000x1xf32>
    %jit3A_121 = arith.constant 9.99999968E-21 : f32
    %max3A_122 = vector.broadcast %jit3A_121 : f32 to vector<2000x1xf32>
    %max3A_123 = arith.maximumf %max3A_122, %broadcast_in_dim3A_120 : vector<2000x1xf32>
    %sqrt3A_124 = math.sqrt %max3A_123 : vector<2000x1xf32>
    %gt3A_125 = arith.constant 0.999989986 : f32
    %gt3A_126 = vector.broadcast %gt3A_125 : f32 to vector<2000x1xf32>
    %gt3A_127 = arith.cmpf ogt, %sqrt3A_124, %gt3A_126 : vector<2000x1xf32>
    %div3A_128 = vector.broadcast %sqrt3A_124 : vector<2000x1xf32> to vector<2000x128xf32>
    %div3A_129 = arith.divf %div3A_116, %div3A_128 : vector<2000x128xf32>
    %mul3A_130 = arith.constant 0.999989986 : f32
    %mul3A_131 = vector.broadcast %mul3A_130 : f32 to vector<2000x128xf32>
    %mul3A_132 = arith.mulf %div3A_129, %mul3A_131 : vector<2000x128xf32>
    %broadcast_in_dim3A_133 = vector.shape_cast %gt3A_127 : vector<2000x1xi1> to vector<2000x1xi1>
    %broadcast_in_dim3A_134 = vector.broadcast %broadcast_in_dim3A_133 : vector<2000x1xi1> to vector<2000x128xi1>
    %select_n3A_135 = arith.select %broadcast_in_dim3A_134, %mul3A_132, %div3A_116 : vector<2000x128xi1>, vector<2000x128xf32>
    %mul3A_136 = arith.mulf %select_n3A_135, %select_n3A_135 : vector<2000x128xf32>
    %reduce_sum3A_137 = arith.constant dense<0.000000e+00> : vector<2000xf32>
    %reduce_sum3A_138 = vector.multi_reduction <add>, %mul3A_136, %reduce_sum3A_137 [1] : vector<2000x128xf32> to vector<2000xf32>
    %broadcast_in_dim3A_139 = vector.shape_cast %reduce_sum3A_138 : vector<2000xf32> to vector<2000x1xf32>
    %jit3A_140 = arith.constant 9.99999968E-21 : f32
    %max3A_141 = vector.broadcast %jit3A_140 : f32 to vector<2000x1xf32>
    %max3A_142 = arith.maximumf %max3A_141, %broadcast_in_dim3A_139 : vector<2000x1xf32>
    %sqrt3A_143 = math.sqrt %max3A_142 : vector<2000x1xf32>
    %jit3A_144 = arith.constant 1.000000e-10 : f32
    %jit3A_145 = arith.constant 0.999989986 : f32
    %max3A_146 = vector.broadcast %jit3A_144 : f32 to vector<2000x1xf32>
    %max3A_147 = arith.maximumf %max3A_146, %sqrt3A_143 : vector<2000x1xf32>
    %min3A = vector.broadcast %jit3A_145 : f32 to vector<2000x1xf32>
    %min3A_148 = arith.minimumf %min3A, %max3A_147 : vector<2000x1xf32>
    %add3A_149 = arith.constant 1.000000e+00 : f32
    %add3A_150 = vector.broadcast %add3A_149 : f32 to vector<2000x1xf32>
    %add3A_151 = arith.addf %add3A_150, %min3A_148 : vector<2000x1xf32>
    %sub3A_152 = arith.constant 1.000000e+00 : f32
    %sub3A_153 = vector.broadcast %sub3A_152 : f32 to vector<2000x1xf32>
    %sub3A_154 = arith.subf %sub3A_153, %min3A_148 : vector<2000x1xf32>
    %div3A_155 = arith.divf %add3A_151, %sub3A_154 : vector<2000x1xf32>
    %log3A = math.log %div3A_155 : vector<2000x1xf32>
    %mul3A_156 = arith.constant 5.000000e-01 : f32
    %mul3A_157 = vector.broadcast %mul3A_156 : f32 to vector<2000x1xf32>
    %mul3A_158 = arith.mulf %mul3A_157, %log3A : vector<2000x1xf32>
    %mul3A_159 = vector.broadcast %mul3A_158 : vector<2000x1xf32> to vector<2000x128xf32>
    %mul3A_160 = arith.mulf %mul3A_159, %select_n3A_135 : vector<2000x128xf32>
    %jit3A_161 = arith.constant 1.000000e-10 : f32
    %max3A_162 = vector.broadcast %jit3A_161 : f32 to vector<2000x1xf32>
    %max3A_163 = arith.maximumf %max3A_162, %sqrt3A_143 : vector<2000x1xf32>
    %div3A_164 = vector.broadcast %max3A_163 : vector<2000x1xf32> to vector<2000x128xf32>
    %div3A_165 = arith.divf %mul3A_160, %div3A_164 : vector<2000x128xf32>
    %tanh3A_166 = math.tanh %div3A_165 : vector<2000x128xf32>
    %mul3A_167 = arith.mulf %tanh3A_166, %tanh3A_166 : vector<2000x128xf32>
    %reduce_sum3A_168 = arith.constant dense<0.000000e+00> : vector<2000xf32>
    %reduce_sum3A_169 = vector.multi_reduction <add>, %mul3A_167, %reduce_sum3A_168 [1] : vector<2000x128xf32> to vector<2000xf32>
    %broadcast_in_dim3A_170 = vector.shape_cast %reduce_sum3A_169 : vector<2000xf32> to vector<2000x1xf32>
    %jit3A_171 = arith.constant 9.99999968E-21 : f32
    %max3A_172 = vector.broadcast %jit3A_171 : f32 to vector<2000x1xf32>
    %max3A_173 = arith.maximumf %max3A_172, %broadcast_in_dim3A_170 : vector<2000x1xf32>
    %sqrt3A_174 = math.sqrt %max3A_173 : vector<2000x1xf32>
    %jit3A_175 = arith.constant 1.000000e-10 : f32
    %max3A_176 = vector.broadcast %jit3A_175 : f32 to vector<2000x1xf32>
    %max3A_177 = arith.maximumf %max3A_176, %sqrt3A_174 : vector<2000x1xf32>
    %tanh3A_178 = math.tanh %max3A_177 : vector<2000x1xf32>
    %mul3A_179 = vector.broadcast %tanh3A_178 : vector<2000x1xf32> to vector<2000x128xf32>
    %mul3A_180 = arith.mulf %mul3A_179, %tanh3A_166 : vector<2000x128xf32>
    %div3A_181 = vector.broadcast %max3A_177 : vector<2000x1xf32> to vector<2000x128xf32>
    %div3A_182 = arith.divf %mul3A_180, %div3A_181 : vector<2000x128xf32>
    %mul3A_183 = arith.mulf %div3A_182, %div3A_182 : vector<2000x128xf32>
    %reduce_sum3A_184 = arith.constant dense<0.000000e+00> : vector<2000xf32>
    %reduce_sum3A_185 = vector.multi_reduction <add>, %mul3A_183, %reduce_sum3A_184 [1] : vector<2000x128xf32> to vector<2000xf32>
    %broadcast_in_dim3A_186 = vector.shape_cast %reduce_sum3A_185 : vector<2000xf32> to vector<2000x1xf32>
    %jit3A_187 = arith.constant 9.99999968E-21 : f32
    %max3A_188 = vector.broadcast %jit3A_187 : f32 to vector<2000x1xf32>
    %max3A_189 = arith.maximumf %max3A_188, %broadcast_in_dim3A_186 : vector<2000x1xf32>
    %sqrt3A_190 = math.sqrt %max3A_189 : vector<2000x1xf32>
    %gt3A_191 = arith.constant 0.999989986 : f32
    %gt3A_192 = vector.broadcast %gt3A_191 : f32 to vector<2000x1xf32>
    %gt3A_193 = arith.cmpf ogt, %sqrt3A_190, %gt3A_192 : vector<2000x1xf32>
    %div3A_194 = vector.broadcast %sqrt3A_190 : vector<2000x1xf32> to vector<2000x128xf32>
    %div3A_195 = arith.divf %div3A_182, %div3A_194 : vector<2000x128xf32>
    %mul3A_196 = arith.constant 0.999989986 : f32
    %mul3A_197 = vector.broadcast %mul3A_196 : f32 to vector<2000x128xf32>
    %mul3A_198 = arith.mulf %div3A_195, %mul3A_197 : vector<2000x128xf32>
    %broadcast_in_dim3A_199 = vector.shape_cast %gt3A_193 : vector<2000x1xi1> to vector<2000x1xi1>
    %broadcast_in_dim3A_200 = vector.broadcast %broadcast_in_dim3A_199 : vector<2000x1xi1> to vector<2000x128xi1>
    %select_n3A_201 = arith.select %broadcast_in_dim3A_200, %mul3A_198, %div3A_182 : vector<2000x128xi1>, vector<2000x128xf32>
    %swap3A = arith.constant 0 : index
    %swap3A_202 = arith.constant 0 : index
    %swap3A_203 = vector.load %arg5[%swap3A, %swap3A_202] : memref<2000x128xf32, #tpu.memory_space<vmem>>, vector<2000x128xf32>
    tpu.vector_store %arg5[%swap3A, %swap3A_202], %select_n3A_201 {strides = array<i32>} : memref<2000x128xf32, #tpu.memory_space<vmem>>, vector<2000x128xf32>,
    return
  }
  func.func @transform_0(%arg0: i32) -> (i32, i32) {
    %c0_i32 = arith.constant 0 : i32
    %c0_i32_0 = arith.constant 0 : i32
    return %arg0, %c0_i32 : i32, i32
  }
  func.func @transform_1(%arg0: i32) -> (i32, i32) {
    %c0_i32 = arith.constant 0 : i32
    %c0_i32_0 = arith.constant 0 : i32
    return %arg0, %c0_i32 : i32, i32
  }
  func.func @transform_2(%arg0: i32) -> (i32, i32) {
    %c0_i32 = arith.constant 0 : i32
    %c0_i32_0 = arith.constant 0 : i32
    return %arg0, %c0_i32 : i32, i32
  }
  func.func @transform_3(%arg0: i32) -> (i32, i32) {
    %c0_i32 = arith.constant 0 : i32
    %c0_i32_0 = arith.constant 0 : i32
    return %arg0, %c0_i32 : i32, i32
  }
  func.func @transform_4(%arg0: i32) -> (i32, i32) {
    %c0_i32 = arith.constant 0 : i32
    %c0_i32_0 = arith.constant 0 : i32
    return %arg0, %c0_i32 : i32, i32
  }
}

</mosaic_0001>

<sc_bundles>
// kernel: scatter_offload_async_start.1
scs
__scs_entry_jumppad:
0x0: {  	(pc) =	sbr.rel $0x88, $3  }
0x1: {  	(tag) =	ssettag $0x0;
	lr =	simm.s32 $0x1  }
0x2: {  	[smem:$0x3F98] =	sst lr;
	_ =	strace $0xD0000000  }
0x3: {  	_ = 	snop  }
0x4: {  	_ = 	snop  }
0x5: {  	_ = 	snop  }
0x6: {  	_ = 	snop  }
0x7: {  	_ = 	snop  }
__scs_overlays_trampoline_lowered:
0x8: {  	[smem:$0x3FA7] =	sst s0  }
0x9: {  	[smem:$0x3FA8] =	sst s1  }
0xa: {  	[smem:$0x3FA9] =	sst s2  }
0xb: {  	[smem:$0x3FAA] =	sst s3  }
0xc: {  	[smem:$0x3FAB] =	sst s4  }
0xd: {  	[smem:$0x3FAC] =	sst s5  }
0xe: {  	[smem:$0x3FAD] =	sst s6  }
0xf: {  	[smem:$0x3FAE] =	sst s7  }
0x10: {  	[smem:$0x3FAF] =	sst s8  }
0x11: {  	[smem:$0x3FB0] =	sst s9;
	s0 =	simm.s32 @!p0 $0x0  }
0x12: {  	s1 =	sld [smem:$0x3F96];
	s0 =	simm.s32 @p0 $0x1  }
0x13: {  	[smem:$0x3FB1] =	sst s0;
	s0 =	simm.s32 @!p1 $0x0  }
0x14: {  	s2 =	sld [smem:$0x3F95];
	s0 =	simm.s32 @p1 $0x1  }
0x15: {  	[smem:$0x3FB2] =	sst s0;
	s0 =	simm.s32 @!p2 $0x0  }
0x16: {  	s3 =	sld [smem:$0x3FDB];
	s0 =	simm.s32 @p2 $0x1  }
0x17: {  	s4 =	simm.s32 $0x1BF5;
	[smem:$0x3FB4] =	sst s0  }
0x18: {  	s0 =	sld [smem:$0x3F97];
	_ =	swait.ge [sflag:s4], $0x0  }
0x19: {  	s7 =	sld [smem:$0x3F98]  }
0x1a: {  	s8 =	sadd.s32 $0xFFFFE003, lr  }
0x1b: {  	s9 =	sadd.s32 $0xFFFFFEF7, lr;
	s5 =	simm.s32 $0xFFFFFFFF;
	p2 =	slt.u32 s8, $0xFFFFF086  }
0x1c: {  	p1 =	slt.u32 s9, $0xF7A;
	s5 =	simm.s32 @!p2 $0x0  }
0x1d: {  	s5 =	simm.s32 @p1 $0x1;
	p0 =	seq.s32 s7, s2  }
0x1e: {  	s7 =	smul.u32 @!p0 $0xF7A, s2;
	p2 =	seq.s32 @!p0 s5, $0x0  }
0x1f: {  	s9 =	smul.u32 $0xF7A, s1;
	s8 =	simm.s32 @!p0 $0x1BF5;
	p2 =	por !p2, p0  }
0x20: {  	[sflag:s8] =	ssyncset.s32 @!p0 $0xFFFFF086;
	s6 =	sadd.s32 @!p0 s3, s7;
	s7 =	simm.s32 @!p0 $0x108  }
0x21: {  	s3 =	sadd.s32 s3, s9;
	s6 =	sadd.s32 @!p0 $0x88, s6;
	s7 =	simm.s32 @p2 $0x1082  }
0x22: {  	[simem:s7], [sflag:s8] =	dma.local @!p0 [hbm:s6], $0xF7A  }
0x23: {  	s9 =	sor.u32 $0xD0000000, s2;
	s6 =	simm.s32 $0x108;
	_ =	swait.ge @!p0 [sflag:s8], $0x0  }
0x24: {  	s3 =	sadd.s32 $0x88, s3;
	s6 =	simm.s32 @!p1 $0x1082;
	[sflag:s4] =	ssyncset.s32 $0xFFFFF086  }
0x25: {  	[simem:s6], [sflag:s4] =	dma.local [hbm:s3], $0xF7A  }
0x26: {  	[smem:$0x3F98] =	sst s1;
	(tag) =	ssettag s2;
	_ =	strace s9  }
0x27: {  	s1 =	sld [smem:$0x3FA8]  }
0x28: {  	s2 =	sld [smem:$0x3FA9]  }
0x29: {  	s4 =	sld [smem:$0x3FAB]  }
0x2a: {  	p0 =	seq.s32 s5, $0x0;
	s5 =	sld [smem:$0x3FAC]  }
0x2b: {  	s6 =	sld [smem:$0x3FAD]  }
0x2c: {  	s7 =	sld [smem:$0x3FAE]  }
0x2d: {  	s3 =	simm.s32 $0x108;
	s8 =	sld [smem:$0x3FAF]  }
0x2e: {  	s3 =	simm.s32 @!p0 $0x1082;
	s9 =	sld [smem:$0x3FB0]  }
0x2f: {  	lr =	sadd.s32 s0, s3;
	s0 =	sld [smem:$0x3FA7]  }
0x30: {  	s3 =	sld [smem:$0x3FAA]  }
0x31: {  	[smem:$0x3FB3] =	sst s10  }
0x32: {  	s10 =	sld [smem:$0x3FB1];
	_ =	sdelay $0x3  }
0x33: {  	p0 =	seq.s32 s10, $0x1;
	s10 =	sld [smem:$0x3FB3];
	_ =	sdelay $0x3  }
0x34: {  	[smem:$0x3FB3] =	sst s10  }
0x35: {  	s10 =	sld [smem:$0x3FB2];
	_ =	sdelay $0x3  }
0x36: {  	p1 =	seq.s32 s10, $0x1;
	s10 =	sld [smem:$0x3FB3];
	_ =	sdelay $0x3  }
0x37: {  	[smem:$0x3FB3] =	sst s10  }
0x38: {  	s10 =	sld [smem:$0x3FB4]  }
0x39: {  	_ = 	snop;
	(pc) =	sbr.ind lr, $3  }
0x3a: {  	_ = 	snop  }
0x3b: {  	_ = 	snop  }
0x3c: {  	p2 =	seq.s32 s10, $0x1;
	s10 =	sld [smem:$0x3FB3]  }
0x3d: {  	_ =	shalt  }
0x3e: {  	_ =	shalt  }
0x3f: {  	_ =	shalt  }
0x40: {  	_ =	shalt  }
0x41: {  	_ =	shalt  }
0x42: {  	_ =	shalt  }
0x43: {  	_ =	shalt  }
0x44: {  	_ =	shalt  }
0x45: {  	_ =	shalt  }
0x46: {  	_ =	shalt  }
0x47: {  	_ =	shalt  }
0x48: {  	_ =	shalt  }
0x49: {  	_ =	shalt  }
0x4a: {  	_ =	shalt  }
0x4b: {  	_ =	shalt  }
0x4c: {  	_ =	shalt  }
0x4d: {  	_ =	shalt  }
0x4e: {  	_ =	shalt  }
0x4f: {  	_ =	shalt  }
0x50: {  	_ =	shalt  }
0x51: {  	_ =	shalt  }
0x52: {  	_ =	shalt  }
0x53: {  	_ =	shalt  }
0x54: {  	_ =	shalt  }
0x55: {  	_ =	shalt  }
0x56: {  	_ =	shalt  }
0x57: {  	_ =	shalt  }
0x58: {  	_ =	shalt  }
0x59: {  	_ =	shalt  }
0x5a: {  	_ =	shalt  }
0x5b: {  	_ =	shalt  }
0x5c: {  	_ =	shalt  }
0x5d: {  	_ =	shalt  }
0x5e: {  	_ =	shalt  }
0x5f: {  	_ =	shalt  }
0x60: {  	_ =	shalt  }
0x61: {  	_ =	shalt  }
0x62: {  	_ =	shalt  }
0x63: {  	_ =	shalt  }
0x64: {  	_ =	shalt  }
0x65: {  	_ =	shalt  }
0x66: {  	_ =	shalt  }
0x67: {  	_ =	shalt  }
0x68: {  	_ =	shalt  }
0x69: {  	_ =	shalt  }
0x6a: {  	_ =	shalt  }
0x6b: {  	_ =	shalt  }
0x6c: {  	_ =	shalt  }
0x6d: {  	_ =	shalt  }
0x6e: {  	_ =	shalt  }
0x6f: {  	_ =	shalt  }
0x70: {  	_ =	shalt  }
0x71: {  	_ =	shalt  }
0x72: {  	_ =	shalt  }
0x73: {  	_ =	shalt  }
0x74: {  	_ =	shalt  }
0x75: {  	_ =	shalt  }
0x76: {  	_ =	shalt  }
0x77: {  	_ =	shalt  }
0x78: {  	_ =	shalt  }
0x79: {  	_ =	shalt  }
0x7a: {  	_ =	shalt  }
0x7b: {  	_ =	shalt  }
0x7c: {  	_ =	shalt  }
0x7d: {  	_ =	shalt  }
0x7e: {  	_ =	shalt  }
0x7f: {  	_ =	shalt  }
0x80: {  	_ =	shalt  }
0x81: {  	_ =	shalt  }
0x82: {  	_ =	shalt  }
0x83: {  	_ =	shalt  }
0x84: {  	_ =	shalt  }
0x85: {  	_ =	shalt  }
0x86: {  	_ =	shalt  }
0x87: {  	_ =	shalt  }
.Lfunc_end0:
.L_simem_size_0:
called_computation.1_lowered:
.L_overlay_start_0:
0x88: {  	s2 =	sld [smem:$0x3FD9]  }
0x89: {  	s3 =	sld [smem:$0x3FFE];
	_ =	sdelay $0x1  }
0x8a: {  	s1 =	srdreg.scid  }
0x8b: {  	s0 =	sand.u32 $0x1, s1  }
0x8c: {  	s10 =	sshll.u32 s0, $0xA;
	s2 =	sadd.s32 s3, s2  }
0x8d: {  	s2 =	sadd.s32 s2, s10  }
0x8e: {  	[smem:$0x3FBF] =	sst s2  }
0x8f: {  	_ = 	snop  }
0x90: {  	s2 =	sld [smem:$0x3FD0];
	_ =	sdelay $0x2  }
0x91: {  	s11 =	simm.s32 $0xF;
	s4 =	simm.s32 $0x10  }
0x92: {  	[smem:s4], [sflag:s11] =	dma.local [hbm:s2], $0x1  }
0x93: {  	_ =	swait.eq [sflag:s11], $0x1  }
0x94: {  	[sflag:s11] =	ssyncset.done $0x0  }
0x95: {  	[sflag:s11] =	ssyncadd.s32 $0xFFFFFFFF  }
0x96: {  	s12 =	sld [smem:$0x10];
	(tm) =	ssettm $0x1  }
0x97: {  	s13 =	sld [smem:$0x3FFB];
	_ =	sdelay $0x3  }
0x98: {  	_ =	strace s13  }
0x99: {  	s2 =	sld [smem:$0x3FFC];
	_ =	sdelay $0x3  }
0x9a: {  	_ =	strace s2  }
0x9b: {  	s2 =	sld [smem:$0x3FFD];
	_ =	sdelay $0x3  }
0x9c: {  	_ =	strace s2  }
0x9d: {  	_ =	strace $0x8FFFFFFF  }
0x9e: {  	s14 =	sld [smem:$0x3FDB];
	_ =	sdelay $0x1  }
0x9f: {  	s15 =	simm.s32 $_scs_section_size  }
0xa0: {  	s5 =	simm.s32 $_size__tile_overlayer_lowered;
	s6 =	simm.s32 $_tile_overlayer_lowered  }
0xa1: {  	s19 =	simm.s32 $0x1BFF;
	s17 =	sshll.u32 s6, $0x1;
	s7 =	sadd.s32 s15, s14  }
0xa2: {  	s20 =	simm.s32 $0x0;
	s16 =	sshll.u32 s5, $0x1;
	s18 =	sadd.s32 s17, s7  }
0xa3: {  	[timem:s20], [sflag:s19] =	dma.local [hbm:s18], s16  }
0xa4: {  	_ =	swait.ge [sflag:s19], s16  }
0xa5: {  	s3 =	ssub.s32 $0x0, s16;
	[sflag:s19] =	ssyncset.done $0x0  }
0xa6: {  	[sflag:s19] =	ssyncadd.s32 s3;
	_ =	sdelay $0x1  }
0xa7: {  	s21 =	simm.s32 $0x1B8B  }
0xa8: {  	_ =	swait.ge [sflag:s21], $0x1  }
0xa9: {  	[sflag:s21] =	ssyncset.done $0x0  }
0xaa: {  	[sflag:s21] =	ssyncadd.s32 $0xFFFFFFFF  }
0xab: {  	s3 =	sld [smem:$0x0]  }
0xac: {  	s5 =	sand.u32 $0xFFFFFFFE, s1  }
0xad: {  	p0 =	sne.s32 s1, s5  }
0xae: {  	s5 =	sshll.u32 @p0 s5, $0xE  }
0xaf: {  	s6 =	sadd.s32 @p0 $0x11B8D, s5;
	s8 =	sshll.u32 @p0 s3, $0x11  }
0xb0: {  	s6 =	sor.u32 @p0 s8, s6  }
0xb1: {  	[sflag:s6] =	ssyncadd.remote.s32 @p0 $0x1;
	_ =	sdelay $0x1  }
0xb2: {  	s6 =	simm.s32 @p0 $0x1B8D  }
0xb3: {  	_ =	swait.eq @p0 [sflag:s6], $0x1  }
0xb4: {  	[sflag:s6] =	ssyncadd.s32 @p0 $0xFFFFFFFF  }
0xb5: {  	s8 =	sshll.u32 @!p0 s1, $0xE  }
0xb6: {  	s8 =	sor.u32 @!p0 $0x4000, s8;
	s6 =	simm.s32 @!p0 $0x1B8D  }
0xb7: {  	s10 =	sshll.u32 @!p0 s3, $0x11;
	s9 =	sadd.s32 @!p0 $0x11B8D, s8;
	_ =	swait.eq @!p0 [sflag:s6], $0x1  }
0xb8: {  	[sflag:s6] =	ssyncadd.s32 @!p0 $0xFFFFFFFF;
	s6 =	sor.u32 @!p0 s10, s9  }
0xb9: {  	s23 =	simm.s32 $0x1B8E;
	s22 =	sld [smem:$0x3FFE];
	[sflag:s6] =	ssyncadd.remote.s32 @!p0 $0x1  }
0xba: {  	s24 =	simm.s32 $execute0_lowered;
	[smem:$0x3FD2] =	sst s23  }
0xbb: {  	s9 =	sshll.u32 s24, $0x1;
	_ =	strace $0x8000004C;
	[dreg:$0x1] =	wrdreg $0xFFFFFFFF  }
0xbc: {  	s25 =	simm.s32 $_size_execute0_lowered;
	s9 =	sadd.s32 s7, s9;
	[dreg:$0x0] =	wrdreg $0x0  }
0xbd: {  	s10 =	sshll.u32 s25, $0x1;
	[dreg:$0x2] =	wrdreg s9  }
0xbe: {  	[dreg:$0x3] =	wrdreg s10  }
0xbf: {  	[dreg:$0x4] =	wrdreg $0xC0  }
0xc0: {  	s26 =	simm.s32 $execute1_lowered;
	_ =	task [dreg:s20], $0x5FFFF  }
0xc1: {  	s9 =	sshll.u32 s26, $0x1;
	[dreg:$0x1] =	wrdreg $0xFFFFFFFF  }
0xc2: {  	s7 =	sadd.s32 s7, s9;
	[dreg:$0x0] =	wrdreg $0x60  }
0xc3: {  	[dreg:$0x2] =	wrdreg s7  }
0xc4: {  	[dreg:$0x3] =	wrdreg s12  }
0xc5: {  	[dreg:$0x4] =	wrdreg s22  }
0xc6: {  	[dreg:$0x5] =	wrdreg $0xA  }
0xc7: {  	_ =	task.clear_ibuf [dreg:s20], $0x6FFFF;
	_ =	strace $0x9000004C  }
0xc8: {  	s28 =	simm.s32 $0xA;
	_ =	strace $0x8000004E  }
0xc9: {  	_ =	swait.ge [sflag:s28], $0x1  }
0xca: {  	[sflag:s28] =	ssyncadd.s32 $0xFFFFFFFF  }
0xcb: {  	_ =	strace $0x9000004E  }
0xcc: {  	s4 =	sld [smem:$0x0];
	_ =	sdelay $0x3  }
0xcd: {  	s5 =	sadd.s32 @p0 $0x11BF3, s5;
	s7 =	sshll.u32 @p0 s4, $0x11  }
0xce: {  	s5 =	sor.u32 @p0 s7, s5  }
0xcf: {  	[sflag:s5] =	ssyncadd.remote.s32 @p0 $0x1;
	_ =	sdelay $0x1  }
0xd0: {  	s5 =	simm.s32 @p0 $0x1BF3  }
0xd1: {  	_ =	swait.eq @p0 [sflag:s5], $0x1  }
0xd2: {  	[sflag:s5] =	ssyncadd.s32 @p0 $0xFFFFFFFF;
	_ =	sdelay $0x1  }
0xd3: {  	s5 =	simm.s32 @!p0 $0x1BF3  }
0xd4: {  	s4 =	sshll.u32 @!p0 s4, $0x11;
	s7 =	sadd.s32 @!p0 $0x11BF3, s8;
	_ =	swait.eq @!p0 [sflag:s5], $0x1  }
0xd5: {  	s4 =	sor.u32 @!p0 s4, s7;
	[sflag:s5] =	ssyncadd.s32 @!p0 $0xFFFFFFFF  }
0xd6: {  	[sflag:s4] =	ssyncadd.remote.s32 @!p0 $0x1  }
0xd7: {  	_ =	strace $0x8000004F;
	[dreg:$0x1] =	wrdreg $0xFFFFFFFF  }
0xd8: {  	[dreg:$0x0] =	wrdreg $0x2030  }
0xd9: {  	[dreg:$0x2] =	wrdreg s22  }
0xda: {  	[dreg:$0x3] =	wrdreg s1  }
0xdb: {  	[dreg:$0x4] =	wrdreg s3  }
0xdc: {  	[dreg:$0x5] =	wrdreg $0xB  }
0xdd: {  	_ =	task.clear_ibuf [dreg:s20], $0x6FFFF;
	_ =	strace $0x9000004F  }
0xde: {  	s29 =	simm.s32 $0xB;
	_ =	strace $0x80000051  }
0xdf: {  	_ =	swait.ge [sflag:s29], $0x1  }
0xe0: {  	[sflag:s29] =	ssyncadd.s32 $0xFFFFFFFF  }
0xe1: {  	_ =	strace $0x90000051  }
0xe2: {  	_ =	sfence  }
0xe3: {  	s30 =	sld [smem:$0x0];
	_ =	sdelay $0x2  }
0xe4: {  	s31 =	sshll.u32 s1, $0xD;
	s1 =	sshrl.u32 s1, $0x2  }
0xe5: {  	s4 =	sand.u32 $0x4000, s31;
	s1 =	sadd.s32 s1, s30  }
0xe6: {  	s0 =	sor.u32 s4, s0;
	s1 =	sshll.u32 s1, $0x11  }
0xe7: {  	s0 =	sor.u32 s1, s0  }
0xe8: {  	s0 =	sadd.s32 $0x8F2B, s0  }
0xe9: {  	[sflag:s0] =	ssyncadd.remote.s32 $0x1  }
0xea: {  	_ =	sfence.sel $0xFFFF  }
0xeb: {  	[dreg:$0x0] =	wrdreg $0xFFFFFFFF;
	(pc) =	sbr.abs _section_cstart, $3  }
0xec: {  	[dreg:$0x1] =	wrdreg $0xFFFFFFFF  }
0xed: {  	_ =	task.clear_ibuf [dreg:s20], $0x2FFFF;
	_ =	strace $0x9FFFFFFF  }
0xee: {  	(tm) =	ssettm $0x7FFFFFFF  }
0xef: {  	_ =	shalt  }
tec
execute0_lowered:
.L_overlay_start_1:
0x0: {  	(tag) =	ssettag $0x1  }
0x1: {  	s3 =	rddreg [dreg:$0x0]  }
0x2: {  	s2 =	rddreg [dreg:$0x1]  }
0x3: {  	s4 =	rddreg [dreg:$0x2]  }
0x4: {  	s0 =	rddreg [dreg:$0x3]  }
0x5: {  	s5 =	stileid.u32;
	[bflag:$0x3] =	sbarrier.arrive $0xFFFF;
	s1 =	simm.s32 $_size_execute1_lowered  }
0x6: {  	s29 =	srdreg.scid;
	s31 =	simm.s32 $0x2;
	p0 =	sne.s32 s5, $0x0  }
0x7: {  	s1 =	sshll.u32 s1, $0x1;
	s6 =	simm.s32 @!p0 $0x1C3F;
	s7 =	simm.s32 @!p0 $0x4060  }
0x8: {  	[timem:s7], [sflag:s6] =	dma.local @!p0 [hbm:s3], s1  }
0x9: {  	s8 =	simm.s32 $0x0;
	s12 =	simm.s32 $0x0;
	s3 =	sshll.u32 s29, $0x7  }
.Ltmp0:
0xa: {  	s5 =	sshll.u32 s5, $0x8;
	s3 =	sand.u32 $0x80, s3;
	(pc) =	sbr.rel .LBB2_1-.Ltmp0, $4  }
0xb: {  	s10 =	simm.s32 $0x0;
	s11 =	simm.s32 $0x0;
	s3 =	sor.u32 s5, s3  }
0xc: {  	_ =	strace $0x8000004D;
	s5 =	simm.s32 $0x1;
	s30 =	ssub.s32 $0x2700, s3  }
0xd: {  	s4 =	sadd.s32 $0x51DA00, s4;
	[sflag:s5] =	ssyncpa.u1 $0x0;
	s6 =	sshrl.u32 s30, $0xC  }
0xe: {  	s9 =	smov.u32 s3;
	[sflag:s31] =	ssyncpa.u1 $0x0;
	s7 =	sadd.s32 $0x2, s6  }
.LBB2_4:
0xf: {  	_ = 	snop  }
.LBB2_7:
0x10: {  	_ =	sdelay $0x3  }
0x11: {  	[tilespmem:v0+s16+$0x0 ss:$0x1] =	vst.idx.msk @p1 $0xffff, v2  }
0x12: {  	v56 =	vld.idx.msk [tilespmem:v1+s15+$0x0 ss:$0x1], $0xffff;
	s24 =	sor.u32 $0x70, s15;
	[tilespmem:v0+s17+$0x0 ss:$0x1] =	vst.idx.msk @p1 $0xffff, v4  }
0x13: {  	s25 =	sor.u32 $0x10, s15;
	[tilespmem:v0+s18+$0x0 ss:$0x1] =	vst.idx.msk @p1 $0xffff, v3;
	v57 =	vld.idx.msk [tilespmem:v1+s24+$0x0 ss:$0x1], $0xffff  }
0x14: {  	s26 =	sor.u32 $0x20, s15;
	[tilespmem:v0+s19+$0x0 ss:$0x1] =	vst.idx.msk @p1 $0xffff, v5;
	v58 =	vld.idx.msk [tilespmem:v1+s25+$0x0 ss:$0x1], $0xffff  }
0x15: {  	s28 =	sor.u32 $0x30, s15;
	[tilespmem:v0+s20+$0x0 ss:$0x1] =	vst.idx.msk @p1 $0xffff, v6;
	v59 =	vld.idx.msk [tilespmem:v1+s26+$0x0 ss:$0x1], $0xffff  }
0x16: {  	s29 =	sor.u32 $0x40, s15;
	[tilespmem:v0+s21+$0x0 ss:$0x1] =	vst.idx.msk @p1 $0xffff, v7;
	v60 =	vld.idx.msk [tilespmem:v1+s28+$0x0 ss:$0x1], $0xffff  }
0x17: {  	s30 =	sor.u32 $0x50, s15;
	v61 =	vld.idx.msk [tilespmem:v1+s29+$0x0 ss:$0x1], $0xffff;
	[tilespmem:v0+s15+$0x0 ss:$0x1] =	vst.idx.msk $0xffff, v56  }
0x18: {  	s31 =	sor.u32 $0x60, s15;
	v62 =	vld.idx.msk [tilespmem:v1+s30+$0x0 ss:$0x1], $0xffff;
	[tilespmem:v0+s24+$0x0 ss:$0x1] =	vst.idx.msk $0xffff, v57  }
0x19: {  	v63 =	vld.idx.msk [tilespmem:v1+s31+$0x0 ss:$0x1], $0xffff;
	[tilespmem:v0+s25+$0x0 ss:$0x1] =	vst.idx.msk $0xffff, v58  }
0x1a: {  	[tilespmem:v0+s26+$0x0 ss:$0x1] =	vst.idx.msk $0xffff, v59  }
0x1b: {  	[tilespmem:v0+s28+$0x0 ss:$0x1] =	vst.idx.msk $0xffff, v60  }
0x1c: {  	[tilespmem:v0+s29+$0x0 ss:$0x1] =	vst.idx.msk $0xffff, v61  }
0x1d: {  	[tilespmem:v0+s30+$0x0 ss:$0x1] =	vst.idx.msk $0xffff, v62  }
0x1e: {  	[tilespmem:v0+s31+$0x0 ss:$0x1] =	vst.idx.msk $0xffff, v63  }
.LBB2_8:
0x1f: {  	s15 =	sand.u32 $0x1FFFFFF, s10  }
0x20: {  	s16 =	smulhi.u32 $0x1A36E2F, s15;
	_ =	sdelay $0x1  }
0x21: {  	s16 =	sshrl.u32 s16, $0x6  }
0x22: {  	s16 =	smul.u32 $0x2710, s16;
	_ =	sdelay $0x1  }
0x23: {  	s15 =	ssub.s32 s15, s16  }
0x24: {  	s15 =	sshll.u32 s15, $0x4  }
0x25: {  	s15 =	sadd.s32 s4, s15  }
0x26: {  	[hbm4b:s15+s8] =	stream.linear.scatter [tilespmem:s14], [sflag:$0x2], s13, $0x38;
	[tilespmem:$0x10000] =	vst v63  }
.LBB2_9:
0x27: {  	p1 =	slt.u32 s11, $0x2  }
0x28: {  	p2 =	sgt.s32 @!p1 s12, $0x2690  }
0x29: {  	s13 =	smov.u32 s12;
	s14 =	sshra.s32 @!p1 s12, $0x1F;
	p2 =	por !p2, p1  }
0x2a: {  	s12 =	sand.u32 @!p1 s14, s12;
	s13 =	simm.s32 @p2 $0x2690  }
0x2b: {  	s12 =	ssub.s32 @!p1 s13, s12  }
0x2c: {  	s12 =	sadd.s32 @!p1 $0xFFFFD970, s12  }
0x2d: {  	s13 =	sshll.u32 @!p1 s12, $0x9  }
0x2e: {  	p2 =	sgt.s32 @!p1 s12, $0x7F;
	s12 =	ssub.s32 @!p1 $0x10000, s13  }
0x2f: {  	s14 =	sadd.s32 $0x1000, s9;
	p2 =	por !p2, p1;
	s12 =	sshrl.u32 @!p1 s12, $0x2  }
0x30: {  	s12 =	simm.s32 @!p2 $0x0;
	p2 =	sgt.s32 s14, $0x270F  }
0x31: {  	s14 =	smov.u32 @p2 s3;
	p2 =	sne.s32 s11, s7  }
.Ltmp1:
0x32: {  	_ = 	snop;
	(pc) =	sbr.rel @!p2 .LBB2_10-.Ltmp1, $4  }
0x33: {  	s13 =	simm.s32 @!p1 $0x2  }
0x34: {  	_ =	swait.ge @!p1 [sflag:s13], s12;
	s15 =	ssub.s32 @!p1 $0x0, s12  }
0x35: {  	s12 =	smov.u32 s10;
	s11 =	sadd.s32 $0x1, s11;
	[sflag:s13] =	ssyncset.done @!p1 $0x0  }
0x36: {  	s10 =	smov.u32 s9;
	s9 =	smov.u32 s14;
	[sflag:s13] =	ssyncadd.s32 @!p1 s15  }
.LBB2_1:
0x37: {  	p1 =	sgt.u32 s11, s6  }
0x38: {  	s13 =	sand.u32 @!p1 $0x1FFFFFF, s9  }
0x39: {  	p2 =	sgt.s32 @!p1 s9, $0x2690;
	s14 =	smulhi.u32 @!p1 $0x1A36E2F, s13  }
0x3a: {  	s15 =	smov.u32 s9;
	s16 =	sshra.s32 @!p1 s9, $0x1F;
	p2 =	por !p2, p1  }
0x3b: {  	s16 =	sand.u32 @!p1 s16, s9;
	s15 =	simm.s32 @p2 $0x2690;
	s14 =	sshrl.u32 @!p1 s14, $0x6  }
0x3c: {  	s15 =	ssub.s32 @!p1 s15, s16;
	s14 =	smul.u32 @!p1 $0x2710, s14  }
0x3d: {  	s16 =	sxor.u32 @!p1 $0xFFFFFFFF, s11;
	s15 =	sadd.s32 @!p1 $0xFFFFD970, s15  }
0x3e: {  	s16 =	sshll.u32 @!p1 s16, $0xE;
	s13 =	ssub.s32 @!p1 s13, s14;
	s14 =	sshll.u32 @!p1 s15, $0x9  }
0x3f: {  	s16 =	sand.u32 @!p1 $0x4000, s16;
	p2 =	sgt.s32 @!p1 s15, $0x7F;
	s14 =	ssub.s32 @!p1 $0x10000, s14  }
0x40: {  	p2 =	por !p2, p1;
	s13 =	sshll.u32 @!p1 s13, $0x4;
	s14 =	sshrl.u32 @!p1 s14, $0x2  }
0x41: {  	s15 =	simm.s32 @!p1 $0x0;
	s13 =	sadd.s32 @!p1 s2, s13;
	s14 =	simm.s32 @!p2 $0x0  }
0x42: {  	[tilespmem:s16], [sflag:$0x1] =	stream.linear.gather @!p1 [hbm4b:s13+s15], s14, $0x38;
	[tilespmem:$0x10000] =	vst v63  }
0x43: {  	p1 =	seq.s32 s11, $0x0  }
0x44: {  	p2 =	sge.u32 @!p1 s11, s7  }
0x45: {  	p1 =	por p1, p2  }
.Ltmp2:
0x46: {  	_ = 	snop;
	(pc) =	sbr.rel @p1 .LBB2_9-.Ltmp2, $1  }
0x47: {  	_ =	sdelay $0x3  }
0x48: {  	p1 =	sgt.s32 s10, $0x2690;
	s13 =	smov.u32 s10;
	s14 =	sshra.s32 s10, $0x1F  }
0x49: {  	s13 =	simm.s32 @!p1 $0x2690;
	s14 =	sand.u32 s14, s10  }
0x4a: {  	s13 =	ssub.s32 s13, s14  }
0x4b: {  	s13 =	sadd.s32 $0xFFFFD970, s13  }
0x4c: {  	s31 =	sshll.u32 s13, $0x9  }
0x4d: {  	s14 =	ssub.s32 $0x10000, s31  }
0x4e: {  	p1 =	sgt.s32 s13, $0x7F;
	s13 =	sshrl.u32 s14, $0x2;
	s14 =	sadd.s32 $0x80, s10  }
0x4f: {  	s13 =	simm.s32 @p1 $0x0;
	p1 =	slt.s32 s14, $0x2710  }
0x50: {  	s14 =	simm.s32 @!p1 $0x2710  }
0x51: {  	s16 =	ssub.s32 s14, s10  }
0x52: {  	p1 =	slt.s32 s16, $0x1  }
.Ltmp3:
0x53: {  	_ = 	snop;
	(pc) =	sbr.rel @p1 .LBB2_8-.Ltmp3, $4  }
0x54: {  	_ = 	snop  }
0x55: {  	s15 =	sshll.u32 s11, $0xE;
	_ =	swait.ge [sflag:s5], s13  }
0x56: {  	s15 =	sand.u32 $0x4000, s15;
	s17 =	ssub.s32 $0x0, s13;
	[sflag:s5] =	ssyncset.done $0x0  }
0x57: {  	s14 =	sor.u32 $0x8000, s15;
	[sflag:s5] =	ssyncadd.s32 s17  }
0x58: {  	p2 =	sne.s32 s16, $0x1  }
.Ltmp4:
0x59: {  	v1 =	vmov s15;
	v0 =	vmov s14;
	(pc) =	sbr.rel @!p2 .LBB2_4-.Ltmp4, $3  }
0x5a: {  	_ =	sdelay $0x1  }
0x5b: {  	s17 =	simm.s32 $0x0  }
0x5c: {  	s23 =	sadd.s32 $0xFFFFFFFF, s16;
	p1 =	por $0x0, $0x0;
	s15 =	sand.u32 $0x3F80, s17  }
0x5d: {  	_ =	sdelay $0x3  }
0x5e: {  	v6 =	vld.idx.msk [tilespmem:v1+s15+$0x0 ss:$0x1], $0xffff;
	s24 =	sor.u32 $0x70, s15  }
0x5f: {  	s16 =	sor.u32 $0x10, s15;
	v8 =	vld.idx.msk [tilespmem:v1+s24+$0x0 ss:$0x1], $0xffff  }
0x60: {  	s17 =	sor.u32 $0x20, s15;
	p2 =	sne.s32 s23, $0x1;
	v2 =	vld.idx.msk [tilespmem:v1+s16+$0x0 ss:$0x1], $0xffff  }
.Ltmp5:
0x61: {  	s18 =	sor.u32 $0x30, s15;
	v4 =	vld.idx.msk [tilespmem:v1+s17+$0x0 ss:$0x1], $0xffff;
	(pc) =	sbr.rel @!p2 .LBB2_7-.Ltmp5, $4  }
0x62: {  	s19 =	sor.u32 $0x40, s15;
	v3 =	vld.idx.msk [tilespmem:v1+s18+$0x0 ss:$0x1], $0xffff  }
0x63: {  	s21 =	sor.u32 $0x60, s15;
	v5 =	vld.idx.msk [tilespmem:v1+s19+$0x0 ss:$0x1], $0xffff  }
0x64: {  	s20 =	sor.u32 $0x50, s15;
	s22 =	simm.s32 $0x80;
	v7 =	vld.idx.msk [tilespmem:v1+s21+$0x0 ss:$0x1], $0xffff;
	[tilespmem:v0+s15+$0x0 ss:$0x1] =	vst.idx.msk $0xffff, v6  }
0x65: {  	s23 =	sadd.s32 $0xFFFFFFFF, s23;
	p1 =	por $0x1, $0x1;
	v6 =	vld.idx.msk [tilespmem:v1+s20+$0x0 ss:$0x1], $0xffff;
	s15 =	sand.u32 $0x3F80, s22;
	[tilespmem:v0+s24+$0x0 ss:$0x1] =	vst.idx.msk $0xffff, v8  }
.LBB2_6:
0x66: {  	p2 =	sne.s32 s23, $0x1;
	v8 =	vld.idx.msk [tilespmem:v1+s15+$0x0 ss:$0x1], $0xffff;
	s24 =	sor.u32 $0x70, s15;
	[tilespmem:v0+s16+$0x0 ss:$0x1] =	vst.idx.msk $0xffff, v2;
	s16 =	sor.u32 $0x10, s15  }
0x67: {  	s25 =	sor.u32 $0x30, s15;
	s26 =	sor.u32 $0x40, s15;
	v9 =	vld.idx.msk [tilespmem:v1+s24+$0x0 ss:$0x1], $0xffff;
	[tilespmem:v0+s17+$0x0 ss:$0x1] =	vst.idx.msk $0xffff, v4;
	s17 =	sor.u32 $0x20, s15  }
0x68: {  	s28 =	sor.u32 $0x50, s15;
	s29 =	sor.u32 $0x60, s15;
	v2 =	vld.idx.msk [tilespmem:v1+s16+$0x0 ss:$0x1], $0xffff;
	[tilespmem:v0+s18+$0x0 ss:$0x1] =	vst.idx.msk $0xffff, v3;
	s18 =	smov.u32 s25  }
.Ltmp6:
0x69: {  	v4 =	vld.idx.msk [tilespmem:v1+s17+$0x0 ss:$0x1], $0xffff;
	[tilespmem:v0+s19+$0x0 ss:$0x1] =	vst.idx.msk $0xffff, v5;
	s19 =	smov.u32 s26;
	(pc) =	sbr.rel @p2 .LBB2_6-.Ltmp6, $4  }
0x6a: {  	v3 =	vld.idx.msk [tilespmem:v1+s18+$0x0 ss:$0x1], $0xffff;
	[tilespmem:v0+s20+$0x0 ss:$0x1] =	vst.idx.msk $0xffff, v6;
	s20 =	smov.u32 s28  }
0x6b: {  	v5 =	vld.idx.msk [tilespmem:v1+s19+$0x0 ss:$0x1], $0xffff;
	[tilespmem:v0+s21+$0x0 ss:$0x1] =	vst.idx.msk $0xffff, v7;
	s21 =	smov.u32 s29  }
0x6c: {  	s22 =	sadd.s32 $0x80, s22;
	[tilespmem:v0+s15+$0x0 ss:$0x1] =	vst.idx.msk $0xffff, v8;
	v6 =	vld.idx.msk [tilespmem:v1+s20+$0x0 ss:$0x1], $0xffff  }
0x6d: {  	s23 =	sadd.s32 $0xFFFFFFFF, s23;
	s15 =	sand.u32 $0x3F80, s22;
	v7 =	vld.idx.msk [tilespmem:v1+s21+$0x0 ss:$0x1], $0xffff;
	[tilespmem:v0+s24+$0x0 ss:$0x1] =	vst.idx.msk $0xffff, v9  }
.Ltmp7:
0x6e: {  	_ = 	snop;
	(pc) =	sbr.rel .LBB2_7-.Ltmp7, $1  }
0x6f: {  	_ =	sdelay $0x3  }
.LBB2_10:
0x70: {  	_ =	sfence.sel $0x180000  }
0x71: {  	s2 =	simm.s32 $0x1;
	[bflag:$0x0] =	sbarrier.arrive $0xFFFF  }
0x72: {  	s31 =	simm.s32 $0x2;
	[sflag:s2] =	ssyncpa.u1 $0x1  }
0x73: {  	[sflag:s31] =	ssyncpa.u1 $0x1  }
0x74: {  	_ =	strace $0x9000004D  }
0x75: {  	s0 =	sadd.s32 @!p0 $0x100000, s0;
	[bflag:$0x2] =	sbarrier.arrive $0xFFFF  }
0x76: {  	[sflag:s0] =	ssyncadd.tile.s32 @!p0 $0x1;
	s0 =	simm.s32 @!p0 $0x3F  }
0x77: {  	_ =	swait.ge @!p0 [sflag:s0], s1  }
0x78: {  	s1 =	ssub.s32 @!p0 $0x0, s1;
	[sflag:s0] =	ssyncset.done @!p0 $0x0  }
0x79: {  	[sflag:s0] =	ssyncadd.s32 @!p0 s1  }
0x7a: {  	[bflag:$0x3] =	sbarrier.arrive $0xFFFF  }
0x7b: {  	_ =	shalt  }
.Lfunc_end2:
execute1_lowered:
.L_overlay_start_2:
0x7c: {  	(tag) =	ssettag $0x2  }
0x7d: {  	s2 =	rddreg [dreg:$0x0]  }
0x7e: {  	s3 =	rddreg [dreg:$0x1];
	_ =	strace $0x80000050;
	s0 =	simm.s32 $0x1  }
0x7f: {  	v0 =	vimm.s32 $0x0;
	[sflag:s0] =	ssyncpa.u1 $0x0;
	s0 =	simm.s32 $0x108  }
0x80: {  	[tilespmem:s0+$0x70] =	vst v0  }
0x81: {  	[tilespmem:s0+$0x60] =	vst v0  }
0x82: {  	[tilespmem:s0+$0x50] =	vst v0  }
0x83: {  	[tilespmem:s0+$0x40] =	vst v0  }
0x84: {  	s1 =	sadd.s32 $0x51DA00, s2;
	[tilespmem:s0+$0x30] =	vst v0  }
0x85: {  	s15 =	sadd.s32 $0x4F5C00, s2;
	s6 =	sadd.s32 $0x9E00, s2;
	[tilespmem:s0+$0x20] =	vst v0  }
0x86: {  	s14 =	sadd.s32 $0x4FFA00, s2;
	s5 =	sand.u32 $0x1, s3;
	s3 =	simm.s32 $0x40;
	[tilespmem:s0+$0x10] =	vst v0  }
.LBB3_1:
0x87: {  	s3 =	sadd.s32 $0x40, s3;
	[tilespmem:s0+$0x0] =	vst v0;
	s0 =	sadd.s32 $0x80, s0  }
0x88: {  	p0 =	slt.u32 s3, $0x3C40;
	[tilespmem:s0+$0x70] =	vst v0  }
0x89: {  	[tilespmem:s0+$0x60] =	vst v0  }
.Ltmp8:
0x8a: {  	[tilespmem:s0+$0x50] =	vst v0;
	(pc) =	sbr.rel @p0 .LBB3_1-.Ltmp8, $4  }
0x8b: {  	[tilespmem:s0+$0x40] =	vst v0  }
0x8c: {  	[tilespmem:s0+$0x30] =	vst v0  }
0x8d: {  	[tilespmem:s0+$0x20] =	vst v0  }
0x8e: {  	[tilespmem:s0+$0x10] =	vst v0  }
0x8f: {  	s9 =	stileid.u32  }
0x90: {  	s2 =	smul.u32 $0x29, s9  }
0x91: {  	s3 =	smin.u32 s9, $0xB  }
0x92: {  	s2 =	sadd.s32 s3, s2  }
0x93: {  	p0 =	slt.u32 s9, $0xB;
	s7 =	smul.u32 $0xF0, s2;
	s2 =	simm.s32 $0x2760  }
0x94: {  	s2 =	simm.s32 @!p0 $0x2670  }
0x95: {  	s2 =	sadd.s32 s2, s7  }
0x96: {  	s8 =	smin.u32 s2, $0x27100  }
0x97: {  	s2 =	ssub.s32 s8, s7  }
0x98: {  	p0 =	sgt.s32 s2, $0x0  }
0x99: {  	s29 =	simm.s32 $0x2;
	s10 =	simm.s32 $0x9;
	s2 =	simm.s32 @!p0 $0x0  }
0x9a: {  	s4 =	simm.s32 $0xA;
	s11 =	simm.s32 $0xB;
	s28 =	smulhi.u32 $0x88888889, s2  }
0x9b: {  	[dreg:$0x4] =	wrdreg s5;
	s31 =	smul.u32 $0x4E20, s5;
	s12 =	simm.s32 $0x1  }
0x9c: {  	s22 =	simm.s32 $0x0;
	s18 =	simm.s32 $0xC;
	s30 =	sshrl.u32 s28, $0x7  }
0x9d: {  	s20 =	simm.s32 $0x0;
	s21 =	simm.s32 $0x0;
	s3 =	smul.u32 $0xF0, s30  }
.Ltmp9:
0x9e: {  	[tilespmem:s0+$0x0] =	vst v0;
	v0 =	vimm.s32 $0xFFFFFFFF;
	[sflag:s29] =	ssyncpa.u1 $0x0;
	s16 =	sshll.u32 s9, $0x8;
	(pc) =	sbr.rel .LBB3_3-.Ltmp9, $4  }
0x9f: {  	[tilespmem:$0xF208] =	vst v0;
	[sflag:s10] =	ssyncpa.u1 $0x0;
	p0 =	sne.s32 s2, s3;
	s2 =	simm.s32 $0x1  }
0xa0: {  	s14 =	sadd.s32 s31, s14;
	[sflag:s4] =	ssyncpa.u1 $0x0;
	s2 =	simm.s32 @!p0 $0x0  }
0xa1: {  	s15 =	sadd.s32 s31, s15;
	[sflag:s11] =	ssyncpa.u1 $0x0;
	s13 =	sadd.s32 s2, s30  }
0xa2: {  	v0 =	vlaneseq.u32;
	s19 =	smov.u32 s7;
	p0 =	por $0x0, $0x0;
	s17 =	sadd.s32 $0x1, s13  }
.LBB3_18:
0xa3: {  	s0 =	sshrl.u32 s31, $0x2  }
.LBB3_20:
0xa4: {  	_ =	swait.ge [sflag:s18], s0  }
0xa5: {  	s31 =	ssub.s32 $0x0, s0;
	v1 =	vmov s24;
	vm0 =	veq.s32 v0, $0x0;
	[sflag:s18] =	ssyncset.done $0x0  }
0xa6: {  	vm15 =	veq.s32 v0, $0x2;
	v1 =	vsel vm0, s30, v1;
	[sflag:s18] =	ssyncadd.s32 s31  }
0xa7: {  	v1 =	vsel vm15, s22, v1;
	[sflag:s18] =	ssyncpa.u1 $0x1  }
0xa8: {  	[tilespmem:$0xF208] =	vst v1  }
.LBB3_21:
0xa9: {  	s0 =	sadd.s32 $0xF0, s19  }
0xaa: {  	s2 =	smov.u32 s7;
	p1 =	slt.s32 s0, s8  }
0xab: {  	s2 =	smov.u32 @p1 s0;
	p1 =	sne.s32 s21, s17  }
.Ltmp10:
0xac: {  	_ = 	snop;
	(pc) =	sbr.rel @!p1 .LBB3_22-.Ltmp10, $3  }
0xad: {  	_ =	sdelay $0x1  }
0xae: {  	s22 =	smov.u32 s20;
	s31 =	sadd.s32 $0x1, s21;
	s20 =	smov.u32 s19  }
0xaf: {  	p0 =	por !p0, !p0;
	s21 =	smov.u32 s31;
	s19 =	smov.u32 s2  }
.LBB3_3:
0xb0: {  	p1 =	sge.u32 s21, s13  }
0xb1: {  	s0 =	smulhi.u32 @!p1 $0xAAAAAAAB, s21  }
0xb2: {  	s2 =	smov.u32 s19;
	p2 =	sgt.s32 @!p1 s19, $0x27010  }
0xb3: {  	s3 =	sshra.s32 @!p1 s19, $0x1F;
	p2 =	por !p2, p1;
	s0 =	sshrl.u32 @!p1 s0, $0x1  }
0xb4: {  	s3 =	sand.u32 @!p1 s3, s19;
	s2 =	simm.s32 @p2 $0x27010;
	s0 =	smul.u32 @!p1 $0x3, s0  }
0xb5: {  	s2 =	ssub.s32 @!p1 s2, s3  }
0xb6: {  	s2 =	sadd.s32 @!p1 $0xFFFD8FF0, s2;
	s0 =	ssub.s32 @!p1 s21, s0  }
0xb7: {  	s3 =	sshll.u32 @!p1 s2, $0x2;
	p2 =	sgt.s32 @!p1 s2, $0xEF;
	s0 =	smul.u32 @!p1 $0x3C0, s0  }
0xb8: {  	s4 =	sand.u32 @!p1 $0x7, s19;
	s2 =	ssub.s32 @!p1 $0x3C0, s3;
	p2 =	por !p2, p1  }
0xb9: {  	s3 =	sshrl.u32 @!p1 s19, $0x3;
	s2 =	sshrl.u32 @!p1 s2, $0x2;
	s0 =	sshrl.u32 @!p1 s0, $0x2  }
0xba: {  	s3 =	sadd.s32 @!p1 s3, s14;
	s2 =	simm.s32 @!p2 $0x0;
	s0 =	sadd.s32 @!p1 $0x10248, s0  }
0xbb: {  	[tilespmem:s0], [sflag:$0xA] =	stream.linear.gather @!p1 [hbm4b:s3+s4], s2, $0x38;
	[tilespmem:$0x1F6F8] =	vst v63  }
0xbc: {  	s0 =	sadd.s32 $0xFFFFFFFF, s21  }
0xbd: {  	p1 =	sge.u32 s0, s13  }
0xbe: {  	p2 =	sgt.s32 @!p1 s20, $0x27010  }
0xbf: {  	s2 =	smov.u32 s20;
	s3 =	sshra.s32 @!p1 s20, $0x1F;
	p2 =	por !p2, p1  }
0xc0: {  	s3 =	sand.u32 @!p1 s3, s20;
	s2 =	simm.s32 @p2 $0x27010  }
0xc1: {  	s2 =	ssub.s32 @!p1 s2, s3  }
0xc2: {  	s2 =	sadd.s32 @!p1 $0xFFFD8FF0, s2  }
0xc3: {  	s4 =	sand.u32 @!p1 $0x1, s0;
	s3 =	sshll.u32 @!p1 s2, $0x2  }
0xc4: {  	p2 =	sgt.s32 @!p1 s2, $0xEF;
	s2 =	ssub.s32 @!p1 $0x3C0, s3;
	s3 =	smulhi.u32 @!p1 $0xAAAAAAAB, s0  }
0xc5: {  	s23 =	smul.u32 @!p1 $0x3C0, s4;
	p2 =	por !p2, p1;
	s2 =	sshrl.u32 @!p1 s2, $0x2  }
0xc6: {  	s5 =	simm.s32 @!p1 $0xA;
	s2 =	simm.s32 @!p2 $0x0;
	s3 =	sshrl.u32 @!p1 s3, $0x1  }
0xc7: {  	s23 =	sshrl.u32 @!p1 s23, $0x2;
	_ =	swait.ge @!p1 [sflag:s5], s2;
	s3 =	smul.u32 @!p1 $0x3, s3  }
0xc8: {  	s23 =	sadd.s32 @!p1 $0x10518, s23;
	s24 =	ssub.s32 @!p1 $0x0, s2;
	[sflag:s5] =	ssyncset.done @!p1 $0x0  }
0xc9: {  	[sflag:s5] =	ssyncadd.s32 @!p1 s24;
	s5 =	sshrl.u32 @!p1 s20, $0x3;
	s0 =	ssub.s32 @!p1 s0, s3  }
0xca: {  	s24 =	sand.u32 @!p1 $0x7, s20;
	s5 =	sadd.s32 @!p1 s5, s15;
	s0 =	smul.u32 @!p1 $0x3C0, s0  }
0xcb: {  	[tilespmem:s23], [sflag:$0xB] =	stream.linear.gather @!p1 [hbm4b:s5+s24], s2, $0x38;
	[tilespmem:$0x1F6F8] =	vst v63  }
0xcc: {  	s3 =	ssub.s32 @!p1 $0x27100, s20;
	s2 =	smul.u32 @!p1 $0x1E000, s4  }
0xcd: {  	p2 =	slt.s32 @!p1 s3, $0xF0  }
0xce: {  	p2 =	por !p2, p1;
	s0 =	sshrl.u32 @!p1 s0, $0x2;
	s2 =	sshrl.u32 @!p1 s2, $0x2  }
0xcf: {  	s3 =	simm.s32 @p2 $0xF0;
	s0 =	sadd.s32 @!p1 $0x10248, s0;
	s2 =	sor.u32 @!p1 $0x106F8, s2  }
0xd0: {  	[tilespmem:s2], [sflag:$0x9] =	stream.indirect.gather @!p1 [hbm4b:s6+s3], $0x80, s0, s3, $0xb8;
	[tilespmem:$0x1F6F8] =	vst v63  }
0xd1: {  	p1 =	slt.u32 s21, $0x2  }
.Ltmp11:
0xd2: {  	_ = 	snop;
	(pc) =	sbr.rel @p1 .LBB3_21-.Ltmp11, $1  }
0xd3: {  	_ =	sdelay $0x3  }
0xd4: {  	p1 =	sgt.s32 s22, $0x27010  }
0xd5: {  	s0 =	smov.u32 s22;
	s2 =	sshra.s32 s22, $0x1F;
	s3 =	ssub.s32 $0x27100, s22  }
0xd6: {  	s0 =	simm.s32 @!p1 $0x27010;
	s2 =	sand.u32 s2, s22;
	p1 =	slt.s32 s3, $0xF0  }
0xd7: {  	s0 =	ssub.s32 s0, s2;
	s3 =	simm.s32 @!p1 $0xF0  }
0xd8: {  	s0 =	sadd.s32 $0xFFFD8FF0, s0;
	s25 =	sshll.u32 s3, $0x7  }
0xd9: {  	s26 =	sshll.u32 s0, $0x2;
	s2 =	sand.u32 $0x3FFFFF80, s25  }
0xda: {  	p1 =	sgt.s32 s0, $0xEF;
	s29 =	ssub.s32 $0x3C0, s26;
	_ =	swait.ge [sflag:s10], s2  }
0xdb: {  	s2 =	ssub.s32 $0x0, s2;
	[sflag:s10] =	ssyncset.done $0x0;
	s0 =	sshrl.u32 s29, $0x2  }
0xdc: {  	[sflag:s10] =	ssyncadd.s32 s2;
	s0 =	simm.s32 @p1 $0x0  }
0xdd: {  	_ =	swait.ge [sflag:s11], s0  }
0xde: {  	s0 =	ssub.s32 $0x0, s0;
	[sflag:s11] =	ssyncset.done $0x0  }
0xdf: {  	[sflag:s11] =	ssyncadd.s32 s0  }
0xe0: {  	v1 =	vld [tilespmem:$0xF208];
	_ =	sdelay $0x4  }
0xe1: {  	(v2sf) =	vpush v1, $0x0  }
0xe2: {  	(v2sf) =	vpush v1, $0x1  }
0xe3: {  	(v2sf) =	vpush v1, $0x2;
	_ =	sdelay $0x3  }
0xe4: {  	s0 =	sadd.s32 $0xF0, s22  }
0xe5: {  	s2 =	ssub.s32 $0x4E200, s22;
	p1 =	slt.s32 s8, s0  }
0xe6: {  	s0 =	smov.u32 @p1 s8;
	p1 =	sgt.s32 s2, $0x0  }
0xe7: {  	s26 =	ssub.s32 s0, s22;
	s2 =	simm.s32 @!p1 $0x0  }
0xe8: {  	p1 =	slt.s32 s2, s26  }
0xe9: {  	s26 =	smov.u32 @p1 s2  }
0xea: {  	s25 =	simm.s32 $0x1;
	p1 =	slt.s32 s26, $0x1  }
.Ltmp12:
0xeb: {  	s25 =	simm.s32 @!p0 $0x0;
	(pc) =	sbr.rel @p1 .LBB3_8-.Ltmp12, $4  }
0xec: {  	s31 =	smul.u32 $0x3C0, s25  }
0xed: {  	s28 =	spop (v2sf)  }
0xee: {  	s0 =	sshrl.u32 s31, $0x2;
	s30 =	spop (v2sf)  }
0xef: {  	s23 =	sadd.s32 $0x10518, s0;
	s22 =	spop (v2sf)  }
0xf0: {  	s0 =	smin.u32 s26, $0x10  }
0xf1: {  	v1 =	vmov s0  }
0xf2: {  	p2 =	sgt.s32 s26, $0x10;
	vm1 =	vgt.u32 v1, v0  }
.Ltmp13:
0xf3: {  	_ = 	snop;
	(pc) =	sbr.rel @!p2 .LBB3_7-.Ltmp13, $2  }
0xf4: {  	_ =	sdelay $0x2  }
0xf5: {  	s4 =	simm.s32 $0x10;
	s24 =	sadd.s32 $0xFFFFFFF0, s26;
	s0 =	smov.u32 s23;
	vm0 =	vmmov vm1  }
.LBB3_6:
0xf6: {  	s2 =	smin.u32 s24, $0x10;
	s4 =	sadd.s32 $0x10, s4;
	v1 =	vld.msk [tilespmem:s0+$0x0 ss:$0x1], vm1  }
0xf7: {  	v2 =	vmov s2;
	p2 =	slt.s32 s4, s26  }
0xf8: {  	vm1 =	vgt.u32 v2, v0  }
.Ltmp14:
0xf9: {  	(pc) =	sbr.rel @p2 .LBB3_6-.Ltmp14, $3  }
0xfa: {  	_ =	sdelay $0x1  }
0xfb: {  	v1 =	vshll.u32 v1, $0x4  }
0xfc: {  	s24 =	sadd.s32 $0xFFFFFFF0, s24;
	[tilespmem:s0+$0x0] =	vst.msk vm0, v1;
	s0 =	sadd.s32 $0x10, s0;
	vm0 =	vmmov vm1  }
.LBB3_7:
0xfd: {  	_ =	sdelay $0x4  }
0xfe: {  	v1 =	vld.msk [tilespmem:s0+$0x0 ss:$0x1], vm1;
	_ =	sdelay $0x4  }
0xff: {  	v1 =	vshll.u32 v1, $0x4  }
0x100: {  	[tilespmem:s0+$0x0] =	vst.msk vm0, v1  }
.LBB3_8:
0x101: {  	s0 =	sand.u32 $0x1, s21  }
0x102: {  	s0 =	smul.u32 $0xF0, s0  }
0x103: {  	p2 =	sne.s32 s30, $0xFFFFFFFF  }
0x104: {  	v1 =	vld.msk @!p2 [tilespmem:s0+$0x10518], $0x1;
	_ =	sdelay $0x4  }
0x105: {  	(v2sf) =	vpush @!p2 v1, $0x0;
	_ =	sdelay $0xc  }
.Ltmp15:
0x106: {  	_ = 	snop;
	(pc) =	sbr.rel @p1 .LBB3_19-.Ltmp15, $4  }
0x107: {  	_ = 	snop  }
0x108: {  	s29 =	spop @!p2 (v2sf)  }
0x109: {  	s22 =	simm.s32 @!p2 $0x0;
	s24 =	smov.u32 s29  }
0x10a: {  	[sflag:s18] =	ssyncpa.u1 $0x0;
	s29 =	smov.u32 @p2 s28;
	s24 =	smov.u32 @p2 s30  }
0x10b: {  	v1 =	vld.msk [tilespmem:s23+$0x0], $0x1;
	_ =	sdelay $0x4  }
0x10c: {  	(v2sf) =	vpush v1, $0x0;
	_ =	sdelay $0xe  }
0x10d: {  	s2 =	smul.u32 $0x1E000, s25;
	s0 =	spop (v2sf)  }
0x10e: {  	s26 =	ssub.s32 $0x0, s26;
	p1 =	seq.s32 s29, s0  }
0x10f: {  	s30 =	sadd.s32 $0x1, s26;
	s2 =	sshrl.u32 s2, $0x2;
	p2 =	sgt.s32 @!p1 s29, $0x0  }
0x110: {  	s25 =	sor.u32 $0x10738, s2;
	s2 =	smov.u32 s29;
	p2 =	por !p2, p1  }
0x111: {  	s2 =	simm.s32 @p2 $0x0;
	p2 =	seq.s32 s30, $0x0  }
.Ltmp16:
0x112: {  	_ = 	snop;
	(pc) =	sbr.rel @p2 .LBB3_11-.Ltmp16, $4  }
0x113: {  	_ = 	snop  }
0x114: {  	s28 =	simm.s32 $0x0;
	s31 =	sadd.s32 $0x1, s23;
	s2 =	smin.u32 @!p1 s2, $0x270F0  }
0x115: {  	s4 =	simm.s32 @!p1 $0x1;
	s5 =	simm.s32 @!p1 $0x7988;
	s3 =	sand.u32 @!p1 $0x3FFF8, s2  }
0x116: {  	s4 =	smov.u32 @p1 s28;
	s2 =	sand.u32 @!p1 $0x7, s2;
	s3 =	sadd.s32 @!p1 s1, s3  }
.LBB3_10:
0x117: {  	s9 =	smov.u32 s4  }
0x118: {  	[tilespmem:s5], [sflag:$0x2] =	stream.linear.gather @!p1 [hbm4b:s3+s2], $0x80, $0x38;
	[tilespmem:$0x1F6F8] =	vst v63  }
0x119: {  	s30 =	sadd.s32 $0x1, s30;
	s2 =	smov.u32 s0;
	v1 =	vld.msk [tilespmem:s31+$0x0], $0x1  }
0x11a: {  	p2 =	seq.s32 s30, $0x0;
	_ =	sdelay $0x3  }
0x11b: {  	(v2sf) =	vpush v1, $0x0;
	_ =	sdelay $0xe  }
0x11c: {  	s0 =	spop (v2sf)  }
0x11d: {  	p1 =	seq.s32 s2, s0  }
0x11e: {  	p3 =	sgt.s32 @!p1 s2, $0x0;
	s3 =	sshll.u32 @!p1 s4, $0x9;
	s4 =	sadd.s32 @!p1 $0x1, s4  }
.Ltmp17:
0x11f: {  	p3 =	por !p3, p1;
	s3 =	sshra.s32 @!p1 s3, $0x2;
	(pc) =	sbr.rel @!p2 .LBB3_10-.Ltmp17, $4  }
0x120: {  	s4 =	smov.u32 @p1 s9;
	s2 =	simm.s32 @p3 $0x0;
	s5 =	sadd.s32 @!p1 $0x7988, s3  }
0x121: {  	s2 =	smin.u32 @!p1 s2, $0x270F0  }
0x122: {  	s3 =	sand.u32 @!p1 $0x3FFF8, s2;
	s2 =	sand.u32 @!p1 $0x7, s2  }
0x123: {  	s31 =	sadd.s32 $0x1, s31;
	s3 =	sadd.s32 @!p1 s1, s3  }
.LBB3_11:
0x124: {  	[tilespmem:s5], [sflag:$0x2] =	stream.linear.gather @!p1 [hbm4b:s3+s2], $0x80, $0x38;
	[tilespmem:$0x1F6F8] =	vst v63  }
.Ltmp18:
0x125: {  	s0 =	sshll.u32 s4, $0x7;
	(pc) =	sbr.rel .LBB3_12-.Ltmp18, $4  }
0x126: {  	s30 =	simm.s32 $0x2;
	s0 =	sand.u32 $0x3FFFFF80, s0  }
0x127: {  	_ =	swait.ge [sflag:s30], s0  }
0x128: {  	s0 =	ssub.s32 $0x0, s0;
	[sflag:s30] =	ssyncset.done $0x0  }
0x129: {  	s31 =	simm.s32 $0x0;
	[sflag:s30] =	ssyncadd.s32 s0  }
.LBB3_13:
0x12a: {  	v1 =	vld [tilespmem:s25+$0xFFFFFFC0];
	_ =	sdelay $0x3  }
0x12b: {  	s0 =	sshra.s32 s0, $0x2  }
0x12c: {  	[tilespmem:s0+$0x108] =	vst.add.f32.msk $0xffff, v1  }
0x12d: {  	v1 =	vld [tilespmem:s25+$0xFFFFFFD0];
	_ =	sdelay $0x4  }
0x12e: {  	[tilespmem:s0+$0x118] =	vst.add.f32.msk $0xffff, v1  }
0x12f: {  	v1 =	vld [tilespmem:s25+$0xFFFFFFE0];
	_ =	sdelay $0x4  }
0x130: {  	[tilespmem:s0+$0x128] =	vst.add.f32.msk $0xffff, v1  }
0x131: {  	v1 =	vld [tilespmem:s25+$0xFFFFFFF0];
	_ =	sdelay $0x4  }
0x132: {  	[tilespmem:s0+$0x138] =	vst.add.f32.msk $0xffff, v1  }
0x133: {  	v1 =	vld [tilespmem:s25+$0x0];
	_ =	sdelay $0x4  }
0x134: {  	[tilespmem:s0+$0x148] =	vst.add.f32.msk $0xffff, v1  }
0x135: {  	v1 =	vld [tilespmem:s25+$0x10];
	_ =	sdelay $0x4  }
0x136: {  	[tilespmem:s0+$0x158] =	vst.add.f32.msk $0xffff, v1  }
0x137: {  	v1 =	vld [tilespmem:s25+$0x20];
	_ =	sdelay $0x4  }
0x138: {  	[tilespmem:s0+$0x168] =	vst.add.f32.msk $0xffff, v1  }
0x139: {  	v1 =	vld [tilespmem:s25+$0x30];
	_ =	sdelay $0x4  }
0x13a: {  	[tilespmem:s0+$0x178] =	vst.add.f32.msk $0xffff, v1  }
.LBB3_17:
0x13b: {  	s26 =	sadd.s32 $0x1, s26  }
0x13c: {  	p1 =	seq.s32 s26, $0x0  }
.Ltmp19:
0x13d: {  	_ = 	snop;
	(pc) =	sbr.rel @p1 .LBB3_18-.Ltmp19, $2  }
0x13e: {  	_ =	sdelay $0x2  }
0x13f: {  	s23 =	sadd.s32 $0x1, s23;
	s25 =	sadd.s32 $0x80, s25;
	s29 =	smov.u32 s30  }
.LBB3_12:
0x140: {  	v1 =	vld.msk [tilespmem:s23+$0x0], $0x1;
	_ =	sdelay $0x4  }
0x141: {  	(v2sf) =	vpush v1, $0x0;
	_ =	sdelay $0xe  }
0x142: {  	s30 =	spop (v2sf)  }
0x143: {  	p1 =	sne.s32 s29, s30  }
.Ltmp20:
0x144: {  	_ = 	snop;
	(pc) =	sbr.rel @!p1 .LBB3_13-.Ltmp20, $2  }
0x145: {  	_ =	sdelay $0x2  }
0x146: {  	s0 =	sshll.u32 s22, $0x9  }
0x147: {  	p1 =	seq.s32 s29, s24  }
.Ltmp21:
0x148: {  	_ = 	snop;
	(pc) =	sbr.rel @!p1 .LBB3_15-.Ltmp21, $1  }
0x149: {  	_ =	sdelay $0x3  }
0x14a: {  	s0 =	sshra.s32 s0, $0x2  }
.Ltmp22:
0x14b: {  	s0 =	sadd.s32 $0x108, s0;
	(pc) =	sbr.rel .LBB3_16-.Ltmp22, $4  }
0x14c: {  	[spmem:s16] =	stream.linear.scatter [tilespmem:s0], [sflag:$0x1], $0x80, $0x38;
	[tilespmem:$0x1F6F8] =	vst v63  }
0x14d: {  	_ =	swait.ge [sflag:s12], $0x80  }
0x14e: {  	[sflag:s12] =	ssyncset.done $0x0  }
0x14f: {  	[sflag:s12] =	ssyncadd.s32 $0xFFFFFF80  }
.LBB3_15:
0x150: {  	s2 =	sshll.u32 s28, $0x9  }
0x151: {  	s2 =	sshra.s32 s2, $0x2  }
0x152: {  	v1 =	vld [tilespmem:s2+$0x7988];
	_ =	sdelay $0x3  }
0x153: {  	s0 =	sshra.s32 s0, $0x2  }
0x154: {  	[tilespmem:s0+$0x108] =	vst.add.f32.msk $0xffff, v1  }
0x155: {  	v1 =	vld [tilespmem:s2+$0x7998];
	_ =	sdelay $0x4  }
0x156: {  	[tilespmem:s0+$0x118] =	vst.add.f32.msk $0xffff, v1  }
0x157: {  	v1 =	vld [tilespmem:s2+$0x79A8];
	_ =	sdelay $0x4  }
0x158: {  	[tilespmem:s0+$0x128] =	vst.add.f32.msk $0xffff, v1  }
0x159: {  	v1 =	vld [tilespmem:s2+$0x79B8];
	_ =	sdelay $0x4  }
0x15a: {  	[tilespmem:s0+$0x138] =	vst.add.f32.msk $0xffff, v1  }
0x15b: {  	v1 =	vld [tilespmem:s2+$0x79C8];
	_ =	sdelay $0x4  }
0x15c: {  	[tilespmem:s0+$0x148] =	vst.add.f32.msk $0xffff, v1  }
0x15d: {  	v1 =	vld [tilespmem:s2+$0x79D8];
	_ =	sdelay $0x4  }
0x15e: {  	[tilespmem:s0+$0x158] =	vst.add.f32.msk $0xffff, v1  }
0x15f: {  	v1 =	vld [tilespmem:s2+$0x79E8];
	_ =	sdelay $0x4  }
0x160: {  	[tilespmem:s0+$0x168] =	vst.add.f32.msk $0xffff, v1  }
0x161: {  	v1 =	vld [tilespmem:s2+$0x79F8];
	_ =	sdelay $0x2  }
0x162: {  	p1 =	sgt.u32 s29, $0x270F0  }
0x163: {  	s2 =	sand.u32 @!p1 $0x3FFF8, s29  }
0x164: {  	s3 =	sadd.s32 $0x108, s0;
	[tilespmem:s0+$0x178] =	vst.add.f32.msk $0xffff, v1;
	s0 =	sadd.s32 @!p1 s1, s2;
	s2 =	sand.u32 @!p1 $0x7, s29  }
0x165: {  	[hbm4b:s0+s2] =	stream.linear.scatter @!p1 [tilespmem:s3], [sflag:$0xC], $0x80, $0x38;
	[tilespmem:$0x1F6F8] =	vst v63  }
0x166: {  	s0 =	simm.s32 $0x0  }
0x167: {  	s0 =	simm.s32 @!p1 $0x200  }
0x168: {  	s31 =	sadd.s32 s0, s31  }
.LBB3_16:
0x169: {  	s0 =	sadd.s32 $0x1, s22  }
0x16a: {  	s2 =	smulhi.u32 $0x88888889, s0;
	_ =	sdelay $0x1  }
0x16b: {  	v1 =	vld [tilespmem:s25+$0xFFFFFFC0];
	s2 =	sshrl.u32 s2, $0x7  }
0x16c: {  	s2 =	smul.u32 $0xF0, s2;
	_ =	sdelay $0x1  }
0x16d: {  	s22 =	ssub.s32 s0, s2  }
0x16e: {  	s0 =	sshll.u32 s22, $0x7  }
0x16f: {  	[tilespmem:s0+$0x108] =	vst v1  }
0x170: {  	v1 =	vld [tilespmem:s25+$0xFFFFFFD0];
	_ =	sdelay $0x4  }
0x171: {  	[tilespmem:s0+$0x118] =	vst v1  }
0x172: {  	v1 =	vld [tilespmem:s25+$0xFFFFFFE0];
	_ =	sdelay $0x4  }
0x173: {  	[tilespmem:s0+$0x128] =	vst v1  }
0x174: {  	v1 =	vld [tilespmem:s25+$0xFFFFFFF0];
	_ =	sdelay $0x4  }
0x175: {  	[tilespmem:s0+$0x138] =	vst v1  }
0x176: {  	v1 =	vld [tilespmem:s25+$0x0];
	_ =	sdelay $0x4  }
0x177: {  	[tilespmem:s0+$0x148] =	vst v1  }
0x178: {  	v1 =	vld [tilespmem:s25+$0x10];
	_ =	sdelay $0x4  }
0x179: {  	[tilespmem:s0+$0x158] =	vst v1  }
0x17a: {  	v1 =	vld [tilespmem:s25+$0x20];
	_ =	sdelay $0x4  }
0x17b: {  	[tilespmem:s0+$0x168] =	vst v1  }
0x17c: {  	v1 =	vld [tilespmem:s25+$0x30]  }
.Ltmp23:
0x17d: {  	_ = 	snop;
	(pc) =	sbr.rel .LBB3_17-.Ltmp23, $2  }
0x17e: {  	_ =	sdelay $0x2  }
0x17f: {  	s28 =	sadd.s32 $0x1, s28;
	[tilespmem:s0+$0x178] =	vst v1  }
.LBB3_19:
.Ltmp24:
0x180: {  	(pc) =	sbr.rel .LBB3_20-.Ltmp24, $4  }
0x181: {  	_ = 	snop  }
0x182: {  	s0 =	simm.s32 $0x2  }
0x183: {  	_ =	swait.ge [sflag:s0], $0x0  }
0x184: {  	s30 =	smov.u32 s29;
	[sflag:s0] =	ssyncset.done $0x0;
	s0 =	simm.s32 $0x0  }
.LBB3_22:
0x185: {  	_ =	sfence.sel $0x180000  }
0x186: {  	s0 =	simm.s32 $0x9;
	[bflag:$0x0] =	sbarrier.arrive $0xFFFF  }
0x187: {  	s24 =	simm.s32 $0xA;
	[sflag:s0] =	ssyncpa.u1 $0x1  }
0x188: {  	s25 =	simm.s32 $0xB;
	[sflag:s24] =	ssyncpa.u1 $0x1  }
0x189: {  	s26 =	simm.s32 $0x2;
	[sflag:s25] =	ssyncpa.u1 $0x1  }
0x18a: {  	[sflag:s26] =	ssyncpa.u1 $0x1  }
0x18b: {  	v0 =	vld [tilespmem:$0xF208];
	_ =	sdelay $0x4  }
0x18c: {  	(v2sf) =	vpush v0, $0x0  }
0x18d: {  	(v2sf) =	vpush v0, $0x1;
	_ =	sdelay $0x1  }
0x18e: {  	(v2sf) =	vpush v0, $0x2;
	_ =	sdelay $0xb  }
0x18f: {  	s0 =	spop (v2sf)  }
0x190: {  	s2 =	spop (v2sf)  }
0x191: {  	s3 =	smov.u32 s0;
	p0 =	sne.s32 s0, s2  }
0x192: {  	s4 =	spop (v2sf);
	s3 =	simm.s32 @!p0 $0xFFFFFFFF  }
0x193: {  	v2 =	vimm.s32 $0x1;
	v3 =	vlaneseq.u32;
	p0 =	seq.s32 s4, $0xFFFFFFFF;
	v1 =	vmov s3  }
0x194: {  	s16 =	stileid.u32;
	v0 =	vperm.xlane v0, v2;
	p1 =	sne.s32 @!p0 s0, s2;
	v1 =	vperm.xlane v1, v3  }
0x195: {  	vm0 =	vcmask $0x3F04;
	s6 =	simm.s32 $0xF208;
	s0 =	simm.s32 @!p0 $0x1;
	p1 =	por !p1, p0  }
0x196: {  	s3 =	sshll.u32 s16, $0x1;
	s2 =	sshll.u32 @!p0 s4, $0x9;
	s0 =	simm.s32 @p1 $0x0;
	v0 =	vsel vm0, v1, v0  }
0x197: {  	s5 =	sor.u32 $0x1000, s3;
	s2 =	sshra.s32 @!p0 s2, $0x2;
	s0 =	sor.u32 @!p0 s0, s3;
	[tilespmem:$0xF208] =	vst v0  }
0x198: {  	[spmem:s5] =	stream.linear.scatter [tilespmem:s6], [sflag:$0x1], $0x2, $0x38;
	[tilespmem:$0x1F6F8] =	vst v63  }
0x199: {  	s2 =	sadd.s32 @!p0 $0x108, s2;
	s0 =	sshll.u32 @!p0 s0, $0x7  }
0x19a: {  	[spmem:s0] =	stream.linear.scatter @!p0 [tilespmem:s2], [sflag:$0x1], $0x80, $0x38;
	[tilespmem:$0x1F6F8] =	vst v63  }
0x19b: {  	s0 =	simm.s32 @!p0 $0x82  }
0x19c: {  	s28 =	simm.s32 $0x1;
	s0 =	simm.s32 @p0 $0x2  }
0x19d: {  	_ =	swait.ge [sflag:s28], s0  }
0x19e: {  	s0 =	ssub.s32 $0x0, s0;
	[sflag:s28] =	ssyncset.done $0x0  }
0x19f: {  	p0 =	sne.s32 s16, $0x0;
	[sflag:s28] =	ssyncadd.s32 s0  }
.Ltmp25:
0x1a0: {  	_ =	sfence.stream.spmem;
	(pc) =	sbr.rel @p0 .LBB3_39-.Ltmp25, $4  }
0x1a1: {  	s29 =	simm.s32 $0x3;
	[bflag:$0x0] =	sbarrier.arrive $0xFFFF  }
0x1a2: {  	s30 =	simm.s32 $0x4;
	[sflag:s29] =	ssyncpa.u1 $0x1  }
0x1a3: {  	s31 =	simm.s32 $0x3C;
	[sflag:s30] =	ssyncpa.u1 $0x1  }
0x1a4: {  	s15 =	rddreg [dreg:$0x4];
	[sflag:s31] =	ssyncpa.u1 $0x1  }
0x1a5: {  	_ =	sfence.stream.spmem;
	s0 =	simm.s32 $0x5  }
0x1a6: {  	s2 =	simm.s32 $0x1000;
	s3 =	simm.s32 $0xF218;
	[sflag:s0] =	ssyncpa.u1 $0x0  }
0x1a7: {  	[tilespmem:s3], [sflag:$0x5] =	stream.linear.gather [spmem:s2], $0x20, $0x38;
	[tilespmem:$0x1F6F8] =	vst v63  }
0x1a8: {  	s26 =	simm.s32 $0x0;
	s28 =	simm.s32 $0xF238  }
0x1a9: {  	[tilespmem:s28], [sflag:$0x5] =	stream.linear.gather [spmem:s26], $0x1000, $0x38;
	[tilespmem:$0x1F6F8] =	vst v63  }
0x1aa: {  	_ =	swait.ge [sflag:s0], $0x1020  }
0x1ab: {  	[sflag:s0] =	ssyncset.done $0x0  }
0x1ac: {  	s29 =	simm.s32 $0x0;
	[sflag:s0] =	ssyncadd.s32 $0xFFFFEFE0  }
0x1ad: {  	v0 =	vld.msk [tilespmem:s29+$0xF218], $0x1;
	_ =	sdelay $0x1  }
0x1ae: {  	s30 =	simm.s32 $0x1  }
0x1af: {  	v1 =	vld.msk [tilespmem:s30+$0xF218], $0x1;
	_ =	sdelay $0x1  }
0x1b0: {  	(v2sf) =	vpush v0, $0x0;
	_ =	sdelay $0x2  }
0x1b1: {  	(v2sf) =	vpush v1, $0x0;
	_ =	sdelay $0x2  }
0x1b2: {  	s31 =	simm.s32 $0x2  }
0x1b3: {  	v0 =	vld.msk [tilespmem:s31+$0xF218], $0x1;
	_ =	sdelay $0x2  }
0x1b4: {  	s4 =	simm.s32 $0xFFFFFFFF;
	s5 =	simm.s32 $0xFFFFFFFF;
	s0 =	simm.s32 $0xC  }
.LBB3_24:
0x1b5: {  	s2 =	smov.u32 s5;
	s3 =	smov.u32 s4  }
0x1b6: {  	s4 =	sshra.s32 s0, $0x2;
	p1 =	sne.s32 s0, $0x7C;
	s0 =	sadd.s32 $0x4, s0;
	(v2sf) =	vpush v0, $0x0  }
0x1b7: {  	v0 =	vld.msk [tilespmem:s4+$0xF218], $0x1  }
.Ltmp26:
0x1b8: {  	(pc) =	sbr.rel @p1 .LBB3_24-.Ltmp26, $4  }
0x1b9: {  	s5 =	spop (v2sf)  }
0x1ba: {  	p2 =	sne.s32 s3, $0xFFFFFFFF;
	s4 =	smov.u32 s5  }
0x1bb: {  	p3 =	seq.s32 s5, $0xFFFFFFFF;
	s4 =	smov.u32 @p2 s3  }
0x1bc: {  	s5 =	smov.u32 @p3 s2;
	s4 =	smov.u32 @p3 s3  }
0x1bd: {  	(v2sf) =	vpush v0, $0x0;
	_ =	sdelay $0x8  }
0x1be: {  	s0 =	spop (v2sf)  }
0x1bf: {  	p1 =	sne.s32 s4, $0xFFFFFFFF;
	s2 =	smov.u32 s0  }
0x1c0: {  	s9 =	simm.s32 $0x6;
	p2 =	seq.s32 s0, $0xFFFFFFFF;
	s2 =	smov.u32 @p1 s4  }
0x1c1: {  	s6 =	simm.s32 $0x0;
	s2 =	smov.u32 @p2 s4;
	s3 =	spop (v2sf)  }
0x1c2: {  	s0 =	smov.u32 @p2 s5;
	p1 =	sne.s32 s2, $0xFFFFFFFF;
	s4 =	smov.u32 s3  }
.Ltmp27:
0x1c3: {  	p2 =	seq.s32 s3, $0xFFFFFFFF;
	s4 =	smov.u32 @p1 s2;
	(pc) =	sbr.rel .LBB3_26-.Ltmp27, $4  }
0x1c4: {  	s10 =	simm.s32 $0xF188;
	s4 =	smov.u32 @p2 s2;
	s7 =	spop (v2sf)  }
0x1c5: {  	s11 =	simm.s32 $0x0;
	p1 =	sne.s32 s4, $0xFFFFFFFF;
	s8 =	smov.u32 s7  }
0x1c6: {  	s3 =	smov.u32 @p2 s0;
	p2 =	seq.s32 s7, $0xFFFFFFFF;
	s8 =	smov.u32 @p1 s4  }
0x1c7: {  	[sflag:s9] =	ssyncpa.u1 $0x0;
	s7 =	smov.u32 @p2 s3;
	s8 =	smov.u32 @p2 s4  }
.LBB3_32:
0x1c8: {  	p1 =	sgt.u32 s12, $0x270F0  }
0x1c9: {  	p2 =	seq.s32 @!p1 s12, s8  }
0x1ca: {  	p1 =	por p1, p2  }
0x1cb: {  	p2 =	sne.s32 @!p1 s12, s7  }
0x1cc: {  	p1 =	por p1, !p2  }
0x1cd: {  	s0 =	sshll.u32 @p1 s11, $0x9  }
0x1ce: {  	s0 =	sand.u32 @!p1 $0x3FFF8, s12  }
0x1cf: {  	s2 =	sand.u32 @!p1 $0x7, s12;
	s0 =	sadd.s32 @!p1 s1, s0  }
0x1d0: {  	[tilespmem:s10], [sflag:$0x6] =	stream.linear.gather @!p1 [hbm4b:s0+s2], $0x80, $0x38;
	[tilespmem:$0x1F6F8] =	vst v63  }
0x1d1: {  	_ =	swait.ge @!p1 [sflag:s9], $0x80  }
0x1d2: {  	[sflag:s9] =	ssyncset.done @!p1 $0x0  }
0x1d3: {  	[sflag:s9] =	ssyncadd.s32 @!p1 $0xFFFFFF80  }
0x1d4: {  	v1 =	vld @!p1 [tilespmem:$0xF188];
	_ =	sdelay $0x2  }
0x1d5: {  	s0 =	sshll.u32 @!p1 s11, $0x9  }
0x1d6: {  	s2 =	sshrl.u32 @!p1 s0, $0x2  }
0x1d7: {  	[tilespmem:s2+$0xF238] =	vst.add.f32.msk @!p1 $0xffff, v1  }
0x1d8: {  	v1 =	vld @!p1 [tilespmem:$0xF198];
	_ =	sdelay $0x4  }
0x1d9: {  	[tilespmem:s2+$0xF248] =	vst.add.f32.msk @!p1 $0xffff, v1  }
0x1da: {  	v1 =	vld @!p1 [tilespmem:$0xF1A8];
	_ =	sdelay $0x4  }
0x1db: {  	[tilespmem:s2+$0xF258] =	vst.add.f32.msk @!p1 $0xffff, v1  }
0x1dc: {  	v1 =	vld @!p1 [tilespmem:$0xF1B8];
	_ =	sdelay $0x4  }
0x1dd: {  	[tilespmem:s2+$0xF268] =	vst.add.f32.msk @!p1 $0xffff, v1  }
0x1de: {  	v1 =	vld @!p1 [tilespmem:$0xF1C8];
	_ =	sdelay $0x4  }
0x1df: {  	[tilespmem:s2+$0xF278] =	vst.add.f32.msk @!p1 $0xffff, v1  }
0x1e0: {  	v1 =	vld @!p1 [tilespmem:$0xF1D8];
	_ =	sdelay $0x4  }
0x1e1: {  	[tilespmem:s2+$0xF288] =	vst.add.f32.msk @!p1 $0xffff, v1  }
0x1e2: {  	v1 =	vld @!p1 [tilespmem:$0xF1E8];
	_ =	sdelay $0x4  }
0x1e3: {  	[tilespmem:s2+$0xF298] =	vst.add.f32.msk @!p1 $0xffff, v1  }
0x1e4: {  	v1 =	vld @!p1 [tilespmem:$0xF1F8];
	_ =	sdelay $0x4  }
0x1e5: {  	[tilespmem:s2+$0xF2A8] =	vst.add.f32.msk @!p1 $0xffff, v1  }
0x1e6: {  	s0 =	sshrl.u32 s0, $0x2;
	[tilespmem:s6+$0xF218] =	vst.msk $0x1, v0  }
0x1e7: {  	v0 =	vld [tilespmem:s0+$0xF238];
	_ =	sdelay $0x2  }
0x1e8: {  	s31 =	sshll.u32 s6, $0x9  }
0x1e9: {  	s2 =	sshra.s32 s31, $0x2  }
0x1ea: {  	[tilespmem:s2+$0xF238] =	vst v0  }
0x1eb: {  	v0 =	vld [tilespmem:s0+$0xF248];
	_ =	sdelay $0x4  }
0x1ec: {  	[tilespmem:s2+$0xF248] =	vst v0  }
0x1ed: {  	v0 =	vld [tilespmem:s0+$0xF258];
	_ =	sdelay $0x4  }
0x1ee: {  	[tilespmem:s2+$0xF258] =	vst v0  }
0x1ef: {  	v0 =	vld [tilespmem:s0+$0xF268];
	_ =	sdelay $0x4  }
0x1f0: {  	[tilespmem:s2+$0xF268] =	vst v0  }
0x1f1: {  	v0 =	vld [tilespmem:s0+$0xF278];
	_ =	sdelay $0x4  }
0x1f2: {  	[tilespmem:s2+$0xF278] =	vst v0  }
0x1f3: {  	v0 =	vld [tilespmem:s0+$0xF288];
	_ =	sdelay $0x4  }
0x1f4: {  	[tilespmem:s2+$0xF288] =	vst v0  }
0x1f5: {  	v0 =	vld [tilespmem:s0+$0xF298];
	_ =	sdelay $0x4  }
0x1f6: {  	[tilespmem:s2+$0xF298] =	vst v0  }
0x1f7: {  	v0 =	vld [tilespmem:s0+$0xF2A8];
	_ =	sdelay $0x4  }
0x1f8: {  	s6 =	sadd.s32 $0x1, s6;
	[tilespmem:s2+$0xF2A8] =	vst v0  }
.LBB3_33:
0x1f9: {  	s11 =	sadd.s32 $0x1, s11  }
0x1fa: {  	p1 =	sne.s32 s11, $0x20  }
.Ltmp28:
0x1fb: {  	_ = 	snop;
	(pc) =	sbr.rel @!p1 .LBB3_34-.Ltmp28, $1  }
0x1fc: {  	_ =	sdelay $0x3  }
.LBB3_26:
0x1fd: {  	v0 =	vld.msk [tilespmem:s11+$0xF218], $0x1;
	_ =	sdelay $0x4  }
0x1fe: {  	(v2sf) =	vpush v0, $0x0;
	_ =	sdelay $0xe  }
0x1ff: {  	s12 =	spop (v2sf)  }
0x200: {  	p1 =	seq.s32 s12, $0xFFFFFFFF  }
.Ltmp29:
0x201: {  	_ = 	snop;
	(pc) =	sbr.rel @p1 .LBB3_33-.Ltmp29, $1  }
0x202: {  	_ =	sdelay $0x3  }
0x203: {  	p1 =	slt.s32 s6, $0x1  }
.Ltmp30:
0x204: {  	_ = 	snop;
	(pc) =	sbr.rel @p1 .LBB3_32-.Ltmp30, $1  }
0x205: {  	_ =	sdelay $0x3  }
0x206: {  	s13 =	simm.s32 $0xF218;
	p1 =	por $0x0, $0x0  }
0x207: {  	v1 =	vld.msk @!p1 [tilespmem:s13+$0x0], $0x1;
	_ =	sdelay $0x4  }
0x208: {  	(v2sf) =	vpush @!p1 v1, $0x0;
	_ =	sdelay $0xd  }
0x209: {  	p3 =	sne.s32 s6, $0x1  }
.Ltmp31:
0x20a: {  	s0 =	spop @!p1 (v2sf);
	(pc) =	sbr.rel @!p3 .LBB3_30-.Ltmp31, $4  }
0x20b: {  	p2 =	seq.s32 @!p1 s12, s0  }
0x20c: {  	s14 =	simm.s32 $0x0;
	p2 =	por !p2, p1  }
0x20d: {  	s2 =	simm.s32 $0xFFFFFFFF;
	s14 =	simm.s32 @p2 $0xFFFFFFFF  }
0x20e: {  	s0 =	simm.s32 $0x1;
	s14 =	smov.u32 @p1 s2  }
.LBB3_29:
0x20f: {  	s2 =	smov.u32 s14;
	p1 =	sne.s32 s14, $0xFFFFFFFF  }
0x210: {  	s13 =	sadd.s32 $0x1, s13;
	s14 =	smov.u32 s0;
	s0 =	sadd.s32 $0x1, s0  }
0x211: {  	p2 =	sne.s32 s6, s0;
	v1 =	vld.msk @!p1 [tilespmem:s13+$0x0], $0x1;
	_ =	sdelay $0x4  }
0x212: {  	(v2sf) =	vpush @!p1 v1, $0x0;
	_ =	sdelay $0xe  }
.Ltmp32:
0x213: {  	s3 =	spop @!p1 (v2sf);
	(pc) =	sbr.rel @p2 .LBB3_29-.Ltmp32, $4  }
0x214: {  	p3 =	seq.s32 @!p1 s12, s3  }
0x215: {  	p3 =	por !p3, p1  }
0x216: {  	s14 =	simm.s32 @p3 $0xFFFFFFFF  }
0x217: {  	s14 =	smov.u32 @p1 s2  }
.LBB3_30:
0x218: {  	p1 =	seq.s32 s14, $0xFFFFFFFF  }
.Ltmp33:
0x219: {  	_ = 	snop;
	(pc) =	sbr.rel @p1 .LBB3_32-.Ltmp33, $1  }
0x21a: {  	_ =	sdelay $0x3  }
0x21b: {  	s0 =	sshll.u32 s11, $0x7  }
0x21c: {  	s0 =	sand.u32 $0x3FFFFF80, s0  }
0x21d: {  	v0 =	vld [tilespmem:s0+$0xF238];
	_ =	sdelay $0x2  }
0x21e: {  	s2 =	sshll.u32 s14, $0x9  }
0x21f: {  	s2 =	sshra.s32 s2, $0x2  }
0x220: {  	[tilespmem:s2+$0xF238] =	vst.add.f32.msk $0xffff, v0  }
0x221: {  	v0 =	vld [tilespmem:s0+$0xF248];
	_ =	sdelay $0x4  }
0x222: {  	[tilespmem:s2+$0xF248] =	vst.add.f32.msk $0xffff, v0  }
0x223: {  	v0 =	vld [tilespmem:s0+$0xF258];
	_ =	sdelay $0x4  }
0x224: {  	[tilespmem:s2+$0xF258] =	vst.add.f32.msk $0xffff, v0  }
0x225: {  	v0 =	vld [tilespmem:s0+$0xF268];
	_ =	sdelay $0x4  }
0x226: {  	[tilespmem:s2+$0xF268] =	vst.add.f32.msk $0xffff, v0  }
0x227: {  	v0 =	vld [tilespmem:s0+$0xF278];
	_ =	sdelay $0x4  }
0x228: {  	[tilespmem:s2+$0xF278] =	vst.add.f32.msk $0xffff, v0  }
0x229: {  	v0 =	vld [tilespmem:s0+$0xF288];
	_ =	sdelay $0x4  }
0x22a: {  	[tilespmem:s2+$0xF288] =	vst.add.f32.msk $0xffff, v0  }
0x22b: {  	v0 =	vld [tilespmem:s0+$0xF298];
	_ =	sdelay $0x4  }
0x22c: {  	[tilespmem:s2+$0xF298] =	vst.add.f32.msk $0xffff, v0  }
0x22d: {  	v0 =	vld [tilespmem:s0+$0xF2A8]  }
.Ltmp34:
0x22e: {  	_ = 	snop;
	(pc) =	sbr.rel .LBB3_33-.Ltmp34, $2  }
0x22f: {  	_ =	sdelay $0x2  }
0x230: {  	[tilespmem:s2+$0xF2A8] =	vst.add.f32.msk $0xffff, v0  }
.LBB3_34:
0x231: {  	s0 =	simm.s32 $0x6;
	p1 =	seq.s32 s6, $0x0  }
0x232: {  	[sflag:s0] =	ssyncpa.u1 $0x1;
	v0 =	vimm.s32 @p1 $0xFFFFFFFF  }
0x233: {  	s9 =	sadd.s32 $0xFFFFFFFF, s6;
	[tilespmem:$0x10238] =	vst @p1 v0  }
0x234: {  	v0 =	vld.msk @!p1 [tilespmem:s9+$0xF218], $0x1;
	_ =	sdelay $0x1  }
0x235: {  	v1 =	vld.msk @!p1 [tilespmem:$0xF218], $0x1;
	_ =	sdelay $0x2  }
0x236: {  	p2 =	seq.s32 @!p1 s9, $0x0;
	v0 =	vbroadcast @!p1 v0, $0x0  }
0x237: {  	vm0 =	vmmov @!p1 $0x1;
	p2 =	por !p2, p1  }
0x238: {  	v1 =	vnsel @!p1 vm0, $0xFFFFFFFF, v1;
	vm0 =	vcmask @!p1 $0x308;
	v0 =	vpsel !p2, $0xFFFFFFFF, v0  }
0x239: {  	p2 =	sne.s32 @!p1 s8, s7;
	v0 =	vsel @!p1 vm0, v1, v0  }
0x23a: {  	s0 =	simm.s32 @!p1 $0xF238;
	s2 =	simm.s32 @!p1 $0x0;
	p3 =	por !p2, p1;
	[tilespmem:$0x10238] =	vst @!p1 v0  }
0x23b: {  	[spmem:s2] =	stream.linear.scatter @!p1 [tilespmem:s0], [sflag:$0x1], $0x80, $0x38;
	[tilespmem:$0x1F6F8] =	vst v63  }
0x23c: {  	s0 =	sshll.u32 @!p3 s9, $0x9  }
0x23d: {  	s0 =	sshra.s32 @!p3 s0, $0x2  }
0x23e: {  	s2 =	simm.s32 @!p3 $0x80;
	s0 =	sadd.s32 @!p3 $0xF238, s0  }
0x23f: {  	[spmem:s2] =	stream.linear.scatter @!p3 [tilespmem:s0], [sflag:$0x1], $0x80, $0x38;
	[tilespmem:$0x1F6F8] =	vst v63  }
0x240: {  	s0 =	simm.s32 @!p3 $0x1  }
0x241: {  	_ =	swait.ge @!p3 [sflag:s0], $0x100  }
0x242: {  	p1 =	por p2, p1;
	[sflag:s0] =	ssyncset.done @!p3 $0x0  }
0x243: {  	[sflag:s0] =	ssyncadd.s32 @!p3 $0xFFFFFF00;
	s0 =	simm.s32 @!p1 $0x1  }
0x244: {  	_ =	swait.ge @!p1 [sflag:s0], $0x80  }
0x245: {  	s29 =	simm.s32 $0x10238;
	[sflag:s0] =	ssyncset.done @!p1 $0x0  }
0x246: {  	s30 =	simm.s32 $0x1000;
	s31 =	simm.s32 $0x1;
	[sflag:s0] =	ssyncadd.s32 @!p1 $0xFFFFFF80  }
0x247: {  	[spmem:s30] =	stream.linear.scatter [tilespmem:s29], [sflag:$0x1], $0x10, $0x38;
	[tilespmem:$0x1F6F8] =	vst v63  }
0x248: {  	_ =	swait.ge [sflag:s31], $0x10  }
0x249: {  	[sflag:s31] =	ssyncset.done $0x0  }
0x24a: {  	p1 =	seq.s32 s15, $0x0;
	s8 =	rddreg [dreg:$0x1];
	[sflag:s31] =	ssyncadd.s32 $0xFFFFFFF0  }
0x24b: {  	s2 =	sshll.u32 @p1 s8, $0xE;
	s7 =	rddreg [dreg:$0x2]  }
0x24c: {  	s0 =	sadd.s32 @p1 $0x15C3C, s2;
	s2 =	sshll.u32 @p1 s7, $0x11  }
0x24d: {  	_ =	sfence.stream.spmem;
	s0 =	sor.u32 @p1 s2, s0  }
0x24e: {  	[sflag:s0] =	ssyncadd.remote.s32 @p1 $0x1;
	s0 =	simm.s32 @p1 $0x4  }
0x24f: {  	s3 =	simm.s32 @!p1 $0x3C;
	s2 =	sand.u32 $0xFFFFFFFE, s8;
	_ =	swait.ge @p1 [sflag:s0], $0x22  }
0x250: {  	s4 =	simm.s32 @!p1 $0x0;
	s2 =	sadd.s32 @!p1 $0x4, s2;
	[sflag:s0] =	ssyncset.done @p1 $0x0  }
0x251: {  	s5 =	simm.s32 @!p1 $0x100;
	[sflag:s0] =	ssyncadd.s32 @p1 $0xFFFFFFDE;
	s0 =	sshll.u32 @!p1 s2, $0x1A  }
0x252: {  	s2 =	sshll.u32 @!p1 s2, $0xD;
	s0 =	sor.u32 @!p1 s0, s7;
	_ =	swait.eq @!p1 [sflag:s3], $0x1  }
0x253: {  	s2 =	sor.u32 @!p1 $0x1C04, s2;
	s3 =	simm.s32 @!p1 $0x1C03;
	s0 =	sor.u32 @!p1 $0x80004000, s0  }
0x254: {  	[spmem:s5], [sflag:s2] =	dma.general @!p1 [spmem:s4], [sflag:s3], length:$0x20, [dreg:$0x0], stride_count:$0x0, ici_dest:s0, dma_misc:DstOpCode:WRITE  }
0x255: {  	p2 =	slt.s32 s9, $0x2;
	s4 =	simm.s32 @!p1 $0x200;
	s5 =	simm.s32 @!p1 $0x202  }
0x256: {  	[spmem:s5], [sflag:s2] =	dma.general @!p1 [spmem:s4], [sflag:s3], length:$0x2, [dreg:$0x0], stride_count:$0x0, ici_dest:s0, dma_misc:DstOpCode:WRITE  }
.Ltmp35:
0x257: {  	s0 =	simm.s32 @!p1 $0x3;
	(pc) =	sbr.rel @p2 .LBB3_38-.Ltmp35, $4  }
0x258: {  	s2 =	sshll.u32 @!p1 s8, $0xE;
	_ =	swait.ge @!p1 [sflag:s0], $0x22  }
0x259: {  	s3 =	sshll.u32 @!p1 s7, $0x11;
	s2 =	sadd.s32 @!p1 $0x11C3C, s2;
	[sflag:s0] =	ssyncset.done @!p1 $0x0  }
0x25a: {  	[sflag:s0] =	ssyncadd.s32 @!p1 $0xFFFFFFDE;
	s0 =	sor.u32 @!p1 s3, s2  }
0x25b: {  	[sflag:s0] =	ssyncadd.remote.s32 @!p1 $0xFFFFFFFF;
	s0 =	simm.s32 $0x0  }
0x25c: {  	s0 =	simm.s32 $0xF219  }
0x25d: {  	v0 =	vld.msk [tilespmem:s0+$0x0], $0x1;
	_ =	sdelay $0x4  }
0x25e: {  	(v2sf) =	vpush v0, $0x0;
	_ =	sdelay $0xb  }
0x25f: {  	s31 =	sadd.s32 $0xFFFFFFFE, s6  }
0x260: {  	s0 =	sadd.s32 $0xFFFFFFFF, s31  }
0x261: {  	p2 =	sne.s32 s0, $0x0  }
.Ltmp36:
0x262: {  	s2 =	spop (v2sf);
	(pc) =	sbr.rel @!p2 .LBB3_37-.Ltmp36, $4  }
0x263: {  	s4 =	simm.s32 $0xF2B8;
	s7 =	simm.s32 $0x0;
	p1 =	sgt.u32 s2, $0x270F0  }
0x264: {  	s5 =	simm.s32 $0x0;
	s6 =	simm.s32 $0xF21A;
	s3 =	sand.u32 @!p1 $0x3FFF8, s2  }
0x265: {  	s2 =	sand.u32 @!p1 $0x7, s2;
	s7 =	simm.s32 @!p1 $0x200;
	s3 =	sadd.s32 @!p1 s1, s3  }
0x266: {  	[hbm4b:s3+s2] =	stream.linear.scatter @!p1 [tilespmem:s4], [sflag:$0x5], $0x80, $0x38;
	[tilespmem:$0x1F6F8] =	vst v63  }
.LBB3_36:
0x267: {  	v0 =	vld.msk [tilespmem:s6+$0x0], $0x1;
	s0 =	sadd.s32 $0xFFFFFFFF, s0;
	s5 =	sadd.s32 s5, s7  }
0x268: {  	p1 =	sne.s32 s0, $0x0;
	_ =	sdelay $0x3  }
0x269: {  	(v2sf) =	vpush v0, $0x0;
	_ =	sdelay $0xe  }
.Ltmp37:
0x26a: {  	s2 =	spop (v2sf);
	(pc) =	sbr.rel @p1 .LBB3_36-.Ltmp37, $4  }
0x26b: {  	s7 =	simm.s32 $0x0;
	p2 =	sgt.u32 s2, $0x270F0  }
0x26c: {  	s4 =	sadd.s32 $0x80, s4;
	s7 =	simm.s32 @!p2 $0x200;
	s3 =	sand.u32 @!p2 $0x3FFF8, s2  }
0x26d: {  	s6 =	sadd.s32 $0x1, s6;
	s2 =	sand.u32 @!p2 $0x7, s2;
	s3 =	sadd.s32 @!p2 s1, s3  }
0x26e: {  	[hbm4b:s3+s2] =	stream.linear.scatter @!p2 [tilespmem:s4], [sflag:$0x5], $0x80, $0x38;
	[tilespmem:$0x1F6F8] =	vst v63  }
.LBB3_37:
0x26f: {  	s0 =	sadd.s32 s5, s7  }
0x270: {  	s0 =	sshrl.u32 s0, $0x2  }
.LBB3_38:
0x271: {  	s2 =	simm.s32 $0x5  }
0x272: {  	_ =	swait.ge [sflag:s2], s0  }
0x273: {  	s31 =	ssub.s32 $0x0, s0;
	[sflag:s2] =	ssyncset.done $0x0  }
0x274: {  	[sflag:s2] =	ssyncadd.s32 s31  }
0x275: {  	[sflag:s2] =	ssyncpa.u1 $0x1  }
.LBB3_39:
0x276: {  	s0 =	sor.u32 s15, s16  }
0x277: {  	p1 =	sne.s32 s0, $0x0  }
.Ltmp38:
0x278: {  	_ = 	snop;
	(pc) =	sbr.rel @p1 .LBB3_54-.Ltmp38, $3  }
0x279: {  	_ =	sdelay $0x1  }
0x27a: {  	[bflag:$0x0] =	sbarrier.arrive $0xFFFF  }
0x27b: {  	_ =	sfence  }
0x27c: {  	s0 =	simm.s32 $0x7  }
0x27d: {  	s2 =	simm.s32 $0x1000;
	s3 =	simm.s32 $0xF218;
	[sflag:s0] =	ssyncpa.u1 $0x0  }
0x27e: {  	[tilespmem:s3], [sflag:$0x7] =	stream.linear.gather [spmem:s2], $0x20, $0x38;
	[tilespmem:$0x1F6F8] =	vst v63  }
0x27f: {  	s30 =	simm.s32 $0xF238;
	s2 =	simm.s32 $0x0  }
0x280: {  	[tilespmem:s30], [sflag:$0x7] =	stream.linear.gather [spmem:s2], $0x1000, $0x38;
	[tilespmem:$0x1F6F8] =	vst v63  }
.Ltmp39:
0x281: {  	_ = 	snop;
	(pc) =	sbr.rel .LBB3_41-.Ltmp39, $4  }
0x282: {  	_ =	swait.ge [sflag:s0], $0x1020  }
0x283: {  	[sflag:s0] =	ssyncset.done $0x0  }
0x284: {  	s31 =	simm.s32 $0x8;
	[sflag:s0] =	ssyncadd.s32 $0xFFFFEFE0  }
0x285: {  	s3 =	simm.s32 $0x0;
	[sflag:s31] =	ssyncpa.u1 $0x0  }
.LBB3_47:
0x286: {  	p1 =	slt.u32 s4, $0x270F1  }
0x287: {  	s0 =	sand.u32 @p1 $0x3FFF8, s4  }
0x288: {  	s4 =	sand.u32 @p1 $0x7, s4;
	s5 =	simm.s32 @p1 $0xF188;
	s0 =	sadd.s32 @p1 s1, s0  }
0x289: {  	[tilespmem:s5], [sflag:$0x8] =	stream.linear.gather @p1 [hbm4b:s0+s4], $0x80, $0x38;
	[tilespmem:$0x1F6F8] =	vst v63  }
0x28a: {  	s0 =	simm.s32 @p1 $0x8  }
0x28b: {  	_ =	swait.ge @p1 [sflag:s0], $0x80  }
0x28c: {  	[sflag:s0] =	ssyncset.done @p1 $0x0  }
0x28d: {  	[sflag:s0] =	ssyncadd.s32 @p1 $0xFFFFFF80  }
0x28e: {  	v1 =	vld @p1 [tilespmem:$0xF188];
	_ =	sdelay $0x2  }
0x28f: {  	s0 =	sshll.u32 @p1 s3, $0x9  }
0x290: {  	s4 =	sshrl.u32 @p1 s0, $0x2  }
0x291: {  	[tilespmem:s4+$0xF238] =	vst.add.f32.msk @p1 $0xffff, v1  }
0x292: {  	v1 =	vld @p1 [tilespmem:$0xF198];
	_ =	sdelay $0x4  }
0x293: {  	[tilespmem:s4+$0xF248] =	vst.add.f32.msk @p1 $0xffff, v1  }
0x294: {  	v1 =	vld @p1 [tilespmem:$0xF1A8];
	_ =	sdelay $0x4  }
0x295: {  	[tilespmem:s4+$0xF258] =	vst.add.f32.msk @p1 $0xffff, v1  }
0x296: {  	v1 =	vld @p1 [tilespmem:$0xF1B8];
	_ =	sdelay $0x4  }
0x297: {  	[tilespmem:s4+$0xF268] =	vst.add.f32.msk @p1 $0xffff, v1  }
0x298: {  	v1 =	vld @p1 [tilespmem:$0xF1C8];
	_ =	sdelay $0x4  }
0x299: {  	[tilespmem:s4+$0xF278] =	vst.add.f32.msk @p1 $0xffff, v1  }
0x29a: {  	v1 =	vld @p1 [tilespmem:$0xF1D8];
	_ =	sdelay $0x4  }
0x29b: {  	[tilespmem:s4+$0xF288] =	vst.add.f32.msk @p1 $0xffff, v1  }
0x29c: {  	v1 =	vld @p1 [tilespmem:$0xF1E8];
	_ =	sdelay $0x4  }
0x29d: {  	[tilespmem:s4+$0xF298] =	vst.add.f32.msk @p1 $0xffff, v1  }
0x29e: {  	v1 =	vld @p1 [tilespmem:$0xF1F8];
	_ =	sdelay $0x3  }
0x29f: {  	s5 =	sshll.u32 @!p1 s3, $0x9  }
0x2a0: {  	s5 =	smov.u32 @p1 s0;
	[tilespmem:s4+$0xF2A8] =	vst.add.f32.msk @p1 $0xffff, v1  }
0x2a1: {  	s0 =	sshrl.u32 s5, $0x2;
	[tilespmem:s2+$0xF218] =	vst.msk $0x1, v0  }
0x2a2: {  	v0 =	vld [tilespmem:s0+$0xF238];
	_ =	sdelay $0x2  }
0x2a3: {  	s31 =	sshll.u32 s2, $0x9  }
0x2a4: {  	s4 =	sshra.s32 s31, $0x2  }
0x2a5: {  	[tilespmem:s4+$0xF238] =	vst v0  }
0x2a6: {  	v0 =	vld [tilespmem:s0+$0xF248];
	_ =	sdelay $0x4  }
0x2a7: {  	[tilespmem:s4+$0xF248] =	vst v0  }
0x2a8: {  	v0 =	vld [tilespmem:s0+$0xF258];
	_ =	sdelay $0x4  }
0x2a9: {  	[tilespmem:s4+$0xF258] =	vst v0  }
0x2aa: {  	v0 =	vld [tilespmem:s0+$0xF268];
	_ =	sdelay $0x4  }
0x2ab: {  	[tilespmem:s4+$0xF268] =	vst v0  }
0x2ac: {  	v0 =	vld [tilespmem:s0+$0xF278];
	_ =	sdelay $0x4  }
0x2ad: {  	[tilespmem:s4+$0xF278] =	vst v0  }
0x2ae: {  	v0 =	vld [tilespmem:s0+$0xF288];
	_ =	sdelay $0x4  }
0x2af: {  	[tilespmem:s4+$0xF288] =	vst v0  }
0x2b0: {  	v0 =	vld [tilespmem:s0+$0xF298];
	_ =	sdelay $0x4  }
0x2b1: {  	[tilespmem:s4+$0xF298] =	vst v0  }
0x2b2: {  	v0 =	vld [tilespmem:s0+$0xF2A8];
	_ =	sdelay $0x4  }
0x2b3: {  	s2 =	sadd.s32 $0x1, s2;
	[tilespmem:s4+$0xF2A8] =	vst v0  }
.LBB3_48:
0x2b4: {  	s3 =	sadd.s32 $0x1, s3  }
0x2b5: {  	p1 =	sne.s32 s3, $0x20  }
.Ltmp40:
0x2b6: {  	_ = 	snop;
	(pc) =	sbr.rel @!p1 .LBB3_49-.Ltmp40, $1  }
0x2b7: {  	_ =	sdelay $0x3  }
.LBB3_41:
0x2b8: {  	v0 =	vld.msk [tilespmem:s3+$0xF218], $0x1;
	_ =	sdelay $0x4  }
0x2b9: {  	(v2sf) =	vpush v0, $0x0;
	_ =	sdelay $0xe  }
0x2ba: {  	s4 =	spop (v2sf)  }
0x2bb: {  	p1 =	seq.s32 s4, $0xFFFFFFFF  }
.Ltmp41:
0x2bc: {  	_ = 	snop;
	(pc) =	sbr.rel @p1 .LBB3_48-.Ltmp41, $1  }
0x2bd: {  	_ =	sdelay $0x3  }
0x2be: {  	p1 =	slt.s32 s2, $0x1  }
.Ltmp42:
0x2bf: {  	_ = 	snop;
	(pc) =	sbr.rel @p1 .LBB3_47-.Ltmp42, $1  }
0x2c0: {  	_ =	sdelay $0x3  }
0x2c1: {  	s5 =	simm.s32 $0xF218;
	p1 =	por $0x0, $0x0  }
0x2c2: {  	v1 =	vld.msk @!p1 [tilespmem:s5+$0x0], $0x1;
	_ =	sdelay $0x4  }
0x2c3: {  	(v2sf) =	vpush @!p1 v1, $0x0;
	_ =	sdelay $0xd  }
0x2c4: {  	p3 =	sne.s32 s2, $0x1  }
.Ltmp43:
0x2c5: {  	s0 =	spop @!p1 (v2sf);
	(pc) =	sbr.rel @!p3 .LBB3_45-.Ltmp43, $4  }
0x2c6: {  	p2 =	seq.s32 @!p1 s4, s0  }
0x2c7: {  	s6 =	simm.s32 $0x0;
	p2 =	por !p2, p1  }
0x2c8: {  	s7 =	simm.s32 $0xFFFFFFFF;
	s6 =	simm.s32 @p2 $0xFFFFFFFF  }
0x2c9: {  	s0 =	simm.s32 $0x1;
	s6 =	smov.u32 @p1 s7  }
.LBB3_44:
0x2ca: {  	s7 =	smov.u32 s6;
	p1 =	sne.s32 s6, $0xFFFFFFFF  }
0x2cb: {  	s5 =	sadd.s32 $0x1, s5;
	s6 =	smov.u32 s0;
	s0 =	sadd.s32 $0x1, s0  }
0x2cc: {  	p2 =	sne.s32 s2, s0;
	v1 =	vld.msk @!p1 [tilespmem:s5+$0x0], $0x1;
	_ =	sdelay $0x4  }
0x2cd: {  	(v2sf) =	vpush @!p1 v1, $0x0;
	_ =	sdelay $0xe  }
.Ltmp44:
0x2ce: {  	s8 =	spop @!p1 (v2sf);
	(pc) =	sbr.rel @p2 .LBB3_44-.Ltmp44, $4  }
0x2cf: {  	p3 =	seq.s32 @!p1 s4, s8  }
0x2d0: {  	p3 =	por !p3, p1  }
0x2d1: {  	s6 =	simm.s32 @p3 $0xFFFFFFFF  }
0x2d2: {  	s6 =	smov.u32 @p1 s7  }
.LBB3_45:
0x2d3: {  	p1 =	seq.s32 s6, $0xFFFFFFFF  }
.Ltmp45:
0x2d4: {  	_ = 	snop;
	(pc) =	sbr.rel @p1 .LBB3_47-.Ltmp45, $1  }
0x2d5: {  	_ =	sdelay $0x3  }
0x2d6: {  	s0 =	sshll.u32 s3, $0x7  }
0x2d7: {  	s0 =	sand.u32 $0x3FFFFF80, s0  }
0x2d8: {  	v0 =	vld [tilespmem:s0+$0xF238];
	_ =	sdelay $0x2  }
0x2d9: {  	s4 =	sshll.u32 s6, $0x9  }
0x2da: {  	s4 =	sshra.s32 s4, $0x2  }
0x2db: {  	[tilespmem:s4+$0xF238] =	vst.add.f32.msk $0xffff, v0  }
0x2dc: {  	v0 =	vld [tilespmem:s0+$0xF248];
	_ =	sdelay $0x4  }
0x2dd: {  	[tilespmem:s4+$0xF248] =	vst.add.f32.msk $0xffff, v0  }
0x2de: {  	v0 =	vld [tilespmem:s0+$0xF258];
	_ =	sdelay $0x4  }
0x2df: {  	[tilespmem:s4+$0xF258] =	vst.add.f32.msk $0xffff, v0  }
0x2e0: {  	v0 =	vld [tilespmem:s0+$0xF268];
	_ =	sdelay $0x4  }
0x2e1: {  	[tilespmem:s4+$0xF268] =	vst.add.f32.msk $0xffff, v0  }
0x2e2: {  	v0 =	vld [tilespmem:s0+$0xF278];
	_ =	sdelay $0x4  }
0x2e3: {  	[tilespmem:s4+$0xF278] =	vst.add.f32.msk $0xffff, v0  }
0x2e4: {  	v0 =	vld [tilespmem:s0+$0xF288];
	_ =	sdelay $0x4  }
0x2e5: {  	[tilespmem:s4+$0xF288] =	vst.add.f32.msk $0xffff, v0  }
0x2e6: {  	v0 =	vld [tilespmem:s0+$0xF298];
	_ =	sdelay $0x4  }
0x2e7: {  	[tilespmem:s4+$0xF298] =	vst.add.f32.msk $0xffff, v0  }
0x2e8: {  	v0 =	vld [tilespmem:s0+$0xF2A8]  }
.Ltmp46:
0x2e9: {  	_ = 	snop;
	(pc) =	sbr.rel .LBB3_48-.Ltmp46, $2  }
0x2ea: {  	_ =	sdelay $0x2  }
0x2eb: {  	[tilespmem:s4+$0xF2A8] =	vst.add.f32.msk $0xffff, v0  }
.LBB3_49:
0x2ec: {  	p1 =	slt.s32 s2, $0x1  }
.Ltmp47:
0x2ed: {  	_ = 	snop;
	(pc) =	sbr.rel @p1 .LBB3_53-.Ltmp47, $3  }
0x2ee: {  	_ =	sdelay $0x1  }
0x2ef: {  	s0 =	simm.s32 $0x8  }
0x2f0: {  	s3 =	simm.s32 $0x0;
	[sflag:s0] =	ssyncpa.u1 $0x1  }
0x2f1: {  	s0 =	simm.s32 $0xF218  }
0x2f2: {  	v0 =	vld.msk [tilespmem:s0+$0x0], $0x1;
	_ =	sdelay $0x4  }
0x2f3: {  	(v2sf) =	vpush v0, $0x0;
	_ =	sdelay $0xe  }
0x2f4: {  	s0 =	sadd.s32 $0xFFFFFFFF, s2;
	s5 =	spop (v2sf)  }
0x2f5: {  	p2 =	sne.s32 s0, $0x0;
	p1 =	sgt.u32 s5, $0x270F0  }
.Ltmp48:
0x2f6: {  	s6 =	sand.u32 @!p1 $0x3FFF8, s5;
	(pc) =	sbr.rel @!p2 .LBB3_52-.Ltmp48, $4  }
0x2f7: {  	s4 =	simm.s32 $0xF238;
	s5 =	sand.u32 @!p1 $0x7, s5;
	s2 =	sadd.s32 @!p1 s1, s6  }
0x2f8: {  	[hbm4b:s2+s5] =	stream.linear.scatter @!p1 [tilespmem:s4], [sflag:$0x7], $0x80, $0x38;
	[tilespmem:$0x1F6F8] =	vst v63  }
0x2f9: {  	s5 =	simm.s32 $0x0  }
0x2fa: {  	s2 =	simm.s32 $0xF219;
	s5 =	simm.s32 @!p1 $0x200  }
.LBB3_51:
0x2fb: {  	v0 =	vld.msk [tilespmem:s2+$0x0], $0x1;
	s0 =	sadd.s32 $0xFFFFFFFF, s0;
	s3 =	sadd.s32 s3, s5  }
0x2fc: {  	p1 =	sne.s32 s0, $0x0;
	_ =	sdelay $0x3  }
0x2fd: {  	(v2sf) =	vpush v0, $0x0;
	_ =	sdelay $0xe  }
.Ltmp49:
0x2fe: {  	s6 =	spop (v2sf);
	(pc) =	sbr.rel @p1 .LBB3_51-.Ltmp49, $4  }
0x2ff: {  	s5 =	simm.s32 $0x0;
	p2 =	sgt.u32 s6, $0x270F0  }
0x300: {  	s4 =	sadd.s32 $0x80, s4;
	s5 =	simm.s32 @!p2 $0x200;
	s7 =	sand.u32 @!p2 $0x3FFF8, s6  }
0x301: {  	s2 =	sadd.s32 $0x1, s2;
	s6 =	sand.u32 @!p2 $0x7, s6;
	s7 =	sadd.s32 @!p2 s1, s7  }
0x302: {  	[hbm4b:s7+s6] =	stream.linear.scatter @!p2 [tilespmem:s4], [sflag:$0x7], $0x80, $0x38;
	[tilespmem:$0x1F6F8] =	vst v63  }
.LBB3_52:
0x303: {  	s0 =	sadd.s32 s3, s5  }
0x304: {  	s3 =	sshrl.u32 s0, $0x2  }
.LBB3_53:
0x305: {  	s0 =	simm.s32 $0x7  }
0x306: {  	_ =	swait.ge [sflag:s0], s3  }
0x307: {  	s1 =	ssub.s32 $0x0, s3;
	[sflag:s0] =	ssyncset.done $0x0  }
0x308: {  	[sflag:s0] =	ssyncadd.s32 s1  }
0x309: {  	[sflag:s0] =	ssyncpa.u1 $0x1  }
.LBB3_54:
0x30a: {  	_ =	sfence;
	s0 =	simm.s32 $0x1  }
0x30b: {  	[sflag:s0] =	ssyncpa.u1 $0x1  }
0x30c: {  	_ =	strace $0x90000050  }
0x30d: {  	[bflag:$0x2] =	sbarrier.arrive $0xFFFF  }
0x30e: {  	s0 =	rddreg [dreg:$0x3]  }
0x30f: {  	s0 =	sadd.s32 @!p0 $0x100000, s0  }
0x310: {  	[sflag:s0] =	ssyncadd.tile.s32 @!p0 $0x1;
	_ =	shalt  }
.Lfunc_end3:
_tile_overlayer_lowered:
.L_overlay_start_3:
0x311: {  	(tag) =	ssettag $0x3  }
0x312: {  	s0 =	rddreg [dreg:$0x0];
	s2 =	stileid.u32  }
0x313: {  	s1 =	rddreg [dreg:$0x1];
	p0 =	sne.s32 s2, $0x0  }
0x314: {  	s3 =	rddreg [dreg:$0x2];
	[bflag:$0x3] =	sbarrier.arrive $0xFFFF;
	s2 =	simm.s32 @!p0 $0x1C01  }
0x315: {  	[timem:s3], [sflag:s2] =	dma.local @!p0 [hbm:s0], s1  }
0x316: {  	s0 =	simm.s32 @!p0 $0x1  }
0x317: {  	_ =	swait.ge @!p0 [sflag:s0], s1  }
0x318: {  	s1 =	ssub.s32 @!p0 $0x0, s1;
	[sflag:s0] =	ssyncset.done @!p0 $0x0  }
0x319: {  	[sflag:s0] =	ssyncadd.s32 @!p0 s1  }
0x31a: {  	[bflag:$0x3] =	sbarrier.arrive $0xFFFF  }
0x31b: {  	_ =	shalt  }

// kernel: scatter_offload_async_start.2
scs
__scs_entry_jumppad:
0x0: {  	(pc) =	sbr.rel $0x88, $3  }
0x1: {  	(tag) =	ssettag $0x0;
	lr =	simm.s32 $0x1  }
0x2: {  	[smem:$0x3F98] =	sst lr;
	_ =	strace $0xD0000000  }
0x3: {  	_ = 	snop  }
0x4: {  	_ = 	snop  }
0x5: {  	_ = 	snop  }
0x6: {  	_ = 	snop  }
0x7: {  	_ = 	snop  }
__scs_overlays_trampoline_lowered:
0x8: {  	[smem:$0x3FA7] =	sst s0  }
0x9: {  	[smem:$0x3FA8] =	sst s1  }
0xa: {  	[smem:$0x3FA9] =	sst s2  }
0xb: {  	[smem:$0x3FAA] =	sst s3  }
0xc: {  	[smem:$0x3FAB] =	sst s4  }
0xd: {  	[smem:$0x3FAC] =	sst s5  }
0xe: {  	[smem:$0x3FAD] =	sst s6  }
0xf: {  	[smem:$0x3FAE] =	sst s7  }
0x10: {  	[smem:$0x3FAF] =	sst s8  }
0x11: {  	[smem:$0x3FB0] =	sst s9;
	s0 =	simm.s32 @!p0 $0x0  }
0x12: {  	s1 =	sld [smem:$0x3F96];
	s0 =	simm.s32 @p0 $0x1  }
0x13: {  	[smem:$0x3FB1] =	sst s0;
	s0 =	simm.s32 @!p1 $0x0  }
0x14: {  	s2 =	sld [smem:$0x3F95];
	s0 =	simm.s32 @p1 $0x1  }
0x15: {  	[smem:$0x3FB2] =	sst s0;
	s0 =	simm.s32 @!p2 $0x0  }
0x16: {  	s3 =	sld [smem:$0x3FDB];
	s0 =	simm.s32 @p2 $0x1  }
0x17: {  	s4 =	simm.s32 $0x1BF5;
	[smem:$0x3FB4] =	sst s0  }
0x18: {  	s0 =	sld [smem:$0x3F97];
	_ =	swait.ge [sflag:s4], $0x0  }
0x19: {  	s7 =	sld [smem:$0x3F98]  }
0x1a: {  	s8 =	sadd.s32 $0xFFFFE003, lr  }
0x1b: {  	s9 =	sadd.s32 $0xFFFFFEF7, lr;
	s5 =	simm.s32 $0xFFFFFFFF;
	p2 =	slt.u32 s8, $0xFFFFF086  }
0x1c: {  	p1 =	slt.u32 s9, $0xF7A;
	s5 =	simm.s32 @!p2 $0x0  }
0x1d: {  	s5 =	simm.s32 @p1 $0x1;
	p0 =	seq.s32 s7, s2  }
0x1e: {  	s7 =	smul.u32 @!p0 $0xF7A, s2;
	p2 =	seq.s32 @!p0 s5, $0x0  }
0x1f: {  	s9 =	smul.u32 $0xF7A, s1;
	s8 =	simm.s32 @!p0 $0x1BF5;
	p2 =	por !p2, p0  }
0x20: {  	[sflag:s8] =	ssyncset.s32 @!p0 $0xFFFFF086;
	s6 =	sadd.s32 @!p0 s3, s7;
	s7 =	simm.s32 @!p0 $0x108  }
0x21: {  	s3 =	sadd.s32 s3, s9;
	s6 =	sadd.s32 @!p0 $0x88, s6;
	s7 =	simm.s32 @p2 $0x1082  }
0x22: {  	[simem:s7], [sflag:s8] =	dma.local @!p0 [hbm:s6], $0xF7A  }
0x23: {  	s9 =	sor.u32 $0xD0000000, s2;
	s6 =	simm.s32 $0x108;
	_ =	swait.ge @!p0 [sflag:s8], $0x0  }
0x24: {  	s3 =	sadd.s32 $0x88, s3;
	s6 =	simm.s32 @!p1 $0x1082;
	[sflag:s4] =	ssyncset.s32 $0xFFFFF086  }
0x25: {  	[simem:s6], [sflag:s4] =	dma.local [hbm:s3], $0xF7A  }
0x26: {  	[smem:$0x3F98] =	sst s1;
	(tag) =	ssettag s2;
	_ =	strace s9  }
0x27: {  	s1 =	sld [smem:$0x3FA8]  }
0x28: {  	s2 =	sld [smem:$0x3FA9]  }
0x29: {  	s4 =	sld [smem:$0x3FAB]  }
0x2a: {  	p0 =	seq.s32 s5, $0x0;
	s5 =	sld [smem:$0x3FAC]  }
0x2b: {  	s6 =	sld [smem:$0x3FAD]  }
0x2c: {  	s7 =	sld [smem:$0x3FAE]  }
0x2d: {  	s3 =	simm.s32 $0x108;
	s8 =	sld [smem:$0x3FAF]  }
0x2e: {  	s3 =	simm.s32 @!p0 $0x1082;
	s9 =	sld [smem:$0x3FB0]  }
0x2f: {  	lr =	sadd.s32 s0, s3;
	s0 =	sld [smem:$0x3FA7]  }
0x30: {  	s3 =	sld [smem:$0x3FAA]  }
0x31: {  	[smem:$0x3FB3] =	sst s10  }
0x32: {  	s10 =	sld [smem:$0x3FB1];
	_ =	sdelay $0x3  }
0x33: {  	p0 =	seq.s32 s10, $0x1;
	s10 =	sld [smem:$0x3FB3];
	_ =	sdelay $0x3  }
0x34: {  	[smem:$0x3FB3] =	sst s10  }
0x35: {  	s10 =	sld [smem:$0x3FB2];
	_ =	sdelay $0x3  }
0x36: {  	p1 =	seq.s32 s10, $0x1;
	s10 =	sld [smem:$0x3FB3];
	_ =	sdelay $0x3  }
0x37: {  	[smem:$0x3FB3] =	sst s10  }
0x38: {  	s10 =	sld [smem:$0x3FB4]  }
0x39: {  	_ = 	snop;
	(pc) =	sbr.ind lr, $3  }
0x3a: {  	_ = 	snop  }
0x3b: {  	_ = 	snop  }
0x3c: {  	p2 =	seq.s32 s10, $0x1;
	s10 =	sld [smem:$0x3FB3]  }
0x3d: {  	_ =	shalt  }
0x3e: {  	_ =	shalt  }
0x3f: {  	_ =	shalt  }
0x40: {  	_ =	shalt  }
0x41: {  	_ =	shalt  }
0x42: {  	_ =	shalt  }
0x43: {  	_ =	shalt  }
0x44: {  	_ =	shalt  }
0x45: {  	_ =	shalt  }
0x46: {  	_ =	shalt  }
0x47: {  	_ =	shalt  }
0x48: {  	_ =	shalt  }
0x49: {  	_ =	shalt  }
0x4a: {  	_ =	shalt  }
0x4b: {  	_ =	shalt  }
0x4c: {  	_ =	shalt  }
0x4d: {  	_ =	shalt  }
0x4e: {  	_ =	shalt  }
0x4f: {  	_ =	shalt  }
0x50: {  	_ =	shalt  }
0x51: {  	_ =	shalt  }
0x52: {  	_ =	shalt  }
0x53: {  	_ =	shalt  }
0x54: {  	_ =	shalt  }
0x55: {  	_ =	shalt  }
0x56: {  	_ =	shalt  }
0x57: {  	_ =	shalt  }
0x58: {  	_ =	shalt  }
0x59: {  	_ =	shalt  }
0x5a: {  	_ =	shalt  }
0x5b: {  	_ =	shalt  }
0x5c: {  	_ =	shalt  }
0x5d: {  	_ =	shalt  }
0x5e: {  	_ =	shalt  }
0x5f: {  	_ =	shalt  }
0x60: {  	_ =	shalt  }
0x61: {  	_ =	shalt  }
0x62: {  	_ =	shalt  }
0x63: {  	_ =	shalt  }
0x64: {  	_ =	shalt  }
0x65: {  	_ =	shalt  }
0x66: {  	_ =	shalt  }
0x67: {  	_ =	shalt  }
0x68: {  	_ =	shalt  }
0x69: {  	_ =	shalt  }
0x6a: {  	_ =	shalt  }
0x6b: {  	_ =	shalt  }
0x6c: {  	_ =	shalt  }
0x6d: {  	_ =	shalt  }
0x6e: {  	_ =	shalt  }
0x6f: {  	_ =	shalt  }
0x70: {  	_ =	shalt  }
0x71: {  	_ =	shalt  }
0x72: {  	_ =	shalt  }
0x73: {  	_ =	shalt  }
0x74: {  	_ =	shalt  }
0x75: {  	_ =	shalt  }
0x76: {  	_ =	shalt  }
0x77: {  	_ =	shalt  }
0x78: {  	_ =	shalt  }
0x79: {  	_ =	shalt  }
0x7a: {  	_ =	shalt  }
0x7b: {  	_ =	shalt  }
0x7c: {  	_ =	shalt  }
0x7d: {  	_ =	shalt  }
0x7e: {  	_ =	shalt  }
0x7f: {  	_ =	shalt  }
0x80: {  	_ =	shalt  }
0x81: {  	_ =	shalt  }
0x82: {  	_ =	shalt  }
0x83: {  	_ =	shalt  }
0x84: {  	_ =	shalt  }
0x85: {  	_ =	shalt  }
0x86: {  	_ =	shalt  }
0x87: {  	_ =	shalt  }
.Lfunc_end0:
.L_simem_size_0:
called_computation.2_lowered:
.L_overlay_start_0:
0x88: {  	s2 =	sld [smem:$0x3FD9]  }
0x89: {  	s3 =	sld [smem:$0x3FFE];
	_ =	sdelay $0x1  }
0x8a: {  	s1 =	srdreg.scid  }
0x8b: {  	s0 =	sand.u32 $0x1, s1  }
0x8c: {  	s10 =	sshll.u32 s0, $0xA;
	s2 =	sadd.s32 s3, s2  }
0x8d: {  	s2 =	sadd.s32 s2, s10  }
0x8e: {  	[smem:$0x3FBF] =	sst s2  }
0x8f: {  	_ = 	snop  }
0x90: {  	s2 =	sld [smem:$0x3FD0];
	_ =	sdelay $0x2  }
0x91: {  	s11 =	simm.s32 $0xF;
	s4 =	simm.s32 $0x10  }
0x92: {  	[smem:s4], [sflag:s11] =	dma.local [hbm:s2], $0x1  }
0x93: {  	_ =	swait.eq [sflag:s11], $0x1  }
0x94: {  	[sflag:s11] =	ssyncset.done $0x0  }
0x95: {  	[sflag:s11] =	ssyncadd.s32 $0xFFFFFFFF  }
0x96: {  	s12 =	sld [smem:$0x10];
	(tm) =	ssettm $0x1  }
0x97: {  	s13 =	sld [smem:$0x3FFB];
	_ =	sdelay $0x3  }
0x98: {  	_ =	strace s13  }
0x99: {  	s2 =	sld [smem:$0x3FFC];
	_ =	sdelay $0x3  }
0x9a: {  	_ =	strace s2  }
0x9b: {  	s2 =	sld [smem:$0x3FFD];
	_ =	sdelay $0x3  }
0x9c: {  	_ =	strace s2  }
0x9d: {  	_ =	strace $0x8FFFFFFF  }
0x9e: {  	s14 =	sld [smem:$0x3FDB];
	_ =	sdelay $0x1  }
0x9f: {  	s15 =	simm.s32 $_scs_section_size  }
0xa0: {  	s5 =	simm.s32 $_size__tile_overlayer_lowered;
	s6 =	simm.s32 $_tile_overlayer_lowered  }
0xa1: {  	s19 =	simm.s32 $0x1BFF;
	s17 =	sshll.u32 s6, $0x1;
	s7 =	sadd.s32 s15, s14  }
0xa2: {  	s20 =	simm.s32 $0x0;
	s16 =	sshll.u32 s5, $0x1;
	s18 =	sadd.s32 s17, s7  }
0xa3: {  	[timem:s20], [sflag:s19] =	dma.local [hbm:s18], s16  }
0xa4: {  	_ =	swait.ge [sflag:s19], s16  }
0xa5: {  	s3 =	ssub.s32 $0x0, s16;
	[sflag:s19] =	ssyncset.done $0x0  }
0xa6: {  	[sflag:s19] =	ssyncadd.s32 s3;
	_ =	sdelay $0x1  }
0xa7: {  	s21 =	simm.s32 $0x1B8B  }
0xa8: {  	_ =	swait.ge [sflag:s21], $0x1  }
0xa9: {  	[sflag:s21] =	ssyncset.done $0x0  }
0xaa: {  	[sflag:s21] =	ssyncadd.s32 $0xFFFFFFFF  }
0xab: {  	s3 =	sld [smem:$0x0]  }
0xac: {  	s5 =	sand.u32 $0xFFFFFFFE, s1  }
0xad: {  	p0 =	sne.s32 s1, s5  }
0xae: {  	s5 =	sshll.u32 @p0 s5, $0xE  }
0xaf: {  	s6 =	sadd.s32 @p0 $0x11B8D, s5;
	s8 =	sshll.u32 @p0 s3, $0x11  }
0xb0: {  	s6 =	sor.u32 @p0 s8, s6  }
0xb1: {  	[sflag:s6] =	ssyncadd.remote.s32 @p0 $0x1;
	_ =	sdelay $0x1  }
0xb2: {  	s6 =	simm.s32 @p0 $0x1B8D  }
0xb3: {  	_ =	swait.eq @p0 [sflag:s6], $0x1  }
0xb4: {  	[sflag:s6] =	ssyncadd.s32 @p0 $0xFFFFFFFF  }
0xb5: {  	s8 =	sshll.u32 @!p0 s1, $0xE  }
0xb6: {  	s8 =	sor.u32 @!p0 $0x4000, s8;
	s6 =	simm.s32 @!p0 $0x1B8D  }
0xb7: {  	s10 =	sshll.u32 @!p0 s3, $0x11;
	s9 =	sadd.s32 @!p0 $0x11B8D, s8;
	_ =	swait.eq @!p0 [sflag:s6], $0x1  }
0xb8: {  	[sflag:s6] =	ssyncadd.s32 @!p0 $0xFFFFFFFF;
	s6 =	sor.u32 @!p0 s10, s9  }
0xb9: {  	s23 =	simm.s32 $0x1B8E;
	s22 =	sld [smem:$0x3FFE];
	[sflag:s6] =	ssyncadd.remote.s32 @!p0 $0x1  }
0xba: {  	s24 =	simm.s32 $execute0_lowered;
	[smem:$0x3FD2] =	sst s23  }
0xbb: {  	s9 =	sshll.u32 s24, $0x1;
	_ =	strace $0x80000052;
	[dreg:$0x1] =	wrdreg $0xFFFFFFFF  }
0xbc: {  	s25 =	simm.s32 $_size_execute0_lowered;
	s9 =	sadd.s32 s7, s9;
	[dreg:$0x0] =	wrdreg $0x0  }
0xbd: {  	s10 =	sshll.u32 s25, $0x1;
	[dreg:$0x2] =	wrdreg s9  }
0xbe: {  	[dreg:$0x3] =	wrdreg s10  }
0xbf: {  	[dreg:$0x4] =	wrdreg $0xC0  }
0xc0: {  	s26 =	simm.s32 $execute1_lowered;
	_ =	task [dreg:s20], $0x5FFFF  }
0xc1: {  	s9 =	sshll.u32 s26, $0x1;
	[dreg:$0x1] =	wrdreg $0xFFFFFFFF  }
0xc2: {  	s7 =	sadd.s32 s7, s9;
	[dreg:$0x0] =	wrdreg $0x60  }
0xc3: {  	[dreg:$0x2] =	wrdreg s7  }
0xc4: {  	[dreg:$0x3] =	wrdreg s12  }
0xc5: {  	[dreg:$0x4] =	wrdreg s22  }
0xc6: {  	[dreg:$0x5] =	wrdreg $0xC  }
0xc7: {  	_ =	task.clear_ibuf [dreg:s20], $0x6FFFF;
	_ =	strace $0x90000052  }
0xc8: {  	s28 =	simm.s32 $0xC;
	_ =	strace $0x80000054  }
0xc9: {  	_ =	swait.ge [sflag:s28], $0x1  }
0xca: {  	[sflag:s28] =	ssyncadd.s32 $0xFFFFFFFF  }
0xcb: {  	_ =	strace $0x90000054  }
0xcc: {  	s4 =	sld [smem:$0x0];
	_ =	sdelay $0x3  }
0xcd: {  	s5 =	sadd.s32 @p0 $0x11BF3, s5;
	s7 =	sshll.u32 @p0 s4, $0x11  }
0xce: {  	s5 =	sor.u32 @p0 s7, s5  }
0xcf: {  	[sflag:s5] =	ssyncadd.remote.s32 @p0 $0x1;
	_ =	sdelay $0x1  }
0xd0: {  	s5 =	simm.s32 @p0 $0x1BF3  }
0xd1: {  	_ =	swait.eq @p0 [sflag:s5], $0x1  }
0xd2: {  	[sflag:s5] =	ssyncadd.s32 @p0 $0xFFFFFFFF;
	_ =	sdelay $0x1  }
0xd3: {  	s5 =	simm.s32 @!p0 $0x1BF3  }
0xd4: {  	s4 =	sshll.u32 @!p0 s4, $0x11;
	s7 =	sadd.s32 @!p0 $0x11BF3, s8;
	_ =	swait.eq @!p0 [sflag:s5], $0x1  }
0xd5: {  	s4 =	sor.u32 @!p0 s4, s7;
	[sflag:s5] =	ssyncadd.s32 @!p0 $0xFFFFFFFF  }
0xd6: {  	[sflag:s4] =	ssyncadd.remote.s32 @!p0 $0x1  }
0xd7: {  	_ =	strace $0x80000055;
	[dreg:$0x1] =	wrdreg $0xFFFFFFFF  }
0xd8: {  	[dreg:$0x0] =	wrdreg $0x2030  }
0xd9: {  	[dreg:$0x2] =	wrdreg s22  }
0xda: {  	[dreg:$0x3] =	wrdreg s1  }
0xdb: {  	[dreg:$0x4] =	wrdreg s3  }
0xdc: {  	[dreg:$0x5] =	wrdreg $0xD  }
0xdd: {  	_ =	task.clear_ibuf [dreg:s20], $0x6FFFF;
	_ =	strace $0x90000055  }
0xde: {  	s29 =	simm.s32 $0xD;
	_ =	strace $0x80000057  }
0xdf: {  	_ =	swait.ge [sflag:s29], $0x1  }
0xe0: {  	[sflag:s29] =	ssyncadd.s32 $0xFFFFFFFF  }
0xe1: {  	_ =	strace $0x90000057  }
0xe2: {  	_ =	sfence  }
0xe3: {  	s30 =	sld [smem:$0x0];
	_ =	sdelay $0x2  }
0xe4: {  	s31 =	sshll.u32 s1, $0xD;
	s1 =	sshrl.u32 s1, $0x2  }
0xe5: {  	s4 =	sand.u32 $0x4000, s31;
	s1 =	sadd.s32 s1, s30  }
0xe6: {  	s0 =	sor.u32 s4, s0;
	s1 =	sshll.u32 s1, $0x11  }
0xe7: {  	s0 =	sor.u32 s1, s0  }
0xe8: {  	s0 =	sadd.s32 $0x8F2B, s0  }
0xe9: {  	[sflag:s0] =	ssyncadd.remote.s32 $0x1  }
0xea: {  	_ =	sfence.sel $0xFFFF  }
0xeb: {  	[dreg:$0x0] =	wrdreg $0xFFFFFFFF;
	(pc) =	sbr.abs _section_cstart, $3  }
0xec: {  	[dreg:$0x1] =	wrdreg $0xFFFFFFFF  }
0xed: {  	_ =	task.clear_ibuf [dreg:s20], $0x2FFFF;
	_ =	strace $0x9FFFFFFF  }
0xee: {  	(tm) =	ssettm $0x7FFFFFFF  }
0xef: {  	_ =	shalt  }
tec
execute0_lowered:
.L_overlay_start_1:
0x0: {  	(tag) =	ssettag $0x1  }
0x1: {  	s3 =	rddreg [dreg:$0x0]  }
0x2: {  	s2 =	rddreg [dreg:$0x1]  }
0x3: {  	s4 =	rddreg [dreg:$0x2]  }
0x4: {  	s0 =	rddreg [dreg:$0x3]  }
0x5: {  	s5 =	stileid.u32;
	[bflag:$0x3] =	sbarrier.arrive $0xFFFF;
	s1 =	simm.s32 $_size_execute1_lowered  }
0x6: {  	s29 =	srdreg.scid;
	s31 =	simm.s32 $0x2;
	p0 =	sne.s32 s5, $0x0  }
0x7: {  	s1 =	sshll.u32 s1, $0x1;
	s6 =	simm.s32 @!p0 $0x1C3F;
	s7 =	simm.s32 @!p0 $0x4060  }
0x8: {  	[timem:s7], [sflag:s6] =	dma.local @!p0 [hbm:s3], s1  }
0x9: {  	s8 =	simm.s32 $0x0;
	s12 =	simm.s32 $0x0;
	s3 =	sshll.u32 s29, $0x7  }
.Ltmp0:
0xa: {  	s5 =	sshll.u32 s5, $0x8;
	s3 =	sand.u32 $0x80, s3;
	(pc) =	sbr.rel .LBB2_1-.Ltmp0, $4  }
0xb: {  	s10 =	simm.s32 $0x0;
	s11 =	simm.s32 $0x0;
	s3 =	sor.u32 s5, s3  }
0xc: {  	_ =	strace $0x80000053;
	s5 =	simm.s32 $0x1;
	s30 =	ssub.s32 $0x2700, s3  }
0xd: {  	s4 =	sadd.s32 $0xA3C800, s4;
	[sflag:s5] =	ssyncpa.u1 $0x0;
	s6 =	sshrl.u32 s30, $0xC  }
0xe: {  	s9 =	smov.u32 s3;
	[sflag:s31] =	ssyncpa.u1 $0x0;
	s7 =	sadd.s32 $0x2, s6  }
.LBB2_4:
0xf: {  	_ = 	snop  }
.LBB2_7:
0x10: {  	_ =	sdelay $0x3  }
0x11: {  	[tilespmem:v0+s16+$0x0 ss:$0x1] =	vst.idx.msk @p1 $0xffff, v2  }
0x12: {  	v56 =	vld.idx.msk [tilespmem:v1+s15+$0x0 ss:$0x1], $0xffff;
	s24 =	sor.u32 $0x70, s15;
	[tilespmem:v0+s17+$0x0 ss:$0x1] =	vst.idx.msk @p1 $0xffff, v4  }
0x13: {  	s25 =	sor.u32 $0x10, s15;
	[tilespmem:v0+s18+$0x0 ss:$0x1] =	vst.idx.msk @p1 $0xffff, v3;
	v57 =	vld.idx.msk [tilespmem:v1+s24+$0x0 ss:$0x1], $0xffff  }
0x14: {  	s26 =	sor.u32 $0x20, s15;
	[tilespmem:v0+s19+$0x0 ss:$0x1] =	vst.idx.msk @p1 $0xffff, v5;
	v58 =	vld.idx.msk [tilespmem:v1+s25+$0x0 ss:$0x1], $0xffff  }
0x15: {  	s28 =	sor.u32 $0x30, s15;
	[tilespmem:v0+s20+$0x0 ss:$0x1] =	vst.idx.msk @p1 $0xffff, v6;
	v59 =	vld.idx.msk [tilespmem:v1+s26+$0x0 ss:$0x1], $0xffff  }
0x16: {  	s29 =	sor.u32 $0x40, s15;
	[tilespmem:v0+s21+$0x0 ss:$0x1] =	vst.idx.msk @p1 $0xffff, v7;
	v60 =	vld.idx.msk [tilespmem:v1+s28+$0x0 ss:$0x1], $0xffff  }
0x17: {  	s30 =	sor.u32 $0x50, s15;
	v61 =	vld.idx.msk [tilespmem:v1+s29+$0x0 ss:$0x1], $0xffff;
	[tilespmem:v0+s15+$0x0 ss:$0x1] =	vst.idx.msk $0xffff, v56  }
0x18: {  	s31 =	sor.u32 $0x60, s15;
	v62 =	vld.idx.msk [tilespmem:v1+s30+$0x0 ss:$0x1], $0xffff;
	[tilespmem:v0+s24+$0x0 ss:$0x1] =	vst.idx.msk $0xffff, v57  }
0x19: {  	v63 =	vld.idx.msk [tilespmem:v1+s31+$0x0 ss:$0x1], $0xffff;
	[tilespmem:v0+s25+$0x0 ss:$0x1] =	vst.idx.msk $0xffff, v58  }
0x1a: {  	[tilespmem:v0+s26+$0x0 ss:$0x1] =	vst.idx.msk $0xffff, v59  }
0x1b: {  	[tilespmem:v0+s28+$0x0 ss:$0x1] =	vst.idx.msk $0xffff, v60  }
0x1c: {  	[tilespmem:v0+s29+$0x0 ss:$0x1] =	vst.idx.msk $0xffff, v61  }
0x1d: {  	[tilespmem:v0+s30+$0x0 ss:$0x1] =	vst.idx.msk $0xffff, v62  }
0x1e: {  	[tilespmem:v0+s31+$0x0 ss:$0x1] =	vst.idx.msk $0xffff, v63  }
.LBB2_8:
0x1f: {  	s15 =	sand.u32 $0x1FFFFFF, s10  }
0x20: {  	s16 =	smulhi.u32 $0x1A36E2F, s15;
	_ =	sdelay $0x1  }
0x21: {  	s16 =	sshrl.u32 s16, $0x6  }
0x22: {  	s16 =	smul.u32 $0x2710, s16;
	_ =	sdelay $0x1  }
0x23: {  	s15 =	ssub.s32 s15, s16  }
0x24: {  	s15 =	sshll.u32 s15, $0x4  }
0x25: {  	s15 =	sadd.s32 s4, s15  }
0x26: {  	[hbm4b:s15+s8] =	stream.linear.scatter [tilespmem:s14], [sflag:$0x2], s13, $0x38;
	[tilespmem:$0x10000] =	vst v63  }
.LBB2_9:
0x27: {  	p1 =	slt.u32 s11, $0x2  }
0x28: {  	p2 =	sgt.s32 @!p1 s12, $0x2690  }
0x29: {  	s13 =	smov.u32 s12;
	s14 =	sshra.s32 @!p1 s12, $0x1F;
	p2 =	por !p2, p1  }
0x2a: {  	s12 =	sand.u32 @!p1 s14, s12;
	s13 =	simm.s32 @p2 $0x2690  }
0x2b: {  	s12 =	ssub.s32 @!p1 s13, s12  }
0x2c: {  	s12 =	sadd.s32 @!p1 $0xFFFFD970, s12  }
0x2d: {  	s13 =	sshll.u32 @!p1 s12, $0x9  }
0x2e: {  	p2 =	sgt.s32 @!p1 s12, $0x7F;
	s12 =	ssub.s32 @!p1 $0x10000, s13  }
0x2f: {  	s14 =	sadd.s32 $0x1000, s9;
	p2 =	por !p2, p1;
	s12 =	sshrl.u32 @!p1 s12, $0x2  }
0x30: {  	s12 =	simm.s32 @!p2 $0x0;
	p2 =	sgt.s32 s14, $0x270F  }
0x31: {  	s14 =	smov.u32 @p2 s3;
	p2 =	sne.s32 s11, s7  }
.Ltmp1:
0x32: {  	_ = 	snop;
	(pc) =	sbr.rel @!p2 .LBB2_10-.Ltmp1, $4  }
0x33: {  	s13 =	simm.s32 @!p1 $0x2  }
0x34: {  	_ =	swait.ge @!p1 [sflag:s13], s12;
	s15 =	ssub.s32 @!p1 $0x0, s12  }
0x35: {  	s12 =	smov.u32 s10;
	s11 =	sadd.s32 $0x1, s11;
	[sflag:s13] =	ssyncset.done @!p1 $0x0  }
0x36: {  	s10 =	smov.u32 s9;
	s9 =	smov.u32 s14;
	[sflag:s13] =	ssyncadd.s32 @!p1 s15  }
.LBB2_1:
0x37: {  	p1 =	sgt.u32 s11, s6  }
0x38: {  	s13 =	sand.u32 @!p1 $0x1FFFFFF, s9  }
0x39: {  	p2 =	sgt.s32 @!p1 s9, $0x2690;
	s14 =	smulhi.u32 @!p1 $0x1A36E2F, s13  }
0x3a: {  	s15 =	smov.u32 s9;
	s16 =	sshra.s32 @!p1 s9, $0x1F;
	p2 =	por !p2, p1  }
0x3b: {  	s16 =	sand.u32 @!p1 s16, s9;
	s15 =	simm.s32 @p2 $0x2690;
	s14 =	sshrl.u32 @!p1 s14, $0x6  }
0x3c: {  	s15 =	ssub.s32 @!p1 s15, s16;
	s14 =	smul.u32 @!p1 $0x2710, s14  }
0x3d: {  	s16 =	sxor.u32 @!p1 $0xFFFFFFFF, s11;
	s15 =	sadd.s32 @!p1 $0xFFFFD970, s15  }
0x3e: {  	s16 =	sshll.u32 @!p1 s16, $0xE;
	s13 =	ssub.s32 @!p1 s13, s14;
	s14 =	sshll.u32 @!p1 s15, $0x9  }
0x3f: {  	s16 =	sand.u32 @!p1 $0x4000, s16;
	p2 =	sgt.s32 @!p1 s15, $0x7F;
	s14 =	ssub.s32 @!p1 $0x10000, s14  }
0x40: {  	p2 =	por !p2, p1;
	s13 =	sshll.u32 @!p1 s13, $0x4;
	s14 =	sshrl.u32 @!p1 s14, $0x2  }
0x41: {  	s15 =	simm.s32 @!p1 $0x0;
	s13 =	sadd.s32 @!p1 s2, s13;
	s14 =	simm.s32 @!p2 $0x0  }
0x42: {  	[tilespmem:s16], [sflag:$0x1] =	stream.linear.gather @!p1 [hbm4b:s13+s15], s14, $0x38;
	[tilespmem:$0x10000] =	vst v63  }
0x43: {  	p1 =	seq.s32 s11, $0x0  }
0x44: {  	p2 =	sge.u32 @!p1 s11, s7  }
0x45: {  	p1 =	por p1, p2  }
.Ltmp2:
0x46: {  	_ = 	snop;
	(pc) =	sbr.rel @p1 .LBB2_9-.Ltmp2, $1  }
0x47: {  	_ =	sdelay $0x3  }
0x48: {  	p1 =	sgt.s32 s10, $0x2690;
	s13 =	smov.u32 s10;
	s14 =	sshra.s32 s10, $0x1F  }
0x49: {  	s13 =	simm.s32 @!p1 $0x2690;
	s14 =	sand.u32 s14, s10  }
0x4a: {  	s13 =	ssub.s32 s13, s14  }
0x4b: {  	s13 =	sadd.s32 $0xFFFFD970, s13  }
0x4c: {  	s31 =	sshll.u32 s13, $0x9  }
0x4d: {  	s14 =	ssub.s32 $0x10000, s31  }
0x4e: {  	p1 =	sgt.s32 s13, $0x7F;
	s13 =	sshrl.u32 s14, $0x2;
	s14 =	sadd.s32 $0x80, s10  }
0x4f: {  	s13 =	simm.s32 @p1 $0x0;
	p1 =	slt.s32 s14, $0x2710  }
0x50: {  	s14 =	simm.s32 @!p1 $0x2710  }
0x51: {  	s16 =	ssub.s32 s14, s10  }
0x52: {  	p1 =	slt.s32 s16, $0x1  }
.Ltmp3:
0x53: {  	_ = 	snop;
	(pc) =	sbr.rel @p1 .LBB2_8-.Ltmp3, $4  }
0x54: {  	_ = 	snop  }
0x55: {  	s15 =	sshll.u32 s11, $0xE;
	_ =	swait.ge [sflag:s5], s13  }
0x56: {  	s15 =	sand.u32 $0x4000, s15;
	s17 =	ssub.s32 $0x0, s13;
	[sflag:s5] =	ssyncset.done $0x0  }
0x57: {  	s14 =	sor.u32 $0x8000, s15;
	[sflag:s5] =	ssyncadd.s32 s17  }
0x58: {  	p2 =	sne.s32 s16, $0x1  }
.Ltmp4:
0x59: {  	v1 =	vmov s15;
	v0 =	vmov s14;
	(pc) =	sbr.rel @!p2 .LBB2_4-.Ltmp4, $3  }
0x5a: {  	_ =	sdelay $0x1  }
0x5b: {  	s17 =	simm.s32 $0x0  }
0x5c: {  	s23 =	sadd.s32 $0xFFFFFFFF, s16;
	p1 =	por $0x0, $0x0;
	s15 =	sand.u32 $0x3F80, s17  }
0x5d: {  	_ =	sdelay $0x3  }
0x5e: {  	v6 =	vld.idx.msk [tilespmem:v1+s15+$0x0 ss:$0x1], $0xffff;
	s24 =	sor.u32 $0x70, s15  }
0x5f: {  	s16 =	sor.u32 $0x10, s15;
	v8 =	vld.idx.msk [tilespmem:v1+s24+$0x0 ss:$0x1], $0xffff  }
0x60: {  	s17 =	sor.u32 $0x20, s15;
	p2 =	sne.s32 s23, $0x1;
	v2 =	vld.idx.msk [tilespmem:v1+s16+$0x0 ss:$0x1], $0xffff  }
.Ltmp5:
0x61: {  	s18 =	sor.u32 $0x30, s15;
	v4 =	vld.idx.msk [tilespmem:v1+s17+$0x0 ss:$0x1], $0xffff;
	(pc) =	sbr.rel @!p2 .LBB2_7-.Ltmp5, $4  }
0x62: {  	s19 =	sor.u32 $0x40, s15;
	v3 =	vld.idx.msk [tilespmem:v1+s18+$0x0 ss:$0x1], $0xffff  }
0x63: {  	s21 =	sor.u32 $0x60, s15;
	v5 =	vld.idx.msk [tilespmem:v1+s19+$0x0 ss:$0x1], $0xffff  }
0x64: {  	s20 =	sor.u32 $0x50, s15;
	s22 =	simm.s32 $0x80;
	v7 =	vld.idx.msk [tilespmem:v1+s21+$0x0 ss:$0x1], $0xffff;
	[tilespmem:v0+s15+$0x0 ss:$0x1] =	vst.idx.msk $0xffff, v6  }
0x65: {  	s23 =	sadd.s32 $0xFFFFFFFF, s23;
	p1 =	por $0x1, $0x1;
	v6 =	vld.idx.msk [tilespmem:v1+s20+$0x0 ss:$0x1], $0xffff;
	s15 =	sand.u32 $0x3F80, s22;
	[tilespmem:v0+s24+$0x0 ss:$0x1] =	vst.idx.msk $0xffff, v8  }
.LBB2_6:
0x66: {  	p2 =	sne.s32 s23, $0x1;
	v8 =	vld.idx.msk [tilespmem:v1+s15+$0x0 ss:$0x1], $0xffff;
	s24 =	sor.u32 $0x70, s15;
	[tilespmem:v0+s16+$0x0 ss:$0x1] =	vst.idx.msk $0xffff, v2;
	s16 =	sor.u32 $0x10, s15  }
0x67: {  	s25 =	sor.u32 $0x30, s15;
	s26 =	sor.u32 $0x40, s15;
	v9 =	vld.idx.msk [tilespmem:v1+s24+$0x0 ss:$0x1], $0xffff;
	[tilespmem:v0+s17+$0x0 ss:$0x1] =	vst.idx.msk $0xffff, v4;
	s17 =	sor.u32 $0x20, s15  }
0x68: {  	s28 =	sor.u32 $0x50, s15;
	s29 =	sor.u32 $0x60, s15;
	v2 =	vld.idx.msk [tilespmem:v1+s16+$0x0 ss:$0x1], $0xffff;
	[tilespmem:v0+s18+$0x0 ss:$0x1] =	vst.idx.msk $0xffff, v3;
	s18 =	smov.u32 s25  }
.Ltmp6:
0x69: {  	v4 =	vld.idx.msk [tilespmem:v1+s17+$0x0 ss:$0x1], $0xffff;
	[tilespmem:v0+s19+$0x0 ss:$0x1] =	vst.idx.msk $0xffff, v5;
	s19 =	smov.u32 s26;
	(pc) =	sbr.rel @p2 .LBB2_6-.Ltmp6, $4  }
0x6a: {  	v3 =	vld.idx.msk [tilespmem:v1+s18+$0x0 ss:$0x1], $0xffff;
	[tilespmem:v0+s20+$0x0 ss:$0x1] =	vst.idx.msk $0xffff, v6;
	s20 =	smov.u32 s28  }
0x6b: {  	v5 =	vld.idx.msk [tilespmem:v1+s19+$0x0 ss:$0x1], $0xffff;
	[tilespmem:v0+s21+$0x0 ss:$0x1] =	vst.idx.msk $0xffff, v7;
	s21 =	smov.u32 s29  }
0x6c: {  	s22 =	sadd.s32 $0x80, s22;
	[tilespmem:v0+s15+$0x0 ss:$0x1] =	vst.idx.msk $0xffff, v8;
	v6 =	vld.idx.msk [tilespmem:v1+s20+$0x0 ss:$0x1], $0xffff  }
0x6d: {  	s23 =	sadd.s32 $0xFFFFFFFF, s23;
	s15 =	sand.u32 $0x3F80, s22;
	v7 =	vld.idx.msk [tilespmem:v1+s21+$0x0 ss:$0x1], $0xffff;
	[tilespmem:v0+s24+$0x0 ss:$0x1] =	vst.idx.msk $0xffff, v9  }
.Ltmp7:
0x6e: {  	_ = 	snop;
	(pc) =	sbr.rel .LBB2_7-.Ltmp7, $1  }
0x6f: {  	_ =	sdelay $0x3  }
.LBB2_10:
0x70: {  	_ =	sfence.sel $0x180000  }
0x71: {  	s2 =	simm.s32 $0x1;
	[bflag:$0x0] =	sbarrier.arrive $0xFFFF  }
0x72: {  	s31 =	simm.s32 $0x2;
	[sflag:s2] =	ssyncpa.u1 $0x1  }
0x73: {  	[sflag:s31] =	ssyncpa.u1 $0x1  }
0x74: {  	_ =	strace $0x90000053  }
0x75: {  	s0 =	sadd.s32 @!p0 $0x100000, s0;
	[bflag:$0x2] =	sbarrier.arrive $0xFFFF  }
0x76: {  	[sflag:s0] =	ssyncadd.tile.s32 @!p0 $0x1;
	s0 =	simm.s32 @!p0 $0x3F  }
0x77: {  	_ =	swait.ge @!p0 [sflag:s0], s1  }
0x78: {  	s1 =	ssub.s32 @!p0 $0x0, s1;
	[sflag:s0] =	ssyncset.done @!p0 $0x0  }
0x79: {  	[sflag:s0] =	ssyncadd.s32 @!p0 s1  }
0x7a: {  	[bflag:$0x3] =	sbarrier.arrive $0xFFFF  }
0x7b: {  	_ =	shalt  }
.Lfunc_end2:
execute1_lowered:
.L_overlay_start_2:
0x7c: {  	(tag) =	ssettag $0x2  }
0x7d: {  	s2 =	rddreg [dreg:$0x0]  }
0x7e: {  	s3 =	rddreg [dreg:$0x1];
	_ =	strace $0x80000056;
	s0 =	simm.s32 $0x1  }
0x7f: {  	v0 =	vimm.s32 $0x0;
	[sflag:s0] =	ssyncpa.u1 $0x0;
	s0 =	simm.s32 $0x108  }
0x80: {  	[tilespmem:s0+$0x70] =	vst v0  }
0x81: {  	[tilespmem:s0+$0x60] =	vst v0  }
0x82: {  	[tilespmem:s0+$0x50] =	vst v0  }
0x83: {  	[tilespmem:s0+$0x40] =	vst v0  }
0x84: {  	s1 =	sadd.s32 $0xA3C800, s2;
	[tilespmem:s0+$0x30] =	vst v0  }
0x85: {  	s15 =	sadd.s32 $0xA28C00, s2;
	s6 =	sadd.s32 $0x546C00, s2;
	[tilespmem:s0+$0x20] =	vst v0  }
0x86: {  	s14 =	sadd.s32 $0xA32A00, s2;
	s5 =	sand.u32 $0x1, s3;
	s3 =	simm.s32 $0x40;
	[tilespmem:s0+$0x10] =	vst v0  }
.LBB3_1:
0x87: {  	s3 =	sadd.s32 $0x40, s3;
	[tilespmem:s0+$0x0] =	vst v0;
	s0 =	sadd.s32 $0x80, s0  }
0x88: {  	p0 =	slt.u32 s3, $0x3C40;
	[tilespmem:s0+$0x70] =	vst v0  }
0x89: {  	[tilespmem:s0+$0x60] =	vst v0  }
.Ltmp8:
0x8a: {  	[tilespmem:s0+$0x50] =	vst v0;
	(pc) =	sbr.rel @p0 .LBB3_1-.Ltmp8, $4  }
0x8b: {  	[tilespmem:s0+$0x40] =	vst v0  }
0x8c: {  	[tilespmem:s0+$0x30] =	vst v0  }
0x8d: {  	[tilespmem:s0+$0x20] =	vst v0  }
0x8e: {  	[tilespmem:s0+$0x10] =	vst v0  }
0x8f: {  	s9 =	stileid.u32  }
0x90: {  	s2 =	smul.u32 $0x29, s9  }
0x91: {  	s3 =	smin.u32 s9, $0xB  }
0x92: {  	s2 =	sadd.s32 s3, s2  }
0x93: {  	p0 =	slt.u32 s9, $0xB;
	s7 =	smul.u32 $0xF0, s2;
	s2 =	simm.s32 $0x2760  }
0x94: {  	s2 =	simm.s32 @!p0 $0x2670  }
0x95: {  	s2 =	sadd.s32 s2, s7  }
0x96: {  	s8 =	smin.u32 s2, $0x27100  }
0x97: {  	s2 =	ssub.s32 s8, s7  }
0x98: {  	p0 =	sgt.s32 s2, $0x0  }
0x99: {  	s29 =	simm.s32 $0x2;
	s10 =	simm.s32 $0x9;
	s2 =	simm.s32 @!p0 $0x0  }
0x9a: {  	s4 =	simm.s32 $0xA;
	s11 =	simm.s32 $0xB;
	s28 =	smulhi.u32 $0x88888889, s2  }
0x9b: {  	[dreg:$0x4] =	wrdreg s5;
	s31 =	smul.u32 $0x4E20, s5;
	s12 =	simm.s32 $0x1  }
0x9c: {  	s22 =	simm.s32 $0x0;
	s18 =	simm.s32 $0xC;
	s30 =	sshrl.u32 s28, $0x7  }
0x9d: {  	s20 =	simm.s32 $0x0;
	s21 =	simm.s32 $0x0;
	s3 =	smul.u32 $0xF0, s30  }
.Ltmp9:
0x9e: {  	[tilespmem:s0+$0x0] =	vst v0;
	v0 =	vimm.s32 $0xFFFFFFFF;
	[sflag:s29] =	ssyncpa.u1 $0x0;
	s16 =	sshll.u32 s9, $0x8;
	(pc) =	sbr.rel .LBB3_3-.Ltmp9, $4  }
0x9f: {  	[tilespmem:$0xF208] =	vst v0;
	[sflag:s10] =	ssyncpa.u1 $0x0;
	p0 =	sne.s32 s2, s3;
	s2 =	simm.s32 $0x1  }
0xa0: {  	s14 =	sadd.s32 s31, s14;
	[sflag:s4] =	ssyncpa.u1 $0x0;
	s2 =	simm.s32 @!p0 $0x0  }
0xa1: {  	s15 =	sadd.s32 s31, s15;
	[sflag:s11] =	ssyncpa.u1 $0x0;
	s13 =	sadd.s32 s2, s30  }
0xa2: {  	v0 =	vlaneseq.u32;
	s19 =	smov.u32 s7;
	p0 =	por $0x0, $0x0;
	s17 =	sadd.s32 $0x1, s13  }
.LBB3_18:
0xa3: {  	s0 =	sshrl.u32 s31, $0x2  }
.LBB3_20:
0xa4: {  	_ =	swait.ge [sflag:s18], s0  }
0xa5: {  	s31 =	ssub.s32 $0x0, s0;
	v1 =	vmov s24;
	vm0 =	veq.s32 v0, $0x0;
	[sflag:s18] =	ssyncset.done $0x0  }
0xa6: {  	vm15 =	veq.s32 v0, $0x2;
	v1 =	vsel vm0, s30, v1;
	[sflag:s18] =	ssyncadd.s32 s31  }
0xa7: {  	v1 =	vsel vm15, s22, v1;
	[sflag:s18] =	ssyncpa.u1 $0x1  }
0xa8: {  	[tilespmem:$0xF208] =	vst v1  }
.LBB3_21:
0xa9: {  	s0 =	sadd.s32 $0xF0, s19  }
0xaa: {  	s2 =	smov.u32 s7;
	p1 =	slt.s32 s0, s8  }
0xab: {  	s2 =	smov.u32 @p1 s0;
	p1 =	sne.s32 s21, s17  }
.Ltmp10:
0xac: {  	_ = 	snop;
	(pc) =	sbr.rel @!p1 .LBB3_22-.Ltmp10, $3  }
0xad: {  	_ =	sdelay $0x1  }
0xae: {  	s22 =	smov.u32 s20;
	s31 =	sadd.s32 $0x1, s21;
	s20 =	smov.u32 s19  }
0xaf: {  	p0 =	por !p0, !p0;
	s21 =	smov.u32 s31;
	s19 =	smov.u32 s2  }
.LBB3_3:
0xb0: {  	p1 =	sge.u32 s21, s13  }
0xb1: {  	s0 =	smulhi.u32 @!p1 $0xAAAAAAAB, s21  }
0xb2: {  	s2 =	smov.u32 s19;
	p2 =	sgt.s32 @!p1 s19, $0x27010  }
0xb3: {  	s3 =	sshra.s32 @!p1 s19, $0x1F;
	p2 =	por !p2, p1;
	s0 =	sshrl.u32 @!p1 s0, $0x1  }
0xb4: {  	s3 =	sand.u32 @!p1 s3, s19;
	s2 =	simm.s32 @p2 $0x27010;
	s0 =	smul.u32 @!p1 $0x3, s0  }
0xb5: {  	s2 =	ssub.s32 @!p1 s2, s3  }
0xb6: {  	s2 =	sadd.s32 @!p1 $0xFFFD8FF0, s2;
	s0 =	ssub.s32 @!p1 s21, s0  }
0xb7: {  	s3 =	sshll.u32 @!p1 s2, $0x2;
	p2 =	sgt.s32 @!p1 s2, $0xEF;
	s0 =	smul.u32 @!p1 $0x3C0, s0  }
0xb8: {  	s4 =	sand.u32 @!p1 $0x7, s19;
	s2 =	ssub.s32 @!p1 $0x3C0, s3;
	p2 =	por !p2, p1  }
0xb9: {  	s3 =	sshrl.u32 @!p1 s19, $0x3;
	s2 =	sshrl.u32 @!p1 s2, $0x2;
	s0 =	sshrl.u32 @!p1 s0, $0x2  }
0xba: {  	s3 =	sadd.s32 @!p1 s3, s14;
	s2 =	simm.s32 @!p2 $0x0;
	s0 =	sadd.s32 @!p1 $0x10248, s0  }
0xbb: {  	[tilespmem:s0], [sflag:$0xA] =	stream.linear.gather @!p1 [hbm4b:s3+s4], s2, $0x38;
	[tilespmem:$0x1F6F8] =	vst v63  }
0xbc: {  	s0 =	sadd.s32 $0xFFFFFFFF, s21  }
0xbd: {  	p1 =	sge.u32 s0, s13  }
0xbe: {  	p2 =	sgt.s32 @!p1 s20, $0x27010  }
0xbf: {  	s2 =	smov.u32 s20;
	s3 =	sshra.s32 @!p1 s20, $0x1F;
	p2 =	por !p2, p1  }
0xc0: {  	s3 =	sand.u32 @!p1 s3, s20;
	s2 =	simm.s32 @p2 $0x27010  }
0xc1: {  	s2 =	ssub.s32 @!p1 s2, s3  }
0xc2: {  	s2 =	sadd.s32 @!p1 $0xFFFD8FF0, s2  }
0xc3: {  	s4 =	sand.u32 @!p1 $0x1, s0;
	s3 =	sshll.u32 @!p1 s2, $0x2  }
0xc4: {  	p2 =	sgt.s32 @!p1 s2, $0xEF;
	s2 =	ssub.s32 @!p1 $0x3C0, s3;
	s3 =	smulhi.u32 @!p1 $0xAAAAAAAB, s0  }
0xc5: {  	s23 =	smul.u32 @!p1 $0x3C0, s4;
	p2 =	por !p2, p1;
	s2 =	sshrl.u32 @!p1 s2, $0x2  }
0xc6: {  	s5 =	simm.s32 @!p1 $0xA;
	s2 =	simm.s32 @!p2 $0x0;
	s3 =	sshrl.u32 @!p1 s3, $0x1  }
0xc7: {  	s23 =	sshrl.u32 @!p1 s23, $0x2;
	_ =	swait.ge @!p1 [sflag:s5], s2;
	s3 =	smul.u32 @!p1 $0x3, s3  }
0xc8: {  	s23 =	sadd.s32 @!p1 $0x10518, s23;
	s24 =	ssub.s32 @!p1 $0x0, s2;
	[sflag:s5] =	ssyncset.done @!p1 $0x0  }
0xc9: {  	[sflag:s5] =	ssyncadd.s32 @!p1 s24;
	s5 =	sshrl.u32 @!p1 s20, $0x3;
	s0 =	ssub.s32 @!p1 s0, s3  }
0xca: {  	s24 =	sand.u32 @!p1 $0x7, s20;
	s5 =	sadd.s32 @!p1 s5, s15;
	s0 =	smul.u32 @!p1 $0x3C0, s0  }
0xcb: {  	[tilespmem:s23], [sflag:$0xB] =	stream.linear.gather @!p1 [hbm4b:s5+s24], s2, $0x38;
	[tilespmem:$0x1F6F8] =	vst v63  }
0xcc: {  	s3 =	ssub.s32 @!p1 $0x27100, s20;
	s2 =	smul.u32 @!p1 $0x1E000, s4  }
0xcd: {  	p2 =	slt.s32 @!p1 s3, $0xF0  }
0xce: {  	p2 =	por !p2, p1;
	s0 =	sshrl.u32 @!p1 s0, $0x2;
	s2 =	sshrl.u32 @!p1 s2, $0x2  }
0xcf: {  	s3 =	simm.s32 @p2 $0xF0;
	s0 =	sadd.s32 @!p1 $0x10248, s0;
	s2 =	sor.u32 @!p1 $0x106F8, s2  }
0xd0: {  	[tilespmem:s2], [sflag:$0x9] =	stream.indirect.gather @!p1 [hbm4b:s6+s3], $0x80, s0, s3, $0xb8;
	[tilespmem:$0x1F6F8] =	vst v63  }
0xd1: {  	p1 =	slt.u32 s21, $0x2  }
.Ltmp11:
0xd2: {  	_ = 	snop;
	(pc) =	sbr.rel @p1 .LBB3_21-.Ltmp11, $1  }
0xd3: {  	_ =	sdelay $0x3  }
0xd4: {  	p1 =	sgt.s32 s22, $0x27010  }
0xd5: {  	s0 =	smov.u32 s22;
	s2 =	sshra.s32 s22, $0x1F;
	s3 =	ssub.s32 $0x27100, s22  }
0xd6: {  	s0 =	simm.s32 @!p1 $0x27010;
	s2 =	sand.u32 s2, s22;
	p1 =	slt.s32 s3, $0xF0  }
0xd7: {  	s0 =	ssub.s32 s0, s2;
	s3 =	simm.s32 @!p1 $0xF0  }
0xd8: {  	s0 =	sadd.s32 $0xFFFD8FF0, s0;
	s25 =	sshll.u32 s3, $0x7  }
0xd9: {  	s26 =	sshll.u32 s0, $0x2;
	s2 =	sand.u32 $0x3FFFFF80, s25  }
0xda: {  	p1 =	sgt.s32 s0, $0xEF;
	s29 =	ssub.s32 $0x3C0, s26;
	_ =	swait.ge [sflag:s10], s2  }
0xdb: {  	s2 =	ssub.s32 $0x0, s2;
	[sflag:s10] =	ssyncset.done $0x0;
	s0 =	sshrl.u32 s29, $0x2  }
0xdc: {  	[sflag:s10] =	ssyncadd.s32 s2;
	s0 =	simm.s32 @p1 $0x0  }
0xdd: {  	_ =	swait.ge [sflag:s11], s0  }
0xde: {  	s0 =	ssub.s32 $0x0, s0;
	[sflag:s11] =	ssyncset.done $0x0  }
0xdf: {  	[sflag:s11] =	ssyncadd.s32 s0  }
0xe0: {  	v1 =	vld [tilespmem:$0xF208];
	_ =	sdelay $0x4  }
0xe1: {  	(v2sf) =	vpush v1, $0x0  }
0xe2: {  	(v2sf) =	vpush v1, $0x1  }
0xe3: {  	(v2sf) =	vpush v1, $0x2;
	_ =	sdelay $0x3  }
0xe4: {  	s0 =	sadd.s32 $0xF0, s22  }
0xe5: {  	s2 =	ssub.s32 $0x4E200, s22;
	p1 =	slt.s32 s8, s0  }
0xe6: {  	s0 =	smov.u32 @p1 s8;
	p1 =	sgt.s32 s2, $0x0  }
0xe7: {  	s26 =	ssub.s32 s0, s22;
	s2 =	simm.s32 @!p1 $0x0  }
0xe8: {  	p1 =	slt.s32 s2, s26  }
0xe9: {  	s26 =	smov.u32 @p1 s2  }
0xea: {  	s25 =	simm.s32 $0x1;
	p1 =	slt.s32 s26, $0x1  }
.Ltmp12:
0xeb: {  	s25 =	simm.s32 @!p0 $0x0;
	(pc) =	sbr.rel @p1 .LBB3_8-.Ltmp12, $4  }
0xec: {  	s31 =	smul.u32 $0x3C0, s25  }
0xed: {  	s28 =	spop (v2sf)  }
0xee: {  	s0 =	sshrl.u32 s31, $0x2;
	s30 =	spop (v2sf)  }
0xef: {  	s23 =	sadd.s32 $0x10518, s0;
	s22 =	spop (v2sf)  }
0xf0: {  	s0 =	smin.u32 s26, $0x10  }
0xf1: {  	v1 =	vmov s0  }
0xf2: {  	p2 =	sgt.s32 s26, $0x10;
	vm1 =	vgt.u32 v1, v0  }
.Ltmp13:
0xf3: {  	_ = 	snop;
	(pc) =	sbr.rel @!p2 .LBB3_7-.Ltmp13, $2  }
0xf4: {  	_ =	sdelay $0x2  }
0xf5: {  	s4 =	simm.s32 $0x10;
	s24 =	sadd.s32 $0xFFFFFFF0, s26;
	s0 =	smov.u32 s23;
	vm0 =	vmmov vm1  }
.LBB3_6:
0xf6: {  	s2 =	smin.u32 s24, $0x10;
	s4 =	sadd.s32 $0x10, s4;
	v1 =	vld.msk [tilespmem:s0+$0x0 ss:$0x1], vm1  }
0xf7: {  	v2 =	vmov s2;
	p2 =	slt.s32 s4, s26  }
0xf8: {  	vm1 =	vgt.u32 v2, v0  }
.Ltmp14:
0xf9: {  	(pc) =	sbr.rel @p2 .LBB3_6-.Ltmp14, $3  }
0xfa: {  	_ =	sdelay $0x1  }
0xfb: {  	v1 =	vshll.u32 v1, $0x4  }
0xfc: {  	s24 =	sadd.s32 $0xFFFFFFF0, s24;
	[tilespmem:s0+$0x0] =	vst.msk vm0, v1;
	s0 =	sadd.s32 $0x10, s0;
	vm0 =	vmmov vm1  }
.LBB3_7:
0xfd: {  	_ =	sdelay $0x4  }
0xfe: {  	v1 =	vld.msk [tilespmem:s0+$0x0 ss:$0x1], vm1;
	_ =	sdelay $0x4  }
0xff: {  	v1 =	vshll.u32 v1, $0x4  }
0x100: {  	[tilespmem:s0+$0x0] =	vst.msk vm0, v1  }
.LBB3_8:
0x101: {  	s0 =	sand.u32 $0x1, s21  }
0x102: {  	s0 =	smul.u32 $0xF0, s0  }
0x103: {  	p2 =	sne.s32 s30, $0xFFFFFFFF  }
0x104: {  	v1 =	vld.msk @!p2 [tilespmem:s0+$0x10518], $0x1;
	_ =	sdelay $0x4  }
0x105: {  	(v2sf) =	vpush @!p2 v1, $0x0;
	_ =	sdelay $0xc  }
.Ltmp15:
0x106: {  	_ = 	snop;
	(pc) =	sbr.rel @p1 .LBB3_19-.Ltmp15, $4  }
0x107: {  	_ = 	snop  }
0x108: {  	s29 =	spop @!p2 (v2sf)  }
0x109: {  	s22 =	simm.s32 @!p2 $0x0;
	s24 =	smov.u32 s29  }
0x10a: {  	[sflag:s18] =	ssyncpa.u1 $0x0;
	s29 =	smov.u32 @p2 s28;
	s24 =	smov.u32 @p2 s30  }
0x10b: {  	v1 =	vld.msk [tilespmem:s23+$0x0], $0x1;
	_ =	sdelay $0x4  }
0x10c: {  	(v2sf) =	vpush v1, $0x0;
	_ =	sdelay $0xe  }
0x10d: {  	s2 =	smul.u32 $0x1E000, s25;
	s0 =	spop (v2sf)  }
0x10e: {  	s26 =	ssub.s32 $0x0, s26;
	p1 =	seq.s32 s29, s0  }
0x10f: {  	s30 =	sadd.s32 $0x1, s26;
	s2 =	sshrl.u32 s2, $0x2;
	p2 =	sgt.s32 @!p1 s29, $0x0  }
0x110: {  	s25 =	sor.u32 $0x10738, s2;
	s2 =	smov.u32 s29;
	p2 =	por !p2, p1  }
0x111: {  	s2 =	simm.s32 @p2 $0x0;
	p2 =	seq.s32 s30, $0x0  }
.Ltmp16:
0x112: {  	_ = 	snop;
	(pc) =	sbr.rel @p2 .LBB3_11-.Ltmp16, $4  }
0x113: {  	_ = 	snop  }
0x114: {  	s28 =	simm.s32 $0x0;
	s31 =	sadd.s32 $0x1, s23;
	s2 =	smin.u32 @!p1 s2, $0x270F0  }
0x115: {  	s4 =	simm.s32 @!p1 $0x1;
	s5 =	simm.s32 @!p1 $0x7988;
	s3 =	sand.u32 @!p1 $0x3FFF8, s2  }
0x116: {  	s4 =	smov.u32 @p1 s28;
	s2 =	sand.u32 @!p1 $0x7, s2;
	s3 =	sadd.s32 @!p1 s1, s3  }
.LBB3_10:
0x117: {  	s9 =	smov.u32 s4  }
0x118: {  	[tilespmem:s5], [sflag:$0x2] =	stream.linear.gather @!p1 [hbm4b:s3+s2], $0x80, $0x38;
	[tilespmem:$0x1F6F8] =	vst v63  }
0x119: {  	s30 =	sadd.s32 $0x1, s30;
	s2 =	smov.u32 s0;
	v1 =	vld.msk [tilespmem:s31+$0x0], $0x1  }
0x11a: {  	p2 =	seq.s32 s30, $0x0;
	_ =	sdelay $0x3  }
0x11b: {  	(v2sf) =	vpush v1, $0x0;
	_ =	sdelay $0xe  }
0x11c: {  	s0 =	spop (v2sf)  }
0x11d: {  	p1 =	seq.s32 s2, s0  }
0x11e: {  	p3 =	sgt.s32 @!p1 s2, $0x0;
	s3 =	sshll.u32 @!p1 s4, $0x9;
	s4 =	sadd.s32 @!p1 $0x1, s4  }
.Ltmp17:
0x11f: {  	p3 =	por !p3, p1;
	s3 =	sshra.s32 @!p1 s3, $0x2;
	(pc) =	sbr.rel @!p2 .LBB3_10-.Ltmp17, $4  }
0x120: {  	s4 =	smov.u32 @p1 s9;
	s2 =	simm.s32 @p3 $0x0;
	s5 =	sadd.s32 @!p1 $0x7988, s3  }
0x121: {  	s2 =	smin.u32 @!p1 s2, $0x270F0  }
0x122: {  	s3 =	sand.u32 @!p1 $0x3FFF8, s2;
	s2 =	sand.u32 @!p1 $0x7, s2  }
0x123: {  	s31 =	sadd.s32 $0x1, s31;
	s3 =	sadd.s32 @!p1 s1, s3  }
.LBB3_11:
0x124: {  	[tilespmem:s5], [sflag:$0x2] =	stream.linear.gather @!p1 [hbm4b:s3+s2], $0x80, $0x38;
	[tilespmem:$0x1F6F8] =	vst v63  }
.Ltmp18:
0x125: {  	s0 =	sshll.u32 s4, $0x7;
	(pc) =	sbr.rel .LBB3_12-.Ltmp18, $4  }
0x126: {  	s30 =	simm.s32 $0x2;
	s0 =	sand.u32 $0x3FFFFF80, s0  }
0x127: {  	_ =	swait.ge [sflag:s30], s0  }
0x128: {  	s0 =	ssub.s32 $0x0, s0;
	[sflag:s30] =	ssyncset.done $0x0  }
0x129: {  	s31 =	simm.s32 $0x0;
	[sflag:s30] =	ssyncadd.s32 s0  }
.LBB3_13:
0x12a: {  	v1 =	vld [tilespmem:s25+$0xFFFFFFC0];
	_ =	sdelay $0x3  }
0x12b: {  	s0 =	sshra.s32 s0, $0x2  }
0x12c: {  	[tilespmem:s0+$0x108] =	vst.add.f32.msk $0xffff, v1  }
0x12d: {  	v1 =	vld [tilespmem:s25+$0xFFFFFFD0];
	_ =	sdelay $0x4  }
0x12e: {  	[tilespmem:s0+$0x118] =	vst.add.f32.msk $0xffff, v1  }
0x12f: {  	v1 =	vld [tilespmem:s25+$0xFFFFFFE0];
	_ =	sdelay $0x4  }
0x130: {  	[tilespmem:s0+$0x128] =	vst.add.f32.msk $0xffff, v1  }
0x131: {  	v1 =	vld [tilespmem:s25+$0xFFFFFFF0];
	_ =	sdelay $0x4  }
0x132: {  	[tilespmem:s0+$0x138] =	vst.add.f32.msk $0xffff, v1  }
0x133: {  	v1 =	vld [tilespmem:s25+$0x0];
	_ =	sdelay $0x4  }
0x134: {  	[tilespmem:s0+$0x148] =	vst.add.f32.msk $0xffff, v1  }
0x135: {  	v1 =	vld [tilespmem:s25+$0x10];
	_ =	sdelay $0x4  }
0x136: {  	[tilespmem:s0+$0x158] =	vst.add.f32.msk $0xffff, v1  }
0x137: {  	v1 =	vld [tilespmem:s25+$0x20];
	_ =	sdelay $0x4  }
0x138: {  	[tilespmem:s0+$0x168] =	vst.add.f32.msk $0xffff, v1  }
0x139: {  	v1 =	vld [tilespmem:s25+$0x30];
	_ =	sdelay $0x4  }
0x13a: {  	[tilespmem:s0+$0x178] =	vst.add.f32.msk $0xffff, v1  }
.LBB3_17:
0x13b: {  	s26 =	sadd.s32 $0x1, s26  }
0x13c: {  	p1 =	seq.s32 s26, $0x0  }
.Ltmp19:
0x13d: {  	_ = 	snop;
	(pc) =	sbr.rel @p1 .LBB3_18-.Ltmp19, $2  }
0x13e: {  	_ =	sdelay $0x2  }
0x13f: {  	s23 =	sadd.s32 $0x1, s23;
	s25 =	sadd.s32 $0x80, s25;
	s29 =	smov.u32 s30  }
.LBB3_12:
0x140: {  	v1 =	vld.msk [tilespmem:s23+$0x0], $0x1;
	_ =	sdelay $0x4  }
0x141: {  	(v2sf) =	vpush v1, $0x0;
	_ =	sdelay $0xe  }
0x142: {  	s30 =	spop (v2sf)  }
0x143: {  	p1 =	sne.s32 s29, s30  }
.Ltmp20:
0x144: {  	_ = 	snop;
	(pc) =	sbr.rel @!p1 .LBB3_13-.Ltmp20, $2  }
0x145: {  	_ =	sdelay $0x2  }
0x146: {  	s0 =	sshll.u32 s22, $0x9  }
0x147: {  	p1 =	seq.s32 s29, s24  }
.Ltmp21:
0x148: {  	_ = 	snop;
	(pc) =	sbr.rel @!p1 .LBB3_15-.Ltmp21, $1  }
0x149: {  	_ =	sdelay $0x3  }
0x14a: {  	s0 =	sshra.s32 s0, $0x2  }
.Ltmp22:
0x14b: {  	s0 =	sadd.s32 $0x108, s0;
	(pc) =	sbr.rel .LBB3_16-.Ltmp22, $4  }
0x14c: {  	[spmem:s16] =	stream.linear.scatter [tilespmem:s0], [sflag:$0x1], $0x80, $0x38;
	[tilespmem:$0x1F6F8] =	vst v63  }
0x14d: {  	_ =	swait.ge [sflag:s12], $0x80  }
0x14e: {  	[sflag:s12] =	ssyncset.done $0x0  }
0x14f: {  	[sflag:s12] =	ssyncadd.s32 $0xFFFFFF80  }
.LBB3_15:
0x150: {  	s2 =	sshll.u32 s28, $0x9  }
0x151: {  	s2 =	sshra.s32 s2, $0x2  }
0x152: {  	v1 =	vld [tilespmem:s2+$0x7988];
	_ =	sdelay $0x3  }
0x153: {  	s0 =	sshra.s32 s0, $0x2  }
0x154: {  	[tilespmem:s0+$0x108] =	vst.add.f32.msk $0xffff, v1  }
0x155: {  	v1 =	vld [tilespmem:s2+$0x7998];
	_ =	sdelay $0x4  }
0x156: {  	[tilespmem:s0+$0x118] =	vst.add.f32.msk $0xffff, v1  }
0x157: {  	v1 =	vld [tilespmem:s2+$0x79A8];
	_ =	sdelay $0x4  }
0x158: {  	[tilespmem:s0+$0x128] =	vst.add.f32.msk $0xffff, v1  }
0x159: {  	v1 =	vld [tilespmem:s2+$0x79B8];
	_ =	sdelay $0x4  }
0x15a: {  	[tilespmem:s0+$0x138] =	vst.add.f32.msk $0xffff, v1  }
0x15b: {  	v1 =	vld [tilespmem:s2+$0x79C8];
	_ =	sdelay $0x4  }
0x15c: {  	[tilespmem:s0+$0x148] =	vst.add.f32.msk $0xffff, v1  }
0x15d: {  	v1 =	vld [tilespmem:s2+$0x79D8];
	_ =	sdelay $0x4  }
0x15e: {  	[tilespmem:s0+$0x158] =	vst.add.f32.msk $0xffff, v1  }
0x15f: {  	v1 =	vld [tilespmem:s2+$0x79E8];
	_ =	sdelay $0x4  }
0x160: {  	[tilespmem:s0+$0x168] =	vst.add.f32.msk $0xffff, v1  }
0x161: {  	v1 =	vld [tilespmem:s2+$0x79F8];
	_ =	sdelay $0x2  }
0x162: {  	p1 =	sgt.u32 s29, $0x270F0  }
0x163: {  	s2 =	sand.u32 @!p1 $0x3FFF8, s29  }
0x164: {  	s3 =	sadd.s32 $0x108, s0;
	[tilespmem:s0+$0x178] =	vst.add.f32.msk $0xffff, v1;
	s0 =	sadd.s32 @!p1 s1, s2;
	s2 =	sand.u32 @!p1 $0x7, s29  }
0x165: {  	[hbm4b:s0+s2] =	stream.linear.scatter @!p1 [tilespmem:s3], [sflag:$0xC], $0x80, $0x38;
	[tilespmem:$0x1F6F8] =	vst v63  }
0x166: {  	s0 =	simm.s32 $0x0  }
0x167: {  	s0 =	simm.s32 @!p1 $0x200  }
0x168: {  	s31 =	sadd.s32 s0, s31  }
.LBB3_16:
0x169: {  	s0 =	sadd.s32 $0x1, s22  }
0x16a: {  	s2 =	smulhi.u32 $0x88888889, s0;
	_ =	sdelay $0x1  }
0x16b: {  	v1 =	vld [tilespmem:s25+$0xFFFFFFC0];
	s2 =	sshrl.u32 s2, $0x7  }
0x16c: {  	s2 =	smul.u32 $0xF0, s2;
	_ =	sdelay $0x1  }
0x16d: {  	s22 =	ssub.s32 s0, s2  }
0x16e: {  	s0 =	sshll.u32 s22, $0x7  }
0x16f: {  	[tilespmem:s0+$0x108] =	vst v1  }
0x170: {  	v1 =	vld [tilespmem:s25+$0xFFFFFFD0];
	_ =	sdelay $0x4  }
0x171: {  	[tilespmem:s0+$0x118] =	vst v1  }
0x172: {  	v1 =	vld [tilespmem:s25+$0xFFFFFFE0];
	_ =	sdelay $0x4  }
0x173: {  	[tilespmem:s0+$0x128] =	vst v1  }
0x174: {  	v1 =	vld [tilespmem:s25+$0xFFFFFFF0];
	_ =	sdelay $0x4  }
0x175: {  	[tilespmem:s0+$0x138] =	vst v1  }
0x176: {  	v1 =	vld [tilespmem:s25+$0x0];
	_ =	sdelay $0x4  }
0x177: {  	[tilespmem:s0+$0x148] =	vst v1  }
0x178: {  	v1 =	vld [tilespmem:s25+$0x10];
	_ =	sdelay $0x4  }
0x179: {  	[tilespmem:s0+$0x158] =	vst v1  }
0x17a: {  	v1 =	vld [tilespmem:s25+$0x20];
	_ =	sdelay $0x4  }
0x17b: {  	[tilespmem:s0+$0x168] =	vst v1  }
0x17c: {  	v1 =	vld [tilespmem:s25+$0x30]  }
.Ltmp23:
0x17d: {  	_ = 	snop;
	(pc) =	sbr.rel .LBB3_17-.Ltmp23, $2  }
0x17e: {  	_ =	sdelay $0x2  }
0x17f: {  	s28 =	sadd.s32 $0x1, s28;
	[tilespmem:s0+$0x178] =	vst v1  }
.LBB3_19:
.Ltmp24:
0x180: {  	(pc) =	sbr.rel .LBB3_20-.Ltmp24, $4  }
0x181: {  	_ = 	snop  }
0x182: {  	s0 =	simm.s32 $0x2  }
0x183: {  	_ =	swait.ge [sflag:s0], $0x0  }
0x184: {  	s30 =	smov.u32 s29;
	[sflag:s0] =	ssyncset.done $0x0;
	s0 =	simm.s32 $0x0  }
.LBB3_22:
0x185: {  	_ =	sfence.sel $0x180000  }
0x186: {  	s0 =	simm.s32 $0x9;
	[bflag:$0x0] =	sbarrier.arrive $0xFFFF  }
0x187: {  	s24 =	simm.s32 $0xA;
	[sflag:s0] =	ssyncpa.u1 $0x1  }
0x188: {  	s25 =	simm.s32 $0xB;
	[sflag:s24] =	ssyncpa.u1 $0x1  }
0x189: {  	s26 =	simm.s32 $0x2;
	[sflag:s25] =	ssyncpa.u1 $0x1  }
0x18a: {  	[sflag:s26] =	ssyncpa.u1 $0x1  }
0x18b: {  	v0 =	vld [tilespmem:$0xF208];
	_ =	sdelay $0x4  }
0x18c: {  	(v2sf) =	vpush v0, $0x0  }
0x18d: {  	(v2sf) =	vpush v0, $0x1;
	_ =	sdelay $0x1  }
0x18e: {  	(v2sf) =	vpush v0, $0x2;
	_ =	sdelay $0xb  }
0x18f: {  	s0 =	spop (v2sf)  }
0x190: {  	s2 =	spop (v2sf)  }
0x191: {  	s3 =	smov.u32 s0;
	p0 =	sne.s32 s0, s2  }
0x192: {  	s4 =	spop (v2sf);
	s3 =	simm.s32 @!p0 $0xFFFFFFFF  }
0x193: {  	v2 =	vimm.s32 $0x1;
	v3 =	vlaneseq.u32;
	p0 =	seq.s32 s4, $0xFFFFFFFF;
	v1 =	vmov s3  }
0x194: {  	s16 =	stileid.u32;
	v0 =	vperm.xlane v0, v2;
	p1 =	sne.s32 @!p0 s0, s2;
	v1 =	vperm.xlane v1, v3  }
0x195: {  	vm0 =	vcmask $0x3F04;
	s6 =	simm.s32 $0xF208;
	s0 =	simm.s32 @!p0 $0x1;
	p1 =	por !p1, p0  }
0x196: {  	s3 =	sshll.u32 s16, $0x1;
	s2 =	sshll.u32 @!p0 s4, $0x9;
	s0 =	simm.s32 @p1 $0x0;
	v0 =	vsel vm0, v1, v0  }
0x197: {  	s5 =	sor.u32 $0x1000, s3;
	s2 =	sshra.s32 @!p0 s2, $0x2;
	s0 =	sor.u32 @!p0 s0, s3;
	[tilespmem:$0xF208] =	vst v0  }
0x198: {  	[spmem:s5] =	stream.linear.scatter [tilespmem:s6], [sflag:$0x1], $0x2, $0x38;
	[tilespmem:$0x1F6F8] =	vst v63  }
0x199: {  	s2 =	sadd.s32 @!p0 $0x108, s2;
	s0 =	sshll.u32 @!p0 s0, $0x7  }
0x19a: {  	[spmem:s0] =	stream.linear.scatter @!p0 [tilespmem:s2], [sflag:$0x1], $0x80, $0x38;
	[tilespmem:$0x1F6F8] =	vst v63  }
0x19b: {  	s0 =	simm.s32 @!p0 $0x82  }
0x19c: {  	s28 =	simm.s32 $0x1;
	s0 =	simm.s32 @p0 $0x2  }
0x19d: {  	_ =	swait.ge [sflag:s28], s0  }
0x19e: {  	s0 =	ssub.s32 $0x0, s0;
	[sflag:s28] =	ssyncset.done $0x0  }
0x19f: {  	p0 =	sne.s32 s16, $0x0;
	[sflag:s28] =	ssyncadd.s32 s0  }
.Ltmp25:
0x1a0: {  	_ =	sfence.stream.spmem;
	(pc) =	sbr.rel @p0 .LBB3_39-.Ltmp25, $4  }
0x1a1: {  	s29 =	simm.s32 $0x3;
	[bflag:$0x0] =	sbarrier.arrive $0xFFFF  }
0x1a2: {  	s30 =	simm.s32 $0x4;
	[sflag:s29] =	ssyncpa.u1 $0x1  }
0x1a3: {  	s31 =	simm.s32 $0x3C;
	[sflag:s30] =	ssyncpa.u1 $0x1  }
0x1a4: {  	s15 =	rddreg [dreg:$0x4];
	[sflag:s31] =	ssyncpa.u1 $0x1  }
0x1a5: {  	_ =	sfence.stream.spmem;
	s0 =	simm.s32 $0x5  }
0x1a6: {  	s2 =	simm.s32 $0x1000;
	s3 =	simm.s32 $0xF218;
	[sflag:s0] =	ssyncpa.u1 $0x0  }
0x1a7: {  	[tilespmem:s3], [sflag:$0x5] =	stream.linear.gather [spmem:s2], $0x20, $0x38;
	[tilespmem:$0x1F6F8] =	vst v63  }
0x1a8: {  	s26 =	simm.s32 $0x0;
	s28 =	simm.s32 $0xF238  }
0x1a9: {  	[tilespmem:s28], [sflag:$0x5] =	stream.linear.gather [spmem:s26], $0x1000, $0x38;
	[tilespmem:$0x1F6F8] =	vst v63  }
0x1aa: {  	_ =	swait.ge [sflag:s0], $0x1020  }
0x1ab: {  	[sflag:s0] =	ssyncset.done $0x0  }
0x1ac: {  	s29 =	simm.s32 $0x0;
	[sflag:s0] =	ssyncadd.s32 $0xFFFFEFE0  }
0x1ad: {  	v0 =	vld.msk [tilespmem:s29+$0xF218], $0x1;
	_ =	sdelay $0x1  }
0x1ae: {  	s30 =	simm.s32 $0x1  }
0x1af: {  	v1 =	vld.msk [tilespmem:s30+$0xF218], $0x1;
	_ =	sdelay $0x1  }
0x1b0: {  	(v2sf) =	vpush v0, $0x0;
	_ =	sdelay $0x2  }
0x1b1: {  	(v2sf) =	vpush v1, $0x0;
	_ =	sdelay $0x2  }
0x1b2: {  	s31 =	simm.s32 $0x2  }
0x1b3: {  	v0 =	vld.msk [tilespmem:s31+$0xF218], $0x1;
	_ =	sdelay $0x2  }
0x1b4: {  	s4 =	simm.s32 $0xFFFFFFFF;
	s5 =	simm.s32 $0xFFFFFFFF;
	s0 =	simm.s32 $0xC  }
.LBB3_24:
0x1b5: {  	s2 =	smov.u32 s5;
	s3 =	smov.u32 s4  }
0x1b6: {  	s4 =	sshra.s32 s0, $0x2;
	p1 =	sne.s32 s0, $0x7C;
	s0 =	sadd.s32 $0x4, s0;
	(v2sf) =	vpush v0, $0x0  }
0x1b7: {  	v0 =	vld.msk [tilespmem:s4+$0xF218], $0x1  }
.Ltmp26:
0x1b8: {  	(pc) =	sbr.rel @p1 .LBB3_24-.Ltmp26, $4  }
0x1b9: {  	s5 =	spop (v2sf)  }
0x1ba: {  	p2 =	sne.s32 s3, $0xFFFFFFFF;
	s4 =	smov.u32 s5  }
0x1bb: {  	p3 =	seq.s32 s5, $0xFFFFFFFF;
	s4 =	smov.u32 @p2 s3  }
0x1bc: {  	s5 =	smov.u32 @p3 s2;
	s4 =	smov.u32 @p3 s3  }
0x1bd: {  	(v2sf) =	vpush v0, $0x0;
	_ =	sdelay $0x8  }
0x1be: {  	s0 =	spop (v2sf)  }
0x1bf: {  	p1 =	sne.s32 s4, $0xFFFFFFFF;
	s2 =	smov.u32 s0  }
0x1c0: {  	s9 =	simm.s32 $0x6;
	p2 =	seq.s32 s0, $0xFFFFFFFF;
	s2 =	smov.u32 @p1 s4  }
0x1c1: {  	s6 =	simm.s32 $0x0;
	s2 =	smov.u32 @p2 s4;
	s3 =	spop (v2sf)  }
0x1c2: {  	s0 =	smov.u32 @p2 s5;
	p1 =	sne.s32 s2, $0xFFFFFFFF;
	s4 =	smov.u32 s3  }
.Ltmp27:
0x1c3: {  	p2 =	seq.s32 s3, $0xFFFFFFFF;
	s4 =	smov.u32 @p1 s2;
	(pc) =	sbr.rel .LBB3_26-.Ltmp27, $4  }
0x1c4: {  	s10 =	simm.s32 $0xF188;
	s4 =	smov.u32 @p2 s2;
	s7 =	spop (v2sf)  }
0x1c5: {  	s11 =	simm.s32 $0x0;
	p1 =	sne.s32 s4, $0xFFFFFFFF;
	s8 =	smov.u32 s7  }
0x1c6: {  	s3 =	smov.u32 @p2 s0;
	p2 =	seq.s32 s7, $0xFFFFFFFF;
	s8 =	smov.u32 @p1 s4  }
0x1c7: {  	[sflag:s9] =	ssyncpa.u1 $0x0;
	s7 =	smov.u32 @p2 s3;
	s8 =	smov.u32 @p2 s4  }
.LBB3_32:
0x1c8: {  	p1 =	sgt.u32 s12, $0x270F0  }
0x1c9: {  	p2 =	seq.s32 @!p1 s12, s8  }
0x1ca: {  	p1 =	por p1, p2  }
0x1cb: {  	p2 =	sne.s32 @!p1 s12, s7  }
0x1cc: {  	p1 =	por p1, !p2  }
0x1cd: {  	s0 =	sshll.u32 @p1 s11, $0x9  }
0x1ce: {  	s0 =	sand.u32 @!p1 $0x3FFF8, s12  }
0x1cf: {  	s2 =	sand.u32 @!p1 $0x7, s12;
	s0 =	sadd.s32 @!p1 s1, s0  }
0x1d0: {  	[tilespmem:s10], [sflag:$0x6] =	stream.linear.gather @!p1 [hbm4b:s0+s2], $0x80, $0x38;
	[tilespmem:$0x1F6F8] =	vst v63  }
0x1d1: {  	_ =	swait.ge @!p1 [sflag:s9], $0x80  }
0x1d2: {  	[sflag:s9] =	ssyncset.done @!p1 $0x0  }
0x1d3: {  	[sflag:s9] =	ssyncadd.s32 @!p1 $0xFFFFFF80  }
0x1d4: {  	v1 =	vld @!p1 [tilespmem:$0xF188];
	_ =	sdelay $0x2  }
0x1d5: {  	s0 =	sshll.u32 @!p1 s11, $0x9  }
0x1d6: {  	s2 =	sshrl.u32 @!p1 s0, $0x2  }
0x1d7: {  	[tilespmem:s2+$0xF238] =	vst.add.f32.msk @!p1 $0xffff, v1  }
0x1d8: {  	v1 =	vld @!p1 [tilespmem:$0xF198];
	_ =	sdelay $0x4  }
0x1d9: {  	[tilespmem:s2+$0xF248] =	vst.add.f32.msk @!p1 $0xffff, v1  }
0x1da: {  	v1 =	vld @!p1 [tilespmem:$0xF1A8];
	_ =	sdelay $0x4  }
0x1db: {  	[tilespmem:s2+$0xF258] =	vst.add.f32.msk @!p1 $0xffff, v1  }
0x1dc: {  	v1 =	vld @!p1 [tilespmem:$0xF1B8];
	_ =	sdelay $0x4  }
0x1dd: {  	[tilespmem:s2+$0xF268] =	vst.add.f32.msk @!p1 $0xffff, v1  }
0x1de: {  	v1 =	vld @!p1 [tilespmem:$0xF1C8];
	_ =	sdelay $0x4  }
0x1df: {  	[tilespmem:s2+$0xF278] =	vst.add.f32.msk @!p1 $0xffff, v1  }
0x1e0: {  	v1 =	vld @!p1 [tilespmem:$0xF1D8];
	_ =	sdelay $0x4  }
0x1e1: {  	[tilespmem:s2+$0xF288] =	vst.add.f32.msk @!p1 $0xffff, v1  }
0x1e2: {  	v1 =	vld @!p1 [tilespmem:$0xF1E8];
	_ =	sdelay $0x4  }
0x1e3: {  	[tilespmem:s2+$0xF298] =	vst.add.f32.msk @!p1 $0xffff, v1  }
0x1e4: {  	v1 =	vld @!p1 [tilespmem:$0xF1F8];
	_ =	sdelay $0x4  }
0x1e5: {  	[tilespmem:s2+$0xF2A8] =	vst.add.f32.msk @!p1 $0xffff, v1  }
0x1e6: {  	s0 =	sshrl.u32 s0, $0x2;
	[tilespmem:s6+$0xF218] =	vst.msk $0x1, v0  }
0x1e7: {  	v0 =	vld [tilespmem:s0+$0xF238];
	_ =	sdelay $0x2  }
0x1e8: {  	s31 =	sshll.u32 s6, $0x9  }
0x1e9: {  	s2 =	sshra.s32 s31, $0x2  }
0x1ea: {  	[tilespmem:s2+$0xF238] =	vst v0  }
0x1eb: {  	v0 =	vld [tilespmem:s0+$0xF248];
	_ =	sdelay $0x4  }
0x1ec: {  	[tilespmem:s2+$0xF248] =	vst v0  }
0x1ed: {  	v0 =	vld [tilespmem:s0+$0xF258];
	_ =	sdelay $0x4  }
0x1ee: {  	[tilespmem:s2+$0xF258] =	vst v0  }
0x1ef: {  	v0 =	vld [tilespmem:s0+$0xF268];
	_ =	sdelay $0x4  }
0x1f0: {  	[tilespmem:s2+$0xF268] =	vst v0  }
0x1f1: {  	v0 =	vld [tilespmem:s0+$0xF278];
	_ =	sdelay $0x4  }
0x1f2: {  	[tilespmem:s2+$0xF278] =	vst v0  }
0x1f3: {  	v0 =	vld [tilespmem:s0+$0xF288];
	_ =	sdelay $0x4  }
0x1f4: {  	[tilespmem:s2+$0xF288] =	vst v0  }
0x1f5: {  	v0 =	vld [tilespmem:s0+$0xF298];
	_ =	sdelay $0x4  }
0x1f6: {  	[tilespmem:s2+$0xF298] =	vst v0  }
0x1f7: {  	v0 =	vld [tilespmem:s0+$0xF2A8];
	_ =	sdelay $0x4  }
0x1f8: {  	s6 =	sadd.s32 $0x1, s6;
	[tilespmem:s2+$0xF2A8] =	vst v0  }
.LBB3_33:
0x1f9: {  	s11 =	sadd.s32 $0x1, s11  }
0x1fa: {  	p1 =	sne.s32 s11, $0x20  }
.Ltmp28:
0x1fb: {  	_ = 	snop;
	(pc) =	sbr.rel @!p1 .LBB3_34-.Ltmp28, $1  }
0x1fc: {  	_ =	sdelay $0x3  }
.LBB3_26:
0x1fd: {  	v0 =	vld.msk [tilespmem:s11+$0xF218], $0x1;
	_ =	sdelay $0x4  }
0x1fe: {  	(v2sf) =	vpush v0, $0x0;
	_ =	sdelay $0xe  }
0x1ff: {  	s12 =	spop (v2sf)  }
0x200: {  	p1 =	seq.s32 s12, $0xFFFFFFFF  }
.Ltmp29:
0x201: {  	_ = 	snop;
	(pc) =	sbr.rel @p1 .LBB3_33-.Ltmp29, $1  }
0x202: {  	_ =	sdelay $0x3  }
0x203: {  	p1 =	slt.s32 s6, $0x1  }
.Ltmp30:
0x204: {  	_ = 	snop;
	(pc) =	sbr.rel @p1 .LBB3_32-.Ltmp30, $1  }
0x205: {  	_ =	sdelay $0x3  }
0x206: {  	s13 =	simm.s32 $0xF218;
	p1 =	por $0x0, $0x0  }
0x207: {  	v1 =	vld.msk @!p1 [tilespmem:s13+$0x0], $0x1;
	_ =	sdelay $0x4  }
0x208: {  	(v2sf) =	vpush @!p1 v1, $0x0;
	_ =	sdelay $0xd  }
0x209: {  	p3 =	sne.s32 s6, $0x1  }
.Ltmp31:
0x20a: {  	s0 =	spop @!p1 (v2sf);
	(pc) =	sbr.rel @!p3 .LBB3_30-.Ltmp31, $4  }
0x20b: {  	p2 =	seq.s32 @!p1 s12, s0  }
0x20c: {  	s14 =	simm.s32 $0x0;
	p2 =	por !p2, p1  }
0x20d: {  	s2 =	simm.s32 $0xFFFFFFFF;
	s14 =	simm.s32 @p2 $0xFFFFFFFF  }
0x20e: {  	s0 =	simm.s32 $0x1;
	s14 =	smov.u32 @p1 s2  }
.LBB3_29:
0x20f: {  	s2 =	smov.u32 s14;
	p1 =	sne.s32 s14, $0xFFFFFFFF  }
0x210: {  	s13 =	sadd.s32 $0x1, s13;
	s14 =	smov.u32 s0;
	s0 =	sadd.s32 $0x1, s0  }
0x211: {  	p2 =	sne.s32 s6, s0;
	v1 =	vld.msk @!p1 [tilespmem:s13+$0x0], $0x1;
	_ =	sdelay $0x4  }
0x212: {  	(v2sf) =	vpush @!p1 v1, $0x0;
	_ =	sdelay $0xe  }
.Ltmp32:
0x213: {  	s3 =	spop @!p1 (v2sf);
	(pc) =	sbr.rel @p2 .LBB3_29-.Ltmp32, $4  }
0x214: {  	p3 =	seq.s32 @!p1 s12, s3  }
0x215: {  	p3 =	por !p3, p1  }
0x216: {  	s14 =	simm.s32 @p3 $0xFFFFFFFF  }
0x217: {  	s14 =	smov.u32 @p1 s2  }
.LBB3_30:
0x218: {  	p1 =	seq.s32 s14, $0xFFFFFFFF  }
.Ltmp33:
0x219: {  	_ = 	snop;
	(pc) =	sbr.rel @p1 .LBB3_32-.Ltmp33, $1  }
0x21a: {  	_ =	sdelay $0x3  }
0x21b: {  	s0 =	sshll.u32 s11, $0x7  }
0x21c: {  	s0 =	sand.u32 $0x3FFFFF80, s0  }
0x21d: {  	v0 =	vld [tilespmem:s0+$0xF238];
	_ =	sdelay $0x2  }
0x21e: {  	s2 =	sshll.u32 s14, $0x9  }
0x21f: {  	s2 =	sshra.s32 s2, $0x2  }
0x220: {  	[tilespmem:s2+$0xF238] =	vst.add.f32.msk $0xffff, v0  }
0x221: {  	v0 =	vld [tilespmem:s0+$0xF248];
	_ =	sdelay $0x4  }
0x222: {  	[tilespmem:s2+$0xF248] =	vst.add.f32.msk $0xffff, v0  }
0x223: {  	v0 =	vld [tilespmem:s0+$0xF258];
	_ =	sdelay $0x4  }
0x224: {  	[tilespmem:s2+$0xF258] =	vst.add.f32.msk $0xffff, v0  }
0x225: {  	v0 =	vld [tilespmem:s0+$0xF268];
	_ =	sdelay $0x4  }
0x226: {  	[tilespmem:s2+$0xF268] =	vst.add.f32.msk $0xffff, v0  }
0x227: {  	v0 =	vld [tilespmem:s0+$0xF278];
	_ =	sdelay $0x4  }
0x228: {  	[tilespmem:s2+$0xF278] =	vst.add.f32.msk $0xffff, v0  }
0x229: {  	v0 =	vld [tilespmem:s0+$0xF288];
	_ =	sdelay $0x4  }
0x22a: {  	[tilespmem:s2+$0xF288] =	vst.add.f32.msk $0xffff, v0  }
0x22b: {  	v0 =	vld [tilespmem:s0+$0xF298];
	_ =	sdelay $0x4  }
0x22c: {  	[tilespmem:s2+$0xF298] =	vst.add.f32.msk $0xffff, v0  }
0x22d: {  	v0 =	vld [tilespmem:s0+$0xF2A8]  }
.Ltmp34:
0x22e: {  	_ = 	snop;
	(pc) =	sbr.rel .LBB3_33-.Ltmp34, $2  }
0x22f: {  	_ =	sdelay $0x2  }
0x230: {  	[tilespmem:s2+$0xF2A8] =	vst.add.f32.msk $0xffff, v0  }
.LBB3_34:
0x231: {  	s0 =	simm.s32 $0x6;
	p1 =	seq.s32 s6, $0x0  }
0x232: {  	[sflag:s0] =	ssyncpa.u1 $0x1;
	v0 =	vimm.s32 @p1 $0xFFFFFFFF  }
0x233: {  	s9 =	sadd.s32 $0xFFFFFFFF, s6;
	[tilespmem:$0x10238] =	vst @p1 v0  }
0x234: {  	v0 =	vld.msk @!p1 [tilespmem:s9+$0xF218], $0x1;
	_ =	sdelay $0x1  }
0x235: {  	v1 =	vld.msk @!p1 [tilespmem:$0xF218], $0x1;
	_ =	sdelay $0x2  }
0x236: {  	p2 =	seq.s32 @!p1 s9, $0x0;
	v0 =	vbroadcast @!p1 v0, $0x0  }
0x237: {  	vm0 =	vmmov @!p1 $0x1;
	p2 =	por !p2, p1  }
0x238: {  	v1 =	vnsel @!p1 vm0, $0xFFFFFFFF, v1;
	vm0 =	vcmask @!p1 $0x308;
	v0 =	vpsel !p2, $0xFFFFFFFF, v0  }
0x239: {  	p2 =	sne.s32 @!p1 s8, s7;
	v0 =	vsel @!p1 vm0, v1, v0  }
0x23a: {  	s0 =	simm.s32 @!p1 $0xF238;
	s2 =	simm.s32 @!p1 $0x0;
	p3 =	por !p2, p1;
	[tilespmem:$0x10238] =	vst @!p1 v0  }
0x23b: {  	[spmem:s2] =	stream.linear.scatter @!p1 [tilespmem:s0], [sflag:$0x1], $0x80, $0x38;
	[tilespmem:$0x1F6F8] =	vst v63  }
0x23c: {  	s0 =	sshll.u32 @!p3 s9, $0x9  }
0x23d: {  	s0 =	sshra.s32 @!p3 s0, $0x2  }
0x23e: {  	s2 =	simm.s32 @!p3 $0x80;
	s0 =	sadd.s32 @!p3 $0xF238, s0  }
0x23f: {  	[spmem:s2] =	stream.linear.scatter @!p3 [tilespmem:s0], [sflag:$0x1], $0x80, $0x38;
	[tilespmem:$0x1F6F8] =	vst v63  }
0x240: {  	s0 =	simm.s32 @!p3 $0x1  }
0x241: {  	_ =	swait.ge @!p3 [sflag:s0], $0x100  }
0x242: {  	p1 =	por p2, p1;
	[sflag:s0] =	ssyncset.done @!p3 $0x0  }
0x243: {  	[sflag:s0] =	ssyncadd.s32 @!p3 $0xFFFFFF00;
	s0 =	simm.s32 @!p1 $0x1  }
0x244: {  	_ =	swait.ge @!p1 [sflag:s0], $0x80  }
0x245: {  	s29 =	simm.s32 $0x10238;
	[sflag:s0] =	ssyncset.done @!p1 $0x0  }
0x246: {  	s30 =	simm.s32 $0x1000;
	s31 =	simm.s32 $0x1;
	[sflag:s0] =	ssyncadd.s32 @!p1 $0xFFFFFF80  }
0x247: {  	[spmem:s30] =	stream.linear.scatter [tilespmem:s29], [sflag:$0x1], $0x10, $0x38;
	[tilespmem:$0x1F6F8] =	vst v63  }
0x248: {  	_ =	swait.ge [sflag:s31], $0x10  }
0x249: {  	[sflag:s31] =	ssyncset.done $0x0  }
0x24a: {  	p1 =	seq.s32 s15, $0x0;
	s8 =	rddreg [dreg:$0x1];
	[sflag:s31] =	ssyncadd.s32 $0xFFFFFFF0  }
0x24b: {  	s2 =	sshll.u32 @p1 s8, $0xE;
	s7 =	rddreg [dreg:$0x2]  }
0x24c: {  	s0 =	sadd.s32 @p1 $0x15C3C, s2;
	s2 =	sshll.u32 @p1 s7, $0x11  }
0x24d: {  	_ =	sfence.stream.spmem;
	s0 =	sor.u32 @p1 s2, s0  }
0x24e: {  	[sflag:s0] =	ssyncadd.remote.s32 @p1 $0x1;
	s0 =	simm.s32 @p1 $0x4  }
0x24f: {  	s3 =	simm.s32 @!p1 $0x3C;
	s2 =	sand.u32 $0xFFFFFFFE, s8;
	_ =	swait.ge @p1 [sflag:s0], $0x22  }
0x250: {  	s4 =	simm.s32 @!p1 $0x0;
	s2 =	sadd.s32 @!p1 $0x4, s2;
	[sflag:s0] =	ssyncset.done @p1 $0x0  }
0x251: {  	s5 =	simm.s32 @!p1 $0x100;
	[sflag:s0] =	ssyncadd.s32 @p1 $0xFFFFFFDE;
	s0 =	sshll.u32 @!p1 s2, $0x1A  }
0x252: {  	s2 =	sshll.u32 @!p1 s2, $0xD;
	s0 =	sor.u32 @!p1 s0, s7;
	_ =	swait.eq @!p1 [sflag:s3], $0x1  }
0x253: {  	s2 =	sor.u32 @!p1 $0x1C04, s2;
	s3 =	simm.s32 @!p1 $0x1C03;
	s0 =	sor.u32 @!p1 $0x80004000, s0  }
0x254: {  	[spmem:s5], [sflag:s2] =	dma.general @!p1 [spmem:s4], [sflag:s3], length:$0x20, [dreg:$0x0], stride_count:$0x0, ici_dest:s0, dma_misc:DstOpCode:WRITE  }
0x255: {  	p2 =	slt.s32 s9, $0x2;
	s4 =	simm.s32 @!p1 $0x200;
	s5 =	simm.s32 @!p1 $0x202  }
0x256: {  	[spmem:s5], [sflag:s2] =	dma.general @!p1 [spmem:s4], [sflag:s3], length:$0x2, [dreg:$0x0], stride_count:$0x0, ici_dest:s0, dma_misc:DstOpCode:WRITE  }
.Ltmp35:
0x257: {  	s0 =	simm.s32 @!p1 $0x3;
	(pc) =	sbr.rel @p2 .LBB3_38-.Ltmp35, $4  }
0x258: {  	s2 =	sshll.u32 @!p1 s8, $0xE;
	_ =	swait.ge @!p1 [sflag:s0], $0x22  }
0x259: {  	s3 =	sshll.u32 @!p1 s7, $0x11;
	s2 =	sadd.s32 @!p1 $0x11C3C, s2;
	[sflag:s0] =	ssyncset.done @!p1 $0x0  }
0x25a: {  	[sflag:s0] =	ssyncadd.s32 @!p1 $0xFFFFFFDE;
	s0 =	sor.u32 @!p1 s3, s2  }
0x25b: {  	[sflag:s0] =	ssyncadd.remote.s32 @!p1 $0xFFFFFFFF;
	s0 =	simm.s32 $0x0  }
0x25c: {  	s0 =	simm.s32 $0xF219  }
0x25d: {  	v0 =	vld.msk [tilespmem:s0+$0x0], $0x1;
	_ =	sdelay $0x4  }
0x25e: {  	(v2sf) =	vpush v0, $0x0;
	_ =	sdelay $0xb  }
0x25f: {  	s31 =	sadd.s32 $0xFFFFFFFE, s6  }
0x260: {  	s0 =	sadd.s32 $0xFFFFFFFF, s31  }
0x261: {  	p2 =	sne.s32 s0, $0x0  }
.Ltmp36:
0x262: {  	s2 =	spop (v2sf);
	(pc) =	sbr.rel @!p2 .LBB3_37-.Ltmp36, $4  }
0x263: {  	s4 =	simm.s32 $0xF2B8;
	s7 =	simm.s32 $0x0;
	p1 =	sgt.u32 s2, $0x270F0  }
0x264: {  	s5 =	simm.s32 $0x0;
	s6 =	simm.s32 $0xF21A;
	s3 =	sand.u32 @!p1 $0x3FFF8, s2  }
0x265: {  	s2 =	sand.u32 @!p1 $0x7, s2;
	s7 =	simm.s32 @!p1 $0x200;
	s3 =	sadd.s32 @!p1 s1, s3  }
0x266: {  	[hbm4b:s3+s2] =	stream.linear.scatter @!p1 [tilespmem:s4], [sflag:$0x5], $0x80, $0x38;
	[tilespmem:$0x1F6F8] =	vst v63  }
.LBB3_36:
0x267: {  	v0 =	vld.msk [tilespmem:s6+$0x0], $0x1;
	s0 =	sadd.s32 $0xFFFFFFFF, s0;
	s5 =	sadd.s32 s5, s7  }
0x268: {  	p1 =	sne.s32 s0, $0x0;
	_ =	sdelay $0x3  }
0x269: {  	(v2sf) =	vpush v0, $0x0;
	_ =	sdelay $0xe  }
.Ltmp37:
0x26a: {  	s2 =	spop (v2sf);
	(pc) =	sbr.rel @p1 .LBB3_36-.Ltmp37, $4  }
0x26b: {  	s7 =	simm.s32 $0x0;
	p2 =	sgt.u32 s2, $0x270F0  }
0x26c: {  	s4 =	sadd.s32 $0x80, s4;
	s7 =	simm.s32 @!p2 $0x200;
	s3 =	sand.u32 @!p2 $0x3FFF8, s2  }
0x26d: {  	s6 =	sadd.s32 $0x1, s6;
	s2 =	sand.u32 @!p2 $0x7, s2;
	s3 =	sadd.s32 @!p2 s1, s3  }
0x26e: {  	[hbm4b:s3+s2] =	stream.linear.scatter @!p2 [tilespmem:s4], [sflag:$0x5], $0x80, $0x38;
	[tilespmem:$0x1F6F8] =	vst v63  }
.LBB3_37:
0x26f: {  	s0 =	sadd.s32 s5, s7  }
0x270: {  	s0 =	sshrl.u32 s0, $0x2  }
.LBB3_38:
0x271: {  	s2 =	simm.s32 $0x5  }
0x272: {  	_ =	swait.ge [sflag:s2], s0  }
0x273: {  	s31 =	ssub.s32 $0x0, s0;
	[sflag:s2] =	ssyncset.done $0x0  }
0x274: {  	[sflag:s2] =	ssyncadd.s32 s31  }
0x275: {  	[sflag:s2] =	ssyncpa.u1 $0x1  }
.LBB3_39:
0x276: {  	s0 =	sor.u32 s15, s16  }
0x277: {  	p1 =	sne.s32 s0, $0x0  }
.Ltmp38:
0x278: {  	_ = 	snop;
	(pc) =	sbr.rel @p1 .LBB3_54-.Ltmp38, $3  }
0x279: {  	_ =	sdelay $0x1  }
0x27a: {  	[bflag:$0x0] =	sbarrier.arrive $0xFFFF  }
0x27b: {  	_ =	sfence  }
0x27c: {  	s0 =	simm.s32 $0x7  }
0x27d: {  	s2 =	simm.s32 $0x1000;
	s3 =	simm.s32 $0xF218;
	[sflag:s0] =	ssyncpa.u1 $0x0  }
0x27e: {  	[tilespmem:s3], [sflag:$0x7] =	stream.linear.gather [spmem:s2], $0x20, $0x38;
	[tilespmem:$0x1F6F8] =	vst v63  }
0x27f: {  	s30 =	simm.s32 $0xF238;
	s2 =	simm.s32 $0x0  }
0x280: {  	[tilespmem:s30], [sflag:$0x7] =	stream.linear.gather [spmem:s2], $0x1000, $0x38;
	[tilespmem:$0x1F6F8] =	vst v63  }
.Ltmp39:
0x281: {  	_ = 	snop;
	(pc) =	sbr.rel .LBB3_41-.Ltmp39, $4  }
0x282: {  	_ =	swait.ge [sflag:s0], $0x1020  }
0x283: {  	[sflag:s0] =	ssyncset.done $0x0  }
0x284: {  	s31 =	simm.s32 $0x8;
	[sflag:s0] =	ssyncadd.s32 $0xFFFFEFE0  }
0x285: {  	s3 =	simm.s32 $0x0;
	[sflag:s31] =	ssyncpa.u1 $0x0  }
.LBB3_47:
0x286: {  	p1 =	slt.u32 s4, $0x270F1  }
0x287: {  	s0 =	sand.u32 @p1 $0x3FFF8, s4  }
0x288: {  	s4 =	sand.u32 @p1 $0x7, s4;
	s5 =	simm.s32 @p1 $0xF188;
	s0 =	sadd.s32 @p1 s1, s0  }
0x289: {  	[tilespmem:s5], [sflag:$0x8] =	stream.linear.gather @p1 [hbm4b:s0+s4], $0x80, $0x38;
	[tilespmem:$0x1F6F8] =	vst v63  }
0x28a: {  	s0 =	simm.s32 @p1 $0x8  }
0x28b: {  	_ =	swait.ge @p1 [sflag:s0], $0x80  }
0x28c: {  	[sflag:s0] =	ssyncset.done @p1 $0x0  }
0x28d: {  	[sflag:s0] =	ssyncadd.s32 @p1 $0xFFFFFF80  }
0x28e: {  	v1 =	vld @p1 [tilespmem:$0xF188];
	_ =	sdelay $0x2  }
0x28f: {  	s0 =	sshll.u32 @p1 s3, $0x9  }
0x290: {  	s4 =	sshrl.u32 @p1 s0, $0x2  }
0x291: {  	[tilespmem:s4+$0xF238] =	vst.add.f32.msk @p1 $0xffff, v1  }
0x292: {  	v1 =	vld @p1 [tilespmem:$0xF198];
	_ =	sdelay $0x4  }
0x293: {  	[tilespmem:s4+$0xF248] =	vst.add.f32.msk @p1 $0xffff, v1  }
0x294: {  	v1 =	vld @p1 [tilespmem:$0xF1A8];
	_ =	sdelay $0x4  }
0x295: {  	[tilespmem:s4+$0xF258] =	vst.add.f32.msk @p1 $0xffff, v1  }
0x296: {  	v1 =	vld @p1 [tilespmem:$0xF1B8];
	_ =	sdelay $0x4  }
0x297: {  	[tilespmem:s4+$0xF268] =	vst.add.f32.msk @p1 $0xffff, v1  }
0x298: {  	v1 =	vld @p1 [tilespmem:$0xF1C8];
	_ =	sdelay $0x4  }
0x299: {  	[tilespmem:s4+$0xF278] =	vst.add.f32.msk @p1 $0xffff, v1  }
0x29a: {  	v1 =	vld @p1 [tilespmem:$0xF1D8];
	_ =	sdelay $0x4  }
0x29b: {  	[tilespmem:s4+$0xF288] =	vst.add.f32.msk @p1 $0xffff, v1  }
0x29c: {  	v1 =	vld @p1 [tilespmem:$0xF1E8];
	_ =	sdelay $0x4  }
0x29d: {  	[tilespmem:s4+$0xF298] =	vst.add.f32.msk @p1 $0xffff, v1  }
0x29e: {  	v1 =	vld @p1 [tilespmem:$0xF1F8];
	_ =	sdelay $0x3  }
0x29f: {  	s5 =	sshll.u32 @!p1 s3, $0x9  }
0x2a0: {  	s5 =	smov.u32 @p1 s0;
	[tilespmem:s4+$0xF2A8] =	vst.add.f32.msk @p1 $0xffff, v1  }
0x2a1: {  	s0 =	sshrl.u32 s5, $0x2;
	[tilespmem:s2+$0xF218] =	vst.msk $0x1, v0  }
0x2a2: {  	v0 =	vld [tilespmem:s0+$0xF238];
	_ =	sdelay $0x2  }
0x2a3: {  	s31 =	sshll.u32 s2, $0x9  }
0x2a4: {  	s4 =	sshra.s32 s31, $0x2  }
0x2a5: {  	[tilespmem:s4+$0xF238] =	vst v0  }
0x2a6: {  	v0 =	vld [tilespmem:s0+$0xF248];
	_ =	sdelay $0x4  }
0x2a7: {  	[tilespmem:s4+$0xF248] =	vst v0  }
0x2a8: {  	v0 =	vld [tilespmem:s0+$0xF258];
	_ =	sdelay $0x4  }
0x2a9: {  	[tilespmem:s4+$0xF258] =	vst v0  }
0x2aa: {  	v0 =	vld [tilespmem:s0+$0xF268];
	_ =	sdelay $0x4  }
0x2ab: {  	[tilespmem:s4+$0xF268] =	vst v0  }
0x2ac: {  	v0 =	vld [tilespmem:s0+$0xF278];
	_ =	sdelay $0x4  }
0x2ad: {  	[tilespmem:s4+$0xF278] =	vst v0  }
0x2ae: {  	v0 =	vld [tilespmem:s0+$0xF288];
	_ =	sdelay $0x4  }
0x2af: {  	[tilespmem:s4+$0xF288] =	vst v0  }
0x2b0: {  	v0 =	vld [tilespmem:s0+$0xF298];
	_ =	sdelay $0x4  }
0x2b1: {  	[tilespmem:s4+$0xF298] =	vst v0  }
0x2b2: {  	v0 =	vld [tilespmem:s0+$0xF2A8];
	_ =	sdelay $0x4  }
0x2b3: {  	s2 =	sadd.s32 $0x1, s2;
	[tilespmem:s4+$0xF2A8] =	vst v0  }
.LBB3_48:
0x2b4: {  	s3 =	sadd.s32 $0x1, s3  }
0x2b5: {  	p1 =	sne.s32 s3, $0x20  }
.Ltmp40:
0x2b6: {  	_ = 	snop;
	(pc) =	sbr.rel @!p1 .LBB3_49-.Ltmp40, $1  }
0x2b7: {  	_ =	sdelay $0x3  }
.LBB3_41:
0x2b8: {  	v0 =	vld.msk [tilespmem:s3+$0xF218], $0x1;
	_ =	sdelay $0x4  }
0x2b9: {  	(v2sf) =	vpush v0, $0x0;
	_ =	sdelay $0xe  }
0x2ba: {  	s4 =	spop (v2sf)  }
0x2bb: {  	p1 =	seq.s32 s4, $0xFFFFFFFF  }
.Ltmp41:
0x2bc: {  	_ = 	snop;
	(pc) =	sbr.rel @p1 .LBB3_48-.Ltmp41, $1  }
0x2bd: {  	_ =	sdelay $0x3  }
0x2be: {  	p1 =	slt.s32 s2, $0x1  }
.Ltmp42:
0x2bf: {  	_ = 	snop;
	(pc) =	sbr.rel @p1 .LBB3_47-.Ltmp42, $1  }
0x2c0: {  	_ =	sdelay $0x3  }
0x2c1: {  	s5 =	simm.s32 $0xF218;
	p1 =	por $0x0, $0x0  }
0x2c2: {  	v1 =	vld.msk @!p1 [tilespmem:s5+$0x0], $0x1;
	_ =	sdelay $0x4  }
0x2c3: {  	(v2sf) =	vpush @!p1 v1, $0x0;
	_ =	sdelay $0xd  }
0x2c4: {  	p3 =	sne.s32 s2, $0x1  }
.Ltmp43:
0x2c5: {  	s0 =	spop @!p1 (v2sf);
	(pc) =	sbr.rel @!p3 .LBB3_45-.Ltmp43, $4  }
0x2c6: {  	p2 =	seq.s32 @!p1 s4, s0  }
0x2c7: {  	s6 =	simm.s32 $0x0;
	p2 =	por !p2, p1  }
0x2c8: {  	s7 =	simm.s32 $0xFFFFFFFF;
	s6 =	simm.s32 @p2 $0xFFFFFFFF  }
0x2c9: {  	s0 =	simm.s32 $0x1;
	s6 =	smov.u32 @p1 s7  }
.LBB3_44:
0x2ca: {  	s7 =	smov.u32 s6;
	p1 =	sne.s32 s6, $0xFFFFFFFF  }
0x2cb: {  	s5 =	sadd.s32 $0x1, s5;
	s6 =	smov.u32 s0;
	s0 =	sadd.s32 $0x1, s0  }
0x2cc: {  	p2 =	sne.s32 s2, s0;
	v1 =	vld.msk @!p1 [tilespmem:s5+$0x0], $0x1;
	_ =	sdelay $0x4  }
0x2cd: {  	(v2sf) =	vpush @!p1 v1, $0x0;
	_ =	sdelay $0xe  }
.Ltmp44:
0x2ce: {  	s8 =	spop @!p1 (v2sf);
	(pc) =	sbr.rel @p2 .LBB3_44-.Ltmp44, $4  }
0x2cf: {  	p3 =	seq.s32 @!p1 s4, s8  }
0x2d0: {  	p3 =	por !p3, p1  }
0x2d1: {  	s6 =	simm.s32 @p3 $0xFFFFFFFF  }
0x2d2: {  	s6 =	smov.u32 @p1 s7  }
.LBB3_45:
0x2d3: {  	p1 =	seq.s32 s6, $0xFFFFFFFF  }
.Ltmp45:
0x2d4: {  	_ = 	snop;
	(pc) =	sbr.rel @p1 .LBB3_47-.Ltmp45, $1  }
0x2d5: {  	_ =	sdelay $0x3  }
0x2d6: {  	s0 =	sshll.u32 s3, $0x7  }
0x2d7: {  	s0 =	sand.u32 $0x3FFFFF80, s0  }
0x2d8: {  	v0 =	vld [tilespmem:s0+$0xF238];
	_ =	sdelay $0x2  }
0x2d9: {  	s4 =	sshll.u32 s6, $0x9  }
0x2da: {  	s4 =	sshra.s32 s4, $0x2  }
0x2db: {  	[tilespmem:s4+$0xF238] =	vst.add.f32.msk $0xffff, v0  }
0x2dc: {  	v0 =	vld [tilespmem:s0+$0xF248];
	_ =	sdelay $0x4  }
0x2dd: {  	[tilespmem:s4+$0xF248] =	vst.add.f32.msk $0xffff, v0  }
0x2de: {  	v0 =	vld [tilespmem:s0+$0xF258];
	_ =	sdelay $0x4  }
0x2df: {  	[tilespmem:s4+$0xF258] =	vst.add.f32.msk $0xffff, v0  }
0x2e0: {  	v0 =	vld [tilespmem:s0+$0xF268];
	_ =	sdelay $0x4  }
0x2e1: {  	[tilespmem:s4+$0xF268] =	vst.add.f32.msk $0xffff, v0  }
0x2e2: {  	v0 =	vld [tilespmem:s0+$0xF278];
	_ =	sdelay $0x4  }
0x2e3: {  	[tilespmem:s4+$0xF278] =	vst.add.f32.msk $0xffff, v0  }
0x2e4: {  	v0 =	vld [tilespmem:s0+$0xF288];
	_ =	sdelay $0x4  }
0x2e5: {  	[tilespmem:s4+$0xF288] =	vst.add.f32.msk $0xffff, v0  }
0x2e6: {  	v0 =	vld [tilespmem:s0+$0xF298];
	_ =	sdelay $0x4  }
0x2e7: {  	[tilespmem:s4+$0xF298] =	vst.add.f32.msk $0xffff, v0  }
0x2e8: {  	v0 =	vld [tilespmem:s0+$0xF2A8]  }
.Ltmp46:
0x2e9: {  	_ = 	snop;
	(pc) =	sbr.rel .LBB3_48-.Ltmp46, $2  }
0x2ea: {  	_ =	sdelay $0x2  }
0x2eb: {  	[tilespmem:s4+$0xF2A8] =	vst.add.f32.msk $0xffff, v0  }
.LBB3_49:
0x2ec: {  	p1 =	slt.s32 s2, $0x1  }
.Ltmp47:
0x2ed: {  	_ = 	snop;
	(pc) =	sbr.rel @p1 .LBB3_53-.Ltmp47, $3  }
0x2ee: {  	_ =	sdelay $0x1  }
0x2ef: {  	s0 =	simm.s32 $0x8  }
0x2f0: {  	s3 =	simm.s32 $0x0;
	[sflag:s0] =	ssyncpa.u1 $0x1  }
0x2f1: {  	s0 =	simm.s32 $0xF218  }
0x2f2: {  	v0 =	vld.msk [tilespmem:s0+$0x0], $0x1;
	_ =	sdelay $0x4  }
0x2f3: {  	(v2sf) =	vpush v0, $0x0;
	_ =	sdelay $0xe  }
0x2f4: {  	s0 =	sadd.s32 $0xFFFFFFFF, s2;
	s5 =	spop (v2sf)  }
0x2f5: {  	p2 =	sne.s32 s0, $0x0;
	p1 =	sgt.u32 s5, $0x270F0  }
.Ltmp48:
0x2f6: {  	s6 =	sand.u32 @!p1 $0x3FFF8, s5;
	(pc) =	sbr.rel @!p2 .LBB3_52-.Ltmp48, $4  }
0x2f7: {  	s4 =	simm.s32 $0xF238;
	s5 =	sand.u32 @!p1 $0x7, s5;
	s2 =	sadd.s32 @!p1 s1, s6  }
0x2f8: {  	[hbm4b:s2+s5] =	stream.linear.scatter @!p1 [tilespmem:s4], [sflag:$0x7], $0x80, $0x38;
	[tilespmem:$0x1F6F8] =	vst v63  }
0x2f9: {  	s5 =	simm.s32 $0x0  }
0x2fa: {  	s2 =	simm.s32 $0xF219;
	s5 =	simm.s32 @!p1 $0x200  }
.LBB3_51:
0x2fb: {  	v0 =	vld.msk [tilespmem:s2+$0x0], $0x1;
	s0 =	sadd.s32 $0xFFFFFFFF, s0;
	s3 =	sadd.s32 s3, s5  }
0x2fc: {  	p1 =	sne.s32 s0, $0x0;
	_ =	sdelay $0x3  }
0x2fd: {  	(v2sf) =	vpush v0, $0x0;
	_ =	sdelay $0xe  }
.Ltmp49:
0x2fe: {  	s6 =	spop (v2sf);
	(pc) =	sbr.rel @p1 .LBB3_51-.Ltmp49, $4  }
0x2ff: {  	s5 =	simm.s32 $0x0;
	p2 =	sgt.u32 s6, $0x270F0  }
0x300: {  	s4 =	sadd.s32 $0x80, s4;
	s5 =	simm.s32 @!p2 $0x200;
	s7 =	sand.u32 @!p2 $0x3FFF8, s6  }
0x301: {  	s2 =	sadd.s32 $0x1, s2;
	s6 =	sand.u32 @!p2 $0x7, s6;
	s7 =	sadd.s32 @!p2 s1, s7  }
0x302: {  	[hbm4b:s7+s6] =	stream.linear.scatter @!p2 [tilespmem:s4], [sflag:$0x7], $0x80, $0x38;
	[tilespmem:$0x1F6F8] =	vst v63  }
.LBB3_52:
0x303: {  	s0 =	sadd.s32 s3, s5  }
0x304: {  	s3 =	sshrl.u32 s0, $0x2  }
.LBB3_53:
0x305: {  	s0 =	simm.s32 $0x7  }
0x306: {  	_ =	swait.ge [sflag:s0], s3  }
0x307: {  	s1 =	ssub.s32 $0x0, s3;
	[sflag:s0] =	ssyncset.done $0x0  }
0x308: {  	[sflag:s0] =	ssyncadd.s32 s1  }
0x309: {  	[sflag:s0] =	ssyncpa.u1 $0x1  }
.LBB3_54:
0x30a: {  	_ =	sfence;
	s0 =	simm.s32 $0x1  }
0x30b: {  	[sflag:s0] =	ssyncpa.u1 $0x1  }
0x30c: {  	_ =	strace $0x90000056  }
0x30d: {  	[bflag:$0x2] =	sbarrier.arrive $0xFFFF  }
0x30e: {  	s0 =	rddreg [dreg:$0x3]  }
0x30f: {  	s0 =	sadd.s32 @!p0 $0x100000, s0  }
0x310: {  	[sflag:s0] =	ssyncadd.tile.s32 @!p0 $0x1;
	_ =	shalt  }
.Lfunc_end3:
_tile_overlayer_lowered:
.L_overlay_start_3:
0x311: {  	(tag) =	ssettag $0x3  }
0x312: {  	s0 =	rddreg [dreg:$0x0];
	s2 =	stileid.u32  }
0x313: {  	s1 =	rddreg [dreg:$0x1];
	p0 =	sne.s32 s2, $0x0  }
0x314: {  	s3 =	rddreg [dreg:$0x2];
	[bflag:$0x3] =	sbarrier.arrive $0xFFFF;
	s2 =	simm.s32 @!p0 $0x1C01  }
0x315: {  	[timem:s3], [sflag:s2] =	dma.local @!p0 [hbm:s0], s1  }
0x316: {  	s0 =	simm.s32 @!p0 $0x1  }
0x317: {  	_ =	swait.ge @!p0 [sflag:s0], s1  }
0x318: {  	s1 =	ssub.s32 @!p0 $0x0, s1;
	[sflag:s0] =	ssyncset.done @!p0 $0x0  }
0x319: {  	[sflag:s0] =	ssyncadd.s32 @!p0 s1  }
0x31a: {  	[bflag:$0x3] =	sbarrier.arrive $0xFFFF  }
0x31b: {  	_ =	shalt  }

// kernel: scatter_offload_async_start.3
scs
__scs_entry_jumppad:
0x0: {  	(pc) =	sbr.rel $0x88, $3  }
0x1: {  	(tag) =	ssettag $0x0;
	lr =	simm.s32 $0x1  }
0x2: {  	[smem:$0x3F98] =	sst lr;
	_ =	strace $0xD0000000  }
0x3: {  	_ = 	snop  }
0x4: {  	_ = 	snop  }
0x5: {  	_ = 	snop  }
0x6: {  	_ = 	snop  }
0x7: {  	_ = 	snop  }
__scs_overlays_trampoline_lowered:
0x8: {  	[smem:$0x3FA7] =	sst s0  }
0x9: {  	[smem:$0x3FA8] =	sst s1  }
0xa: {  	[smem:$0x3FA9] =	sst s2  }
0xb: {  	[smem:$0x3FAA] =	sst s3  }
0xc: {  	[smem:$0x3FAB] =	sst s4  }
0xd: {  	[smem:$0x3FAC] =	sst s5  }
0xe: {  	[smem:$0x3FAD] =	sst s6  }
0xf: {  	[smem:$0x3FAE] =	sst s7  }
0x10: {  	[smem:$0x3FAF] =	sst s8  }
0x11: {  	[smem:$0x3FB0] =	sst s9;
	s0 =	simm.s32 @!p0 $0x0  }
0x12: {  	s1 =	sld [smem:$0x3F96];
	s0 =	simm.s32 @p0 $0x1  }
0x13: {  	[smem:$0x3FB1] =	sst s0;
	s0 =	simm.s32 @!p1 $0x0  }
0x14: {  	s2 =	sld [smem:$0x3F95];
	s0 =	simm.s32 @p1 $0x1  }
0x15: {  	[smem:$0x3FB2] =	sst s0;
	s0 =	simm.s32 @!p2 $0x0  }
0x16: {  	s3 =	sld [smem:$0x3FDB];
	s0 =	simm.s32 @p2 $0x1  }
0x17: {  	s4 =	simm.s32 $0x1BF5;
	[smem:$0x3FB4] =	sst s0  }
0x18: {  	s0 =	sld [smem:$0x3F97];
	_ =	swait.ge [sflag:s4], $0x0  }
0x19: {  	s7 =	sld [smem:$0x3F98]  }
0x1a: {  	s8 =	sadd.s32 $0xFFFFE003, lr  }
0x1b: {  	s9 =	sadd.s32 $0xFFFFFEF7, lr;
	s5 =	simm.s32 $0xFFFFFFFF;
	p2 =	slt.u32 s8, $0xFFFFF086  }
0x1c: {  	p1 =	slt.u32 s9, $0xF7A;
	s5 =	simm.s32 @!p2 $0x0  }
0x1d: {  	s5 =	simm.s32 @p1 $0x1;
	p0 =	seq.s32 s7, s2  }
0x1e: {  	s7 =	smul.u32 @!p0 $0xF7A, s2;
	p2 =	seq.s32 @!p0 s5, $0x0  }
0x1f: {  	s9 =	smul.u32 $0xF7A, s1;
	s8 =	simm.s32 @!p0 $0x1BF5;
	p2 =	por !p2, p0  }
0x20: {  	[sflag:s8] =	ssyncset.s32 @!p0 $0xFFFFF086;
	s6 =	sadd.s32 @!p0 s3, s7;
	s7 =	simm.s32 @!p0 $0x108  }
0x21: {  	s3 =	sadd.s32 s3, s9;
	s6 =	sadd.s32 @!p0 $0x88, s6;
	s7 =	simm.s32 @p2 $0x1082  }
0x22: {  	[simem:s7], [sflag:s8] =	dma.local @!p0 [hbm:s6], $0xF7A  }
0x23: {  	s9 =	sor.u32 $0xD0000000, s2;
	s6 =	simm.s32 $0x108;
	_ =	swait.ge @!p0 [sflag:s8], $0x0  }
0x24: {  	s3 =	sadd.s32 $0x88, s3;
	s6 =	simm.s32 @!p1 $0x1082;
	[sflag:s4] =	ssyncset.s32 $0xFFFFF086  }
0x25: {  	[simem:s6], [sflag:s4] =	dma.local [hbm:s3], $0xF7A  }
0x26: {  	[smem:$0x3F98] =	sst s1;
	(tag) =	ssettag s2;
	_ =	strace s9  }
0x27: {  	s1 =	sld [smem:$0x3FA8]  }
0x28: {  	s2 =	sld [smem:$0x3FA9]  }
0x29: {  	s4 =	sld [smem:$0x3FAB]  }
0x2a: {  	p0 =	seq.s32 s5, $0x0;
	s5 =	sld [smem:$0x3FAC]  }
0x2b: {  	s6 =	sld [smem:$0x3FAD]  }
0x2c: {  	s7 =	sld [smem:$0x3FAE]  }
0x2d: {  	s3 =	simm.s32 $0x108;
	s8 =	sld [smem:$0x3FAF]  }
0x2e: {  	s3 =	simm.s32 @!p0 $0x1082;
	s9 =	sld [smem:$0x3FB0]  }
0x2f: {  	lr =	sadd.s32 s0, s3;
	s0 =	sld [smem:$0x3FA7]  }
0x30: {  	s3 =	sld [smem:$0x3FAA]  }
0x31: {  	[smem:$0x3FB3] =	sst s10  }
0x32: {  	s10 =	sld [smem:$0x3FB1];
	_ =	sdelay $0x3  }
0x33: {  	p0 =	seq.s32 s10, $0x1;
	s10 =	sld [smem:$0x3FB3];
	_ =	sdelay $0x3  }
0x34: {  	[smem:$0x3FB3] =	sst s10  }
0x35: {  	s10 =	sld [smem:$0x3FB2];
	_ =	sdelay $0x3  }
0x36: {  	p1 =	seq.s32 s10, $0x1;
	s10 =	sld [smem:$0x3FB3];
	_ =	sdelay $0x3  }
0x37: {  	[smem:$0x3FB3] =	sst s10  }
0x38: {  	s10 =	sld [smem:$0x3FB4]  }
0x39: {  	_ = 	snop;
	(pc) =	sbr.ind lr, $3  }
0x3a: {  	_ = 	snop  }
0x3b: {  	_ = 	snop  }
0x3c: {  	p2 =	seq.s32 s10, $0x1;
	s10 =	sld [smem:$0x3FB3]  }
0x3d: {  	_ =	shalt  }
0x3e: {  	_ =	shalt  }
0x3f: {  	_ =	shalt  }
0x40: {  	_ =	shalt  }
0x41: {  	_ =	shalt  }
0x42: {  	_ =	shalt  }
0x43: {  	_ =	shalt  }
0x44: {  	_ =	shalt  }
0x45: {  	_ =	shalt  }
0x46: {  	_ =	shalt  }
0x47: {  	_ =	shalt  }
0x48: {  	_ =	shalt  }
0x49: {  	_ =	shalt  }
0x4a: {  	_ =	shalt  }
0x4b: {  	_ =	shalt  }
0x4c: {  	_ =	shalt  }
0x4d: {  	_ =	shalt  }
0x4e: {  	_ =	shalt  }
0x4f: {  	_ =	shalt  }
0x50: {  	_ =	shalt  }
0x51: {  	_ =	shalt  }
0x52: {  	_ =	shalt  }
0x53: {  	_ =	shalt  }
0x54: {  	_ =	shalt  }
0x55: {  	_ =	shalt  }
0x56: {  	_ =	shalt  }
0x57: {  	_ =	shalt  }
0x58: {  	_ =	shalt  }
0x59: {  	_ =	shalt  }
0x5a: {  	_ =	shalt  }
0x5b: {  	_ =	shalt  }
0x5c: {  	_ =	shalt  }
0x5d: {  	_ =	shalt  }
0x5e: {  	_ =	shalt  }
0x5f: {  	_ =	shalt  }
0x60: {  	_ =	shalt  }
0x61: {  	_ =	shalt  }
0x62: {  	_ =	shalt  }
0x63: {  	_ =	shalt  }
0x64: {  	_ =	shalt  }
0x65: {  	_ =	shalt  }
0x66: {  	_ =	shalt  }
0x67: {  	_ =	shalt  }
0x68: {  	_ =	shalt  }
0x69: {  	_ =	shalt  }
0x6a: {  	_ =	shalt  }
0x6b: {  	_ =	shalt  }
0x6c: {  	_ =	shalt  }
0x6d: {  	_ =	shalt  }
0x6e: {  	_ =	shalt  }
0x6f: {  	_ =	shalt  }
0x70: {  	_ =	shalt  }
0x71: {  	_ =	shalt  }
0x72: {  	_ =	shalt  }
0x73: {  	_ =	shalt  }
0x74: {  	_ =	shalt  }
0x75: {  	_ =	shalt  }
0x76: {  	_ =	shalt  }
0x77: {  	_ =	shalt  }
0x78: {  	_ =	shalt  }
0x79: {  	_ =	shalt  }
0x7a: {  	_ =	shalt  }
0x7b: {  	_ =	shalt  }
0x7c: {  	_ =	shalt  }
0x7d: {  	_ =	shalt  }
0x7e: {  	_ =	shalt  }
0x7f: {  	_ =	shalt  }
0x80: {  	_ =	shalt  }
0x81: {  	_ =	shalt  }
0x82: {  	_ =	shalt  }
0x83: {  	_ =	shalt  }
0x84: {  	_ =	shalt  }
0x85: {  	_ =	shalt  }
0x86: {  	_ =	shalt  }
0x87: {  	_ =	shalt  }
.Lfunc_end0:
.L_simem_size_0:
called_computation.3_lowered:
.L_overlay_start_0:
0x88: {  	s0 =	sld [smem:$0x3FD9]  }
0x89: {  	s1 =	sld [smem:$0x3FFE];
	_ =	sdelay $0x3  }
0x8a: {  	s0 =	sadd.s32 s1, s0  }
0x8b: {  	[smem:$0x3FBF] =	sst s0  }
0x8c: {  	_ = 	snop  }
0x8d: {  	s0 =	sld [smem:$0x3FD0];
	_ =	sdelay $0x2  }
0x8e: {  	s13 =	simm.s32 $0xF;
	s2 =	simm.s32 $0x10  }
0x8f: {  	[smem:s2], [sflag:s13] =	dma.local [hbm:s0], $0x1  }
0x90: {  	_ =	swait.eq [sflag:s13], $0x1  }
0x91: {  	[sflag:s13] =	ssyncset.done $0x0  }
0x92: {  	[sflag:s13] =	ssyncadd.s32 $0xFFFFFFFF  }
0x93: {  	s14 =	sld [smem:$0x11];
	(tm) =	ssettm $0x1  }
0x94: {  	s15 =	sld [smem:$0x3FFB];
	_ =	sdelay $0x3  }
0x95: {  	_ =	strace s15  }
0x96: {  	s1 =	sld [smem:$0x3FFC];
	_ =	sdelay $0x3  }
0x97: {  	_ =	strace s1  }
0x98: {  	s1 =	sld [smem:$0x3FFD];
	_ =	sdelay $0x3  }
0x99: {  	_ =	strace s1  }
0x9a: {  	_ =	strace $0x8FFFFFFF  }
0x9b: {  	s16 =	sld [smem:$0x3FDB];
	_ =	sdelay $0x1  }
0x9c: {  	s17 =	simm.s32 $_scs_section_size  }
0x9d: {  	s3 =	simm.s32 $_size__tile_overlayer_lowered;
	s4 =	simm.s32 $_tile_overlayer_lowered  }
0x9e: {  	s20 =	simm.s32 $0x1BFF;
	s19 =	sshll.u32 s4, $0x1;
	s1 =	sadd.s32 s17, s16  }
0x9f: {  	s5 =	simm.s32 $0x0;
	s18 =	sshll.u32 s3, $0x1;
	s3 =	sadd.s32 s19, s1  }
0xa0: {  	[timem:s5], [sflag:s20] =	dma.local [hbm:s3], s18  }
0xa1: {  	_ =	swait.ge [sflag:s20], s18  }
0xa2: {  	s2 =	ssub.s32 $0x0, s18;
	[sflag:s20] =	ssyncset.done $0x0  }
0xa3: {  	[sflag:s20] =	ssyncadd.s32 s2;
	_ =	sdelay $0x1  }
0xa4: {  	s21 =	simm.s32 $0x1B8B  }
0xa5: {  	_ =	swait.ge [sflag:s21], $0x1  }
0xa6: {  	[sflag:s21] =	ssyncset.done $0x0  }
0xa7: {  	s23 =	simm.s32 $0x1B8E;
	s22 =	sld [smem:$0x3FFE];
	[sflag:s21] =	ssyncadd.s32 $0xFFFFFFFF  }
0xa8: {  	s24 =	simm.s32 $execute0_lowered;
	[smem:$0x3FD2] =	sst s23  }
0xa9: {  	s3 =	sshll.u32 s24, $0x1;
	_ =	strace $0x80000046;
	[dreg:$0x1] =	wrdreg $0xFFFFFFFF  }
0xaa: {  	s25 =	simm.s32 $_size_execute0_lowered;
	s1 =	sadd.s32 s1, s3;
	[dreg:$0x0] =	wrdreg $0x0  }
0xab: {  	s3 =	sshll.u32 s25, $0x1;
	[dreg:$0x2] =	wrdreg s1  }
0xac: {  	[dreg:$0x3] =	wrdreg s3  }
0xad: {  	[dreg:$0x4] =	wrdreg $0xC0  }
0xae: {  	_ =	task [dreg:s5], $0x5FFFF  }
0xaf: {  	[dreg:$0x1] =	wrdreg $0xFFFFFFFF  }
0xb0: {  	[dreg:$0x0] =	wrdreg $0x60  }
0xb1: {  	[dreg:$0x2] =	wrdreg s14  }
0xb2: {  	[dreg:$0x3] =	wrdreg s22  }
0xb3: {  	[dreg:$0x4] =	wrdreg $0xE  }
0xb4: {  	_ =	task.clear_ibuf [dreg:s5], $0x5FFFF;
	_ =	strace $0x90000046  }
0xb5: {  	s26 =	simm.s32 $0xE;
	_ =	strace $0x80000048  }
0xb6: {  	_ =	swait.ge [sflag:s26], $0x1  }
0xb7: {  	[sflag:s26] =	ssyncadd.s32 $0xFFFFFFFF  }
0xb8: {  	_ =	strace $0x90000048  }
0xb9: {  	_ =	sfence  }
0xba: {  	s28 =	sld [smem:$0x0];
	_ =	sdelay $0x1  }
0xbb: {  	s29 =	srdreg.scid  }
0xbc: {  	s30 =	sshll.u32 s29, $0xD;
	s31 =	sshrl.u32 s29, $0x2  }
0xbd: {  	s2 =	sand.u32 $0x4000, s30;
	s1 =	sand.u32 $0x1, s29;
	s0 =	sadd.s32 s31, s28  }
0xbe: {  	s1 =	sor.u32 s2, s1;
	s0 =	sshll.u32 s0, $0x11  }
0xbf: {  	s0 =	sor.u32 s0, s1  }
0xc0: {  	s0 =	sadd.s32 $0x8F2B, s0  }
0xc1: {  	[sflag:s0] =	ssyncadd.remote.s32 $0x1  }
0xc2: {  	_ =	sfence.sel $0xFFFF  }
0xc3: {  	[dreg:$0x0] =	wrdreg $0xFFFFFFFF;
	(pc) =	sbr.abs _section_cstart, $3  }
0xc4: {  	[dreg:$0x1] =	wrdreg $0xFFFFFFFF  }
0xc5: {  	_ =	task.clear_ibuf [dreg:s5], $0x2FFFF;
	_ =	strace $0x9FFFFFFF  }
0xc6: {  	(tm) =	ssettm $0x7FFFFFFF  }
0xc7: {  	_ =	shalt  }
tec
execute0_lowered:
.L_overlay_start_1:
0x0: {  	(tag) =	ssettag $0x1  }
0x1: {  	s1 =	rddreg [dreg:$0x0]  }
0x2: {  	s0 =	rddreg [dreg:$0x1];
	_ =	strace $0x80000047;
	s15 =	stileid.u32  }
0x3: {  	s2 =	simm.s32 $0x1;
	s4 =	smin.u32 s15, $0x8;
	s3 =	sshll.u32 s15, $0x1  }
0x4: {  	v1 =	vimm.s32 $0xFFFFFFFF;
	[sflag:s2] =	ssyncpa.u1 $0x0;
	s4 =	sadd.s32 s4, s3  }
0x5: {  	s5 =	simm.s32 $0x5DC0;
	p0 =	slt.u32 s15, $0x8;
	[tilespmem:$0x10] =	vst v1;
	s4 =	smul.u32 $0x1F40, s4  }
0x6: {  	v0 =	vimm.f32 $0.0e+00;
	[tilespmem:$0x20] =	vst v1;
	s5 =	simm.s32 @!p0 $0x3E80  }
0x7: {  	[tilespmem:$0x30] =	vst v0;
	s5 =	sadd.s32 s5, s4  }
0x8: {  	[tilespmem:$0x40] =	vst v0;
	s5 =	smin.u32 s5, $0x4E200  }
0x9: {  	s7 =	simm.s32 $0x2;
	[tilespmem:$0x50] =	vst v0;
	s9 =	ssub.s32 s5, s4  }
0xa: {  	s8 =	simm.s32 $0x8;
	s31 =	simm.s32 $0x9;
	[tilespmem:$0x60] =	vst v1;
	p0 =	sgt.s32 s9, $0x0  }
0xb: {  	s16 =	simm.s32 $0x0;
	s17 =	simm.s32 $0xF0;
	[tilespmem:$0x70] =	vst v1;
	s9 =	simm.s32 @!p0 $0x0  }
0xc: {  	s18 =	simm.s32 $0xFFFFFFFF;
	s19 =	simm.s32 $0xFFFFC280;
	[tilespmem:$0x80] =	vst v1;
	s6 =	smulhi.u32 $0x10624DD3, s9  }
0xd: {  	s20 =	simm.s32 $0xFFFFFFFE;
	s21 =	simm.s32 $0xF;
	s25 =	simm.s32 $0x0;
	v1 =	vimm.s32 $0x0;
	[tilespmem:$0xB0] =	vst v0  }
0xe: {  	s24 =	simm.s32 $0x0;
	s15 =	sshllo.u32 s15, $0x1;
	[tilespmem:$0x90] =	vst v1;
	s10 =	sshrl.u32 s6, $0x9  }
0xf: {  	[tilespmem:$0xA0] =	vst v1;
	[sflag:s7] =	ssyncpa.u1 $0x0;
	s7 =	simm.s32 $0x7;
	s11 =	smul.u32 $0x1F40, s10  }
.Ltmp0:
0x10: {  	s13 =	sor.u32 $0x80, s3;
	[sflag:s7] =	ssyncpa.u1 $0x0;
	(pc) =	sbr.rel .LBB2_1-.Ltmp0, $4  }
0x11: {  	s14 =	sor.u32 $0x81, s3;
	[sflag:s8] =	ssyncpa.u1 $0x0;
	p0 =	sne.s32 s9, s11  }
0x12: {  	s23 =	smov.u32 s4;
	[sflag:s31] =	ssyncpa.u1 $0x0;
	s2 =	simm.s32 @!p0 $0x0  }
0x13: {  	vm0 =	vmmov $0xffff;
	v2 =	vlaneseq.u32;
	s6 =	sadd.s32 $0x509800, s0;
	s9 =	sadd.s32 $0x513600, s0;
	s10 =	sadd.s32 s2, s10  }
0x14: {  	vm1 =	vmxor vm1, vm1;
	vm2 =	vmmov $0x1;
	vm3 =	vcmask $0x3F3C;
	p0 =	por $0x0, $0x0;
	s11 =	sadd.s32 $0x1, s10;
	s12 =	sadd.s32 $0x2, s10  }
.LBB2_9:
0x15: {  	p1 =	slt.u32 s24, $0x3  }
0x16: {  	s0 =	simm.s32 @!p1 $0x2  }
0x17: {  	_ =	swait.ge @!p1 [sflag:s0], $0x1F40  }
0x18: {  	[sflag:s0] =	ssyncset.done @!p1 $0x0  }
0x19: {  	[sflag:s0] =	ssyncadd.s32 @!p1 $0xFFFFE0C0;
	s0 =	simm.s32 @!p1 $0x9  }
0x1a: {  	_ =	swait.ge @!p1 [sflag:s0], $0x10  }
0x1b: {  	[sflag:s0] =	ssyncset.done @!p1 $0x0  }
0x1c: {  	[sflag:s0] =	ssyncadd.s32 @!p1 $0xFFFFFFF0;
	p1 =	sne.s32 s24, s12  }
.Ltmp1:
0x1d: {  	s2 =	sadd.s32 $0x1F40, s23;
	(pc) =	sbr.rel @!p1 .LBB2_10-.Ltmp1, $4  }
0x1e: {  	s22 =	smov.u32 s4;
	s31 =	sadd.s32 $0x1, s24;
	s17 =	sadd.s32 $0x1F40, s17  }
0x1f: {  	s18 =	sadd.s32 $0x1, s18;
	s25 =	smov.u32 s23;
	p2 =	slt.s32 s2, s5  }
0x20: {  	p0 =	por !p0, !p0;
	s19 =	sadd.s32 $0x1F40, s19;
	s22 =	smov.u32 @p2 s2  }
0x21: {  	s20 =	sadd.s32 $0x1, s20;
	s23 =	smov.u32 s22;
	s24 =	smov.u32 s31  }
.LBB2_1:
0x22: {  	p1 =	sge.u32 s24, s10  }
0x23: {  	s0 =	smulhi.u32 @!p1 $0xAAAAAAAB, s24;
	_ =	sdelay $0x1  }
0x24: {  	s0 =	sshrl.u32 @!p1 s0, $0x1  }
0x25: {  	s0 =	smul.u32 @!p1 $0x3, s0;
	_ =	sdelay $0x1  }
0x26: {  	s0 =	ssub.s32 @!p1 s24, s0  }
0x27: {  	s0 =	smul.u32 @!p1 $0x7D00, s0;
	_ =	sdelay $0x1  }
0x28: {  	s2 =	sshrl.u32 @!p1 s23, $0x3;
	s0 =	sshrl.u32 @!p1 s0, $0x2  }
0x29: {  	s22 =	sand.u32 @!p1 $0x7, s23;
	s2 =	sadd.s32 @!p1 s6, s2;
	s0 =	sadd.s32 @!p1 $0x100, s0  }
0x2a: {  	[tilespmem:s0], [sflag:$0x7] =	stream.linear.gather @!p1 [hbm4b:s2+s22], $0x1F40, $0x38;
	[tilespmem:$0x11A60] =	vst v63  }
0x2b: {  	s0 =	sadd.s32 $0xFFFFFFFF, s24  }
0x2c: {  	p1 =	sge.u32 s0, s10  }
.Ltmp2:
0x2d: {  	_ = 	snop;
	(pc) =	sbr.rel @p1 .LBB2_5-.Ltmp2, $1  }
0x2e: {  	_ =	sdelay $0x3  }
0x2f: {  	s2 =	smulhi.u32 $0xAAAAAAAB, s0;
	_ =	sdelay $0x1  }
0x30: {  	s2 =	sshrl.u32 s2, $0x1  }
0x31: {  	s2 =	smul.u32 $0x3, s2;
	_ =	sdelay $0x1  }
0x32: {  	s2 =	ssub.s32 s0, s2  }
0x33: {  	s2 =	smul.u32 $0x7D00, s2  }
0x34: {  	_ =	swait.ge [sflag:s7], $0x1F40  }
0x35: {  	[sflag:s7] =	ssyncset.done $0x0;
	s2 =	sshrl.u32 s2, $0x2  }
0x36: {  	[sflag:s7] =	ssyncadd.s32 $0xFFFFE0C0;
	(ifvalue) =	ssetifvalue $0xFFFFFFFF;
	v3 =	vld.msk [tilespmem:s2+$0x100 ss:$0x1], $0xffff;
	_ =	sdelay $0x2  }
0x37: {  	s30 =	smulhi.u32 $0xAAAAAAAB, s18;
	p1 =	sne.s32 s24, $0x1  }
0x38: {  	v4 =	vimm.s32 @!p1 $0x0  }
0x39: {  	s2 =	sshrl.u32 s30, $0x1;
	v4 =	vperm.xlane @!p1 v3, v4  }
0x3a: {  	s22 =	sshll.u32 s24, $0x4;
	s2 =	smul.u32 $0xFFFE8900, s2;
	vm4 =	vlt.u32 v3, $0x200  }
0x3b: {  	s22 =	sand.u32 $0x10, s22;
	v3 =	vnsel vm4, $0xFFFFFFFE, v3;
	vm4 =	vlt.u32 @!p1 v4, $0x200  }
0x3c: {  	s2 =	sshra.s32 s2, $0x2;
	[tilespmem:s22+$0x60] =	vst v3;
	v3 =	vnsel @!p1 vm4, $0xFFFFFFFE, v4  }
0x3d: {  	s28 =	sadd.s32 s2, s17;
	[tilespmem:$0x80] =	vst @!p1 v3  }
0x3e: {  	v3 =	vld.msk [tilespmem:s28+$0x0 ss:$0x1], $0xffff;
	_ =	sdelay $0x4  }
0x3f: {  	(xrf1) =	vunique.msk.u32 $0xffff, v3;
	_ =	sdelay $0xd  }
0x40: {  	v4 =	vimm.s32 $0xFFFFFFFF;
	v5, _, _ =	vpop (xrf1)  }
0x41: {  	vm5 =	vne.s32 v3, v4;
	vm4 =	veq.s32 v5, v2  }
0x42: {  	vm6 =	vlt.u32 v3, $0x200;
	vm4 =	vmand vm5, vm4  }
0x43: {  	vm4 =	vmand vm6, vm4  }
0x44: {  	v4 =	vnsel vm4, $0xFFFFFFFF, v3  }
0x45: {  	s31 =	sand.u32 $0x1, s0  }
0x46: {  	s0 =	simm.s32 $0x1F40;
	p1 =	seq.s32 s31, $0x1  }
0x47: {  	s0 =	simm.s32 @!p1 $0x0  }
0x48: {  	s26 =	sadd.s32 $0x7DF0, s0;
	(ifvalue) =	ssetifvalue $0xFFFFFFFF  }
0x49: {  	v3 =	vperm.xlane v3, v1;
	[tilespmem:s26], [sflag:$0x8] =	stream.indirect_vreg.gather [hbm4b:s1+s16], $0x1, v4, vm0, $0x4038;
	v4 =	vnsel vm6, $0xFFFFFFFE, v4;
	[tilespmem:$0x11A60] =	vst v63  }
0x4a: {  	s2 =	simm.s32 $0x0;
	s22 =	sadd.s32 $0xFFFFFFF0, s28;
	[tilespmem:s28+$0x0] =	vst v4  }
.LBB2_3:
0x4b: {  	v4 =	vld.msk [tilespmem:s22+$0x0 ss:$0x1], $0xffff;
	s2 =	sadd.s32 $0x10, s2;
	v5 =	vmov v3;
	s28 =	smov.u32 s22  }
0x4c: {  	p1 =	slt.u32 s2, $0x1F30;
	_ =	sdelay $0x4  }
0x4d: {  	v3 =	vperm.xlane v4, v1;
	(xrf1) =	vunique.msk.u32 $0xffff, v4;
	_ =	sdelay $0xd  }
0x4e: {  	v6, _, _ =	vpop (xrf1)  }
0x4f: {  	vm5 =	vne.s32 v4, v5;
	vm4 =	veq.s32 v6, v2  }
0x50: {  	vm6 =	vlt.u32 v4, $0x200;
	vm4 =	vmand vm5, vm4  }
0x51: {  	vm4 =	vmand vm6, vm4  }
0x52: {  	v4 =	vnsel vm4, $0xFFFFFFFF, v4  }
.Ltmp3:
0x53: {  	v5 =	vnsel vm6, $0xFFFFFFFE, v4;
	(pc) =	sbr.rel @p1 .LBB2_3-.Ltmp3, $3  }
0x54: {  	_ =	sdelay $0x1  }
0x55: {  	s22 =	sadd.s32 $0xFFFFFFF0, s22;
	s26 =	sadd.s32 $0xFFFFFFF0, s26;
	(ifvalue) =	ssetifvalue $0xFFFFFFFF  }
0x56: {  	[tilespmem:s26], [sflag:$0x8] =	stream.indirect_vreg.gather [hbm4b:s1+s16], $0x1, v4, vm0, $0x4038;
	[tilespmem:s28+$0x0] =	vst v5  }
0x57: {  	s2 =	sshrl.u32 s25, $0x3  }
0x58: {  	s0 =	sadd.s32 $0x9D40, s0;
	s2 =	sadd.s32 s9, s2  }
0x59: {  	[tilespmem:s0], [sflag:$0x8] =	stream.linear.gather [hbm:s2], $0x1F40, $0x38;
	[tilespmem:$0x11A60] =	vst v63  }
.LBB2_5:
0x5a: {  	p1 =	slt.u32 s24, $0x2  }
0x5b: {  	p2 =	sge.u32 @!p1 s24, s12  }
0x5c: {  	p1 =	por p1, p2  }
.Ltmp4:
0x5d: {  	_ = 	snop;
	(pc) =	sbr.rel @p1 .LBB2_9-.Ltmp4, $1  }
0x5e: {  	_ =	sdelay $0x3  }
0x5f: {  	s0 =	sadd.s32 $0xFFFFFFFE, s24  }
0x60: {  	s2 =	smulhi.u32 $0xAAAAAAAB, s0;
	_ =	sdelay $0x1  }
0x61: {  	s2 =	sshrl.u32 s2, $0x1  }
0x62: {  	s2 =	smul.u32 $0x3, s2;
	_ =	sdelay $0x1  }
0x63: {  	s0 =	ssub.s32 s0, s2  }
0x64: {  	_ =	swait.ge [sflag:s8], $0x3E80;
	s0 =	smul.u32 $0x1F40, s0  }
0x65: {  	p1 =	sne.s32 s24, s11;
	[sflag:s8] =	ssyncset.done $0x0  }
0x66: {  	[sflag:s8] =	ssyncadd.s32 $0xFFFFC180;
	s2 =	sadd.s32 @!p1 $0x203F, s0  }
0x67: {  	[spmem:s14] =	stream.linear.scatter @!p1 [tilespmem:s2], [sflag:$0x1], $0x1, $0x38;
	[tilespmem:$0x11A60] =	vst v63  }
0x68: {  	s2 =	simm.s32 @!p1 $0x1  }
0x69: {  	_ =	swait.ge @!p1 [sflag:s2], $0x1  }
0x6a: {  	s22 =	sshll.u32 s24, $0x4;
	[sflag:s2] =	ssyncset.done @!p1 $0x0  }
0x6b: {  	s25 =	sand.u32 $0x10, s22;
	[sflag:s2] =	ssyncadd.s32 @!p1 $0xFFFFFFFF  }
0x6c: {  	s2 =	sxor.u32 $0x10, s25;
	v4 =	vld [tilespmem:s25+$0x10]  }
0x6d: {  	v5 =	vld [tilespmem:s2+$0x60]  }
0x6e: {  	v3 =	vld [tilespmem:$0x80];
	_ =	sdelay $0x2  }
0x6f: {  	(v2sf) =	vpush v4, $0x0  }
0x70: {  	(v2sf) =	vpush v5, $0x0  }
0x71: {  	(v2sf) =	vpush v3, $0x0;
	_ =	sdelay $0xc  }
0x72: {  	s22 =	spop (v2sf)  }
0x73: {  	s26 =	spop (v2sf)  }
0x74: {  	s28 =	spop (v2sf)  }
0x75: {  	p2 =	seq.s32 s22, s26;
	p3 =	seq.s32 s28, s22  }
0x76: {  	p3 =	por p2, p3  }
0x77: {  	s26 =	sand.u32 $0x1, s24;
	v4 =	vpsel p3, $0xFFFFFFFF, v4  }
0x78: {  	s29 =	smul.u32 $0x1F40, s26;
	[tilespmem:s25+$0x10] =	vst.msk $0x1, v4  }
0x79: {  	v4 =	vld [tilespmem:$0x30]  }
0x7a: {  	v5 =	vld [tilespmem:s29+$0x9D40]  }
0x7b: {  	v6 =	vld [tilespmem:s25+$0x40];
	_ =	sdelay $0x3  }
0x7c: {  	vm4 =	vmmov vm1;
	v5 =	vadd.f32 v5, v4  }
0x7d: {  	vm5 =	vmmov vm2;
	vm4 =	vmmov @p2 vm2;
	s22 =	sshll.u32 s26, $0x4;
	v4 =	vadd.f32 v6, v4  }
0x7e: {  	s26 =	sor.u32 $0x11A40, s22;
	vm5 =	vmmov @p3 vm1;
	[tilespmem:s29+$0x9D40] =	vst.msk vm4, v5  }
0x7f: {  	[tilespmem:s26+$0x0] =	vst.msk vm5, v4  }
0x80: {  	v4 =	vld [tilespmem:s29+$0x7DF0];
	_ =	sdelay $0x3  }
0x81: {  	v5 =	vimm.f32 $0.0e+00  }
0x82: {  	v4 =	vshift.insert v4, v5, s21  }
0x83: {  	s22 =	sor.u32 $0x40, s2  }
0x84: {  	[tilespmem:s22+$0x0] =	vst.msk $0x1, v4  }
0x85: {  	[tilespmem:s29+$0x7DFF] =	vst.msk $0x1, v5  }
0x86: {  	v4 =	vld [tilespmem:s0+$0x2030];
	_ =	sdelay $0x1  }
0x87: {  	s22 =	smulhi.u32 $0xAAAAAAAB, s20;
	s0 =	simm.s32 $0x1  }
0x88: {  	s0 =	simm.s32 @!p0 $0x0  }
0x89: {  	s22 =	sshrl.u32 s22, $0x1;
	s0 =	smul.u32 $0x7D00, s0  }
0x8a: {  	s22 =	smul.u32 $0xFFFE8900, s22;
	v4 =	vshift.insert v4, v1, s21  }
0x8b: {  	s0 =	sshrl.u32 s0, $0x2  }
0x8c: {  	s22 =	sshra.s32 s22, $0x2;
	s30 =	sadd.s32 $0x9D40, s0;
	[tilespmem:s2+$0x10] =	vst.msk $0x1, v4  }
0x8d: {  	s22 =	sadd.s32 s22, s19;
	v6 =	vld [tilespmem:s30+$0x0]  }
0x8e: {  	v7 =	vld [tilespmem:s22+$0x0];
	_ =	sdelay $0x3  }
0x8f: {  	v5 =	vadd.f32 v6, v5  }
0x90: {  	vm4 =	vne.s32 v7, $0xFFFFFFFF  }
0x91: {  	(xrf2) =	vadd.seg.scan.f32 vm4, v5;
	_ =	sdelay $0x3  }
0x92: {  	s31 =	sadd.s32 $0x5EC0, s0;
	v5 =	vperm.xlane v4, v1  }
0x93: {  	v6 =	vld [tilespmem:s31+$0x0]  }
0x94: {  	vm5 =	veq.s32 v7, v3;
	vm6 =	veq.s32 v7, v5  }
0x95: {  	vm7 =	vgt.u32 v7, $0xFFFFFFFD;
	vm6 =	vmor vm6, vm5  }
0x96: {  	vm6 =	vmor vm6, vm7  }
0x97: {  	v9 =	vld [tilespmem:$0xA0];
	v7 =	vsel vm6, $0xFFFFFFFF, v7  }
0x98: {  	v10 =	vld [tilespmem:$0x90];
	v6 =	vsel vm5, $0x0, v6;
	v8, _, _ =	vpop (xrf2)  }
0x99: {  	v6 =	vadd.f32 v8, v6  }
0x9a: {  	s0 =	sadd.s32 $0xDBC0, s0  }
0x9b: {  	vm4 =	vmand vm4, vm3;
	[tilespmem:s0+$0x0] =	vst v6;
	(ifvalue) =	ssetifvalue $0xFFFFFFFF  }
0x9c: {  	vm6 =	veq.s32 v9, $0x1;
	[hbm4b:s1+s16] =	stream.indirect_vreg.scatter [tilespmem:s0], [sflag:$0x2], $0x1, v7, vm0, $0x4038;
	v7 =	vsel vm4, $0x0, v8;
	[tilespmem:$0x11A60] =	vst v63  }
0x9d: {  	s2 =	simm.s32 $0x0;
	s22 =	sadd.s32 $0x10, s22;
	vm4 =	vmor vm6, vm5;
	v6 =	vsel vm5, v8, v10;
	v7 =	vshift.insert v7, v0, s21  }
.LBB2_7:
0x9e: {  	v8 =	vld [tilespmem:s22+$0x0];
	s30 =	sadd.s32 $0x10, s30  }
0x9f: {  	s31 =	sadd.s32 $0x10, s31;
	v9 =	vld [tilespmem:s30+$0x0]  }
0xa0: {  	s2 =	sadd.s32 $0x10, s2;
	v10 =	vld [tilespmem:s31+$0x0]  }
0xa1: {  	p2 =	slt.u32 s2, $0x1F30;
	_ =	sdelay $0x2  }
0xa2: {  	v7 =	vadd.f32 v9, v7  }
0xa3: {  	vm5 =	vne.s32 v8, $0xFFFFFFFF  }
0xa4: {  	vm6 =	vmand vm5, vm3;
	(xrf2) =	vadd.seg.scan.f32 vm5, v7;
	_ =	sdelay $0x5  }
0xa5: {  	vm7 =	veq.s32 v8, v5;
	vm5 =	veq.s32 v8, v3  }
0xa6: {  	vm8 =	vgt.u32 v8, $0xFFFFFFFD;
	vm4 =	vmor vm4, vm5;
	vm7 =	vmor vm7, vm5  }
0xa7: {  	vm7 =	vmor vm7, vm8  }
0xa8: {  	v8 =	vsel vm7, $0xFFFFFFFF, v8  }
.Ltmp5:
0xa9: {  	v7 =	vsel vm5, $0x0, v10;
	v9, _, _ =	vpop (xrf2);
	(pc) =	sbr.rel @p2 .LBB2_7-.Ltmp5, $4  }
0xaa: {  	v6 =	vsel vm5, v9, v6;
	v10 =	vadd.f32 v9, v7;
	v7 =	vsel vm6, $0x0, v9  }
0xab: {  	s0 =	sadd.s32 $0x10, s0;
	v7 =	vshift.insert v7, v0, s21  }
0xac: {  	s22 =	sadd.s32 $0x10, s22;
	[tilespmem:s0+$0x0] =	vst v10;
	(ifvalue) =	ssetifvalue $0xFFFFFFFF  }
0xad: {  	[hbm4b:s1+s16] =	stream.indirect_vreg.scatter [tilespmem:s0], [sflag:$0x2], $0x1, v8, vm0, $0x4038;
	[tilespmem:$0x11A60] =	vst v63  }
0xae: {  	v3 =	vld [tilespmem:s29+$0xFAF0];
	_ =	sdelay $0x4  }
0xaf: {  	v3 =	vshift.insert v3, v0, s21  }
0xb0: {  	s0 =	simm.s32 $0x30  }
0xb1: {  	[tilespmem:s0+$0x0] =	vst.msk $0x1, v3  }
0xb2: {  	v3 =	vsel vm4, $0x1, v1;
	[tilespmem:$0x90] =	vst v6  }
0xb3: {  	s0 =	sadd.s32 @!p1 $0xFAFF, s29;
	[tilespmem:$0xA0] =	vst v3  }
0xb4: {  	[spmem:s15] =	stream.linear.scatter @!p1 [tilespmem:s0], [sflag:$0x1], $0x1, $0x38;
	[tilespmem:$0x11A60] =	vst v63  }
0xb5: {  	s0 =	simm.s32 @!p1 $0x1  }
0xb6: {  	v3 =	vmctz.xlane @!p1 vm4;
	_ =	swait.ge @!p1 [sflag:s0], $0x1  }
0xb7: {  	(v2sf) =	vpush @!p1 v4, $0x0  }
0xb8: {  	(v2sf) =	vpush @!p1 v3, $0x0;
	_ =	sdelay $0xd  }
0xb9: {  	s2 =	spop @!p1 (v2sf)  }
0xba: {  	s22 =	spop @!p1 (v2sf)  }
0xbb: {  	p2 =	sne.s32 @!p1 s28, s2;
	p3 =	slt.s32 @!p1 s22, $0xF  }
0xbc: {  	[sflag:s0] =	ssyncset.done @!p1 $0x0;
	p2 =	por p2, p1;
	p3 =	por !p3, p1  }
0xbd: {  	[sflag:s0] =	ssyncadd.s32 @!p1 $0xFFFFFFFF;
	v3 =	vimm.s32 @!p2 $0xFFFFFFFF;
	s22 =	simm.s32 @p3 $0xF  }
0xbe: {  	[tilespmem:$0x80] =	vst @!p2 v3;
	s2 =	sadd.s32 @!p1 $0x90, s22  }
0xbf: {  	[spmem:s3] =	stream.linear.scatter @!p1 [tilespmem:s2], [sflag:$0x1], $0x1, $0x38;
	[tilespmem:$0x11A60] =	vst v63  }
0xc0: {  	_ =	swait.ge @!p1 [sflag:s0], $0x1  }
0xc1: {  	[sflag:s0] =	ssyncset.done @!p1 $0x0  }
0xc2: {  	s2 =	simm.s32 @!p1 $0x80;
	[sflag:s0] =	ssyncadd.s32 @!p1 $0xFFFFFFFF  }
0xc3: {  	[spmem:s13] =	stream.linear.scatter @!p1 [tilespmem:s2], [sflag:$0x1], $0x1, $0x38;
	[tilespmem:$0x11A60] =	vst v63  }
0xc4: {  	_ =	swait.ge @!p1 [sflag:s0], $0x1  }
0xc5: {  	[sflag:s0] =	ssyncset.done @!p1 $0x0  }
0xc6: {  	[sflag:s0] =	ssyncadd.s32 @!p1 $0xFFFFFFFF;
	(ifvalue) =	ssetifvalue $0xFFFFFFFF;
	v3 =	vld [tilespmem:s25+$0x10];
	_ =	sdelay $0x3  }
.Ltmp6:
0xc7: {  	_ = 	snop;
	(pc) =	sbr.rel .LBB2_9-.Ltmp6, $3  }
0xc8: {  	_ =	sdelay $0x1  }
0xc9: {  	(ifvalue) =	ssetifvalue $0xFFFFFFFF  }
0xca: {  	[hbm4b:s1+s16] =	stream.indirect_vreg.scatter [tilespmem:s26], [sflag:$0x9], $0x1, v3, vm0, $0x4038;
	[tilespmem:$0x11A60] =	vst v63  }
.LBB2_10:
0xcb: {  	_ =	sfence.sel $0x180000  }
0xcc: {  	s0 =	simm.s32 $0x7;
	[bflag:$0x0] =	sbarrier.arrive $0xFFFF  }
0xcd: {  	s26 =	simm.s32 $0x8;
	[sflag:s0] =	ssyncpa.u1 $0x1  }
0xce: {  	s28 =	simm.s32 $0x9;
	[sflag:s26] =	ssyncpa.u1 $0x1  }
0xcf: {  	[sflag:s28] =	ssyncpa.u1 $0x1  }
0xd0: {  	_ =	sfence.stream.spmem  }
0xd1: {  	s29 =	simm.s32 $0x3;
	[bflag:$0x0] =	sbarrier.arrive $0xFFFF  }
0xd2: {  	s30 =	simm.s32 $0x4;
	[sflag:s29] =	ssyncpa.u1 $0x1  }
0xd3: {  	s31 =	simm.s32 $0x3C;
	s2 =	stileid.u32;
	[sflag:s30] =	ssyncpa.u1 $0x1  }
0xd4: {  	p0 =	sne.s32 s2, $0x0;
	[sflag:s31] =	ssyncpa.u1 $0x1  }
0xd5: {  	s0 =	simm.s32 @p0 $0x1;
	_ =	sfence @p0  }
0xd6: {  	[sflag:s0] =	ssyncpa.u1 @p0 $0x1;
	s0 =	simm.s32 @p0 $0x2  }
0xd7: {  	[sflag:s0] =	ssyncpa.u1 @p0 $0x1  }
0xd8: {  	_ =	strace @p0 $0x90000047  }
0xd9: {  	[bflag:$0x2] =	sbarrier.arrive @p0 $0xFFFF  }
0xda: {  	_ =	shalt @p0  }
.LBB2_11:
0xdb: {  	_ =	sfence.stream.spmem;
	s0 =	simm.s32 $0x5  }
0xdc: {  	s2 =	simm.s32 $0x80;
	s3 =	simm.s32 $0xC0;
	[sflag:s0] =	ssyncpa.u1 $0x0  }
0xdd: {  	[tilespmem:s3], [sflag:$0x5] =	stream.linear.gather [spmem:s2], $0x20, $0x38;
	[tilespmem:$0x11A60] =	vst v63  }
0xde: {  	s2 =	simm.s32 $0x0;
	s3 =	simm.s32 $0xE0  }
0xdf: {  	[tilespmem:s3], [sflag:$0x5] =	stream.linear.gather [spmem:s2], $0x20, $0x38;
	[tilespmem:$0x11A60] =	vst v63  }
.Ltmp7:
0xe0: {  	_ = 	snop;
	(pc) =	sbr.rel .LBB2_12-.Ltmp7, $4  }
0xe1: {  	_ =	swait.ge [sflag:s0], $0x40  }
0xe2: {  	[sflag:s0] =	ssyncset.done $0x0  }
0xe3: {  	s31 =	simm.s32 $0x6;
	[sflag:s0] =	ssyncadd.s32 $0xFFFFFFC0  }
0xe4: {  	s4 =	simm.s32 $0x0;
	[sflag:s31] =	ssyncpa.u1 $0x0  }
.LBB2_17:
0xe5: {  	p0 =	sgt.u32 s5, $0x1FF  }
0xe6: {  	s0 =	sshrl.u32 @!p0 s5, $0x3  }
0xe7: {  	s5 =	sand.u32 @!p0 $0x7, s5;
	s6 =	simm.s32 @!p0 $0xB0;
	s0 =	sadd.s32 @!p0 s1, s0  }
0xe8: {  	[tilespmem:s6], [sflag:$0x6] =	stream.linear.gather @!p0 [hbm4b:s0+s5], $0x1, $0x38;
	[tilespmem:$0x11A60] =	vst v63  }
0xe9: {  	s0 =	simm.s32 @!p0 $0x6  }
0xea: {  	_ =	swait.ge @!p0 [sflag:s0], $0x1  }
0xeb: {  	[sflag:s0] =	ssyncset.done @!p0 $0x0  }
0xec: {  	[sflag:s0] =	ssyncadd.s32 @!p0 $0xFFFFFFFF  }
0xed: {  	v2 =	vmov @!p0 s4;
	v1 =	vld.msk @!p0 [tilespmem:$0xB0], $0x1;
	_ =	sdelay $0x3  }
0xee: {  	s0 =	simm.s32 @!p0 $0xE0  }
0xef: {  	[tilespmem:v2+s0+$0x0], v1 =	vst.idx.ret.add.f32.msk @!p0 $0x1, v1  }
0xf0: {  	[tilespmem:s2+$0xC0] =	vst.msk $0x1, v0  }
0xf1: {  	v0 =	vld.msk [tilespmem:s4+$0xE0], $0x1;
	_ =	sdelay $0x4  }
0xf2: {  	[tilespmem:s2+$0xE0] =	vst.msk $0x1, v0;
	s2 =	sadd.s32 $0x1, s2  }
.LBB2_19:
0xf3: {  	s4 =	sadd.s32 $0x1, s4  }
0xf4: {  	p0 =	sne.s32 s4, $0x20  }
.Ltmp8:
0xf5: {  	_ = 	snop;
	(pc) =	sbr.rel @!p0 .LBB2_20-.Ltmp8, $1  }
0xf6: {  	_ =	sdelay $0x3  }
.LBB2_12:
0xf7: {  	v0 =	vld.msk [tilespmem:s4+$0xC0], $0x1;
	_ =	sdelay $0x4  }
0xf8: {  	(v2sf) =	vpush v0, $0x0;
	_ =	sdelay $0xe  }
0xf9: {  	s5 =	spop (v2sf)  }
0xfa: {  	p0 =	seq.s32 s5, $0xFFFFFFFF  }
.Ltmp9:
0xfb: {  	_ = 	snop;
	(pc) =	sbr.rel @p0 .LBB2_19-.Ltmp9, $1  }
0xfc: {  	_ =	sdelay $0x3  }
0xfd: {  	p0 =	slt.s32 s2, $0x1  }
.Ltmp10:
0xfe: {  	_ = 	snop;
	(pc) =	sbr.rel @p0 .LBB2_17-.Ltmp10, $1  }
0xff: {  	_ =	sdelay $0x3  }
0x100: {  	s0 =	simm.s32 $0xC0;
	p0 =	por $0x0, $0x0  }
0x101: {  	v1 =	vld.msk @!p0 [tilespmem:s0+$0x0], $0x1;
	_ =	sdelay $0x4  }
0x102: {  	(v2sf) =	vpush @!p0 v1, $0x0;
	_ =	sdelay $0xd  }
0x103: {  	p2 =	sne.s32 s2, $0x1  }
.Ltmp11:
0x104: {  	s6 =	spop @!p0 (v2sf);
	(pc) =	sbr.rel @!p2 .LBB2_16-.Ltmp11, $4  }
0x105: {  	p1 =	seq.s32 @!p0 s5, s6  }
0x106: {  	s6 =	simm.s32 $0x0;
	p1 =	por !p1, p0  }
0x107: {  	s8 =	simm.s32 $0xFFFFFFFF;
	s6 =	simm.s32 @p1 $0xFFFFFFFF  }
0x108: {  	s7 =	simm.s32 $0x1;
	s6 =	smov.u32 @p0 s8  }
.LBB2_15:
0x109: {  	s8 =	smov.u32 s6;
	p0 =	sne.s32 s6, $0xFFFFFFFF  }
0x10a: {  	s0 =	sadd.s32 $0x1, s0;
	s6 =	smov.u32 s7;
	s7 =	sadd.s32 $0x1, s7  }
0x10b: {  	p1 =	sne.s32 s2, s7;
	v1 =	vld.msk @!p0 [tilespmem:s0+$0x0], $0x1;
	_ =	sdelay $0x4  }
0x10c: {  	(v2sf) =	vpush @!p0 v1, $0x0;
	_ =	sdelay $0xe  }
.Ltmp12:
0x10d: {  	s9 =	spop @!p0 (v2sf);
	(pc) =	sbr.rel @p1 .LBB2_15-.Ltmp12, $4  }
0x10e: {  	p2 =	seq.s32 @!p0 s5, s9  }
0x10f: {  	p2 =	por !p2, p0  }
0x110: {  	s6 =	simm.s32 @p2 $0xFFFFFFFF  }
0x111: {  	s6 =	smov.u32 @p0 s8  }
.LBB2_16:
0x112: {  	p0 =	sne.s32 s6, $0xFFFFFFFF  }
.Ltmp13:
0x113: {  	_ = 	snop;
	(pc) =	sbr.rel @!p0 .LBB2_17-.Ltmp13, $1  }
0x114: {  	_ =	sdelay $0x3  }
0x115: {  	v0 =	vld.msk [tilespmem:s4+$0xE0], $0x1;
	v1 =	vmov s6  }
.Ltmp14:
0x116: {  	_ = 	snop;
	(pc) =	sbr.rel .LBB2_19-.Ltmp14, $2  }
0x117: {  	_ =	sdelay $0x2  }
0x118: {  	[tilespmem:v1+s3+$0x0], v0 =	vst.idx.ret.add.f32.msk $0x1, v0  }
.LBB2_20:
0x119: {  	p0 =	slt.s32 s2, $0x1  }
.Ltmp15:
0x11a: {  	_ = 	snop;
	(pc) =	sbr.rel @p0 .LBB2_24-.Ltmp15, $3  }
0x11b: {  	_ =	sdelay $0x1  }
0x11c: {  	s0 =	simm.s32 $0x6  }
0x11d: {  	s3 =	simm.s32 $0x0;
	[sflag:s0] =	ssyncpa.u1 $0x1  }
0x11e: {  	s0 =	simm.s32 $0xC0  }
0x11f: {  	v0 =	vld.msk [tilespmem:s0+$0x0], $0x1;
	_ =	sdelay $0x4  }
0x120: {  	(v2sf) =	vpush v0, $0x0;
	_ =	sdelay $0xe  }
0x121: {  	s2 =	sadd.s32 $0xFFFFFFFF, s2;
	s4 =	spop (v2sf)  }
0x122: {  	p1 =	sne.s32 s2, $0x0;
	p0 =	sgt.u32 s4, $0x1FF  }
.Ltmp16:
0x123: {  	s5 =	sshrl.u32 @!p0 s4, $0x3;
	(pc) =	sbr.rel @!p1 .LBB2_23-.Ltmp16, $4  }
0x124: {  	s0 =	simm.s32 $0xE0;
	s4 =	sand.u32 @!p0 $0x7, s4;
	s5 =	sadd.s32 @!p0 s1, s5  }
0x125: {  	[hbm4b:s5+s4] =	stream.linear.scatter @!p0 [tilespmem:s0], [sflag:$0x5], $0x1, $0x38;
	[tilespmem:$0x11A60] =	vst v63  }
0x126: {  	s5 =	simm.s32 $0x0  }
0x127: {  	s4 =	simm.s32 $0xC1;
	s5 =	simm.s32 @!p0 $0x4  }
.LBB2_22:
0x128: {  	v0 =	vld.msk [tilespmem:s4+$0x0], $0x1;
	s2 =	sadd.s32 $0xFFFFFFFF, s2;
	s3 =	sadd.s32 s3, s5  }
0x129: {  	p0 =	sne.s32 s2, $0x0;
	_ =	sdelay $0x3  }
0x12a: {  	(v2sf) =	vpush v0, $0x0;
	_ =	sdelay $0xe  }
.Ltmp17:
0x12b: {  	s6 =	spop (v2sf);
	(pc) =	sbr.rel @p0 .LBB2_22-.Ltmp17, $4  }
0x12c: {  	s5 =	simm.s32 $0x0;
	p1 =	sgt.u32 s6, $0x1FF  }
0x12d: {  	s0 =	sadd.s32 $0x1, s0;
	s5 =	simm.s32 @!p1 $0x4;
	s7 =	sshrl.u32 @!p1 s6, $0x3  }
0x12e: {  	s4 =	sadd.s32 $0x1, s4;
	s6 =	sand.u32 @!p1 $0x7, s6;
	s7 =	sadd.s32 @!p1 s1, s7  }
0x12f: {  	[hbm4b:s7+s6] =	stream.linear.scatter @!p1 [tilespmem:s0], [sflag:$0x5], $0x1, $0x38;
	[tilespmem:$0x11A60] =	vst v63  }
.LBB2_23:
0x130: {  	s0 =	sadd.s32 s3, s5  }
0x131: {  	s3 =	sshrl.u32 s0, $0x2  }
.LBB2_24:
0x132: {  	s0 =	simm.s32 $0x5  }
0x133: {  	_ =	swait.ge [sflag:s0], s3  }
0x134: {  	s1 =	ssub.s32 $0x0, s3;
	[sflag:s0] =	ssyncset.done $0x0  }
0x135: {  	[sflag:s0] =	ssyncadd.s32 s1  }
0x136: {  	[sflag:s0] =	ssyncpa.u1 $0x1  }
0x137: {  	s29 =	simm.s32 $0x1;
	_ =	sfence  }
0x138: {  	s30 =	simm.s32 $0x2;
	[sflag:s29] =	ssyncpa.u1 $0x1  }
0x139: {  	[sflag:s30] =	ssyncpa.u1 $0x1  }
0x13a: {  	_ =	strace $0x90000047  }
0x13b: {  	[bflag:$0x2] =	sbarrier.arrive $0xFFFF  }
0x13c: {  	s31 =	rddreg [dreg:$0x2]  }
0x13d: {  	s0 =	sadd.s32 $0x100000, s31  }
0x13e: {  	[sflag:s0] =	ssyncadd.tile.s32 $0x1;
	_ =	shalt  }
.Lfunc_end2:
_tile_overlayer_lowered:
.L_overlay_start_2:
0x13f: {  	(tag) =	ssettag $0x2  }
0x140: {  	s0 =	rddreg [dreg:$0x0];
	s2 =	stileid.u32  }
0x141: {  	s1 =	rddreg [dreg:$0x1];
	p0 =	sne.s32 s2, $0x0  }
0x142: {  	s3 =	rddreg [dreg:$0x2];
	[bflag:$0x3] =	sbarrier.arrive $0xFFFF;
	s2 =	simm.s32 @!p0 $0x1C01  }
0x143: {  	[timem:s3], [sflag:s2] =	dma.local @!p0 [hbm:s0], s1  }
0x144: {  	s0 =	simm.s32 @!p0 $0x1  }
0x145: {  	_ =	swait.ge @!p0 [sflag:s0], s1  }
0x146: {  	s1 =	ssub.s32 @!p0 $0x0, s1;
	[sflag:s0] =	ssyncset.done @!p0 $0x0  }
0x147: {  	[sflag:s0] =	ssyncadd.s32 @!p0 s1  }
0x148: {  	[bflag:$0x3] =	sbarrier.arrive $0xFFFF  }
0x149: {  	_ =	shalt  }

// kernel: scatter_offload_async_start
scs
__scs_entry_jumppad:
0x0: {  	(pc) =	sbr.rel $0x88, $3  }
0x1: {  	(tag) =	ssettag $0x0;
	lr =	simm.s32 $0x1  }
0x2: {  	[smem:$0x3F98] =	sst lr;
	_ =	strace $0xD0000000  }
0x3: {  	_ = 	snop  }
0x4: {  	_ = 	snop  }
0x5: {  	_ = 	snop  }
0x6: {  	_ = 	snop  }
0x7: {  	_ = 	snop  }
__scs_overlays_trampoline_lowered:
0x8: {  	[smem:$0x3FA7] =	sst s0  }
0x9: {  	[smem:$0x3FA8] =	sst s1  }
0xa: {  	[smem:$0x3FA9] =	sst s2  }
0xb: {  	[smem:$0x3FAA] =	sst s3  }
0xc: {  	[smem:$0x3FAB] =	sst s4  }
0xd: {  	[smem:$0x3FAC] =	sst s5  }
0xe: {  	[smem:$0x3FAD] =	sst s6  }
0xf: {  	[smem:$0x3FAE] =	sst s7  }
0x10: {  	[smem:$0x3FAF] =	sst s8  }
0x11: {  	[smem:$0x3FB0] =	sst s9;
	s0 =	simm.s32 @!p0 $0x0  }
0x12: {  	s1 =	sld [smem:$0x3F96];
	s0 =	simm.s32 @p0 $0x1  }
0x13: {  	[smem:$0x3FB1] =	sst s0;
	s0 =	simm.s32 @!p1 $0x0  }
0x14: {  	s2 =	sld [smem:$0x3F95];
	s0 =	simm.s32 @p1 $0x1  }
0x15: {  	[smem:$0x3FB2] =	sst s0;
	s0 =	simm.s32 @!p2 $0x0  }
0x16: {  	s3 =	sld [smem:$0x3FDB];
	s0 =	simm.s32 @p2 $0x1  }
0x17: {  	s4 =	simm.s32 $0x1BF5;
	[smem:$0x3FB4] =	sst s0  }
0x18: {  	s0 =	sld [smem:$0x3F97];
	_ =	swait.ge [sflag:s4], $0x0  }
0x19: {  	s7 =	sld [smem:$0x3F98]  }
0x1a: {  	s8 =	sadd.s32 $0xFFFFE003, lr  }
0x1b: {  	s9 =	sadd.s32 $0xFFFFFEF7, lr;
	s5 =	simm.s32 $0xFFFFFFFF;
	p2 =	slt.u32 s8, $0xFFFFF086  }
0x1c: {  	p1 =	slt.u32 s9, $0xF7A;
	s5 =	simm.s32 @!p2 $0x0  }
0x1d: {  	s5 =	simm.s32 @p1 $0x1;
	p0 =	seq.s32 s7, s2  }
0x1e: {  	s7 =	smul.u32 @!p0 $0xF7A, s2;
	p2 =	seq.s32 @!p0 s5, $0x0  }
0x1f: {  	s9 =	smul.u32 $0xF7A, s1;
	s8 =	simm.s32 @!p0 $0x1BF5;
	p2 =	por !p2, p0  }
0x20: {  	[sflag:s8] =	ssyncset.s32 @!p0 $0xFFFFF086;
	s6 =	sadd.s32 @!p0 s3, s7;
	s7 =	simm.s32 @!p0 $0x108  }
0x21: {  	s3 =	sadd.s32 s3, s9;
	s6 =	sadd.s32 @!p0 $0x88, s6;
	s7 =	simm.s32 @p2 $0x1082  }
0x22: {  	[simem:s7], [sflag:s8] =	dma.local @!p0 [hbm:s6], $0xF7A  }
0x23: {  	s9 =	sor.u32 $0xD0000000, s2;
	s6 =	simm.s32 $0x108;
	_ =	swait.ge @!p0 [sflag:s8], $0x0  }
0x24: {  	s3 =	sadd.s32 $0x88, s3;
	s6 =	simm.s32 @!p1 $0x1082;
	[sflag:s4] =	ssyncset.s32 $0xFFFFF086  }
0x25: {  	[simem:s6], [sflag:s4] =	dma.local [hbm:s3], $0xF7A  }
0x26: {  	[smem:$0x3F98] =	sst s1;
	(tag) =	ssettag s2;
	_ =	strace s9  }
0x27: {  	s1 =	sld [smem:$0x3FA8]  }
0x28: {  	s2 =	sld [smem:$0x3FA9]  }
0x29: {  	s4 =	sld [smem:$0x3FAB]  }
0x2a: {  	p0 =	seq.s32 s5, $0x0;
	s5 =	sld [smem:$0x3FAC]  }
0x2b: {  	s6 =	sld [smem:$0x3FAD]  }
0x2c: {  	s7 =	sld [smem:$0x3FAE]  }
0x2d: {  	s3 =	simm.s32 $0x108;
	s8 =	sld [smem:$0x3FAF]  }
0x2e: {  	s3 =	simm.s32 @!p0 $0x1082;
	s9 =	sld [smem:$0x3FB0]  }
0x2f: {  	lr =	sadd.s32 s0, s3;
	s0 =	sld [smem:$0x3FA7]  }
0x30: {  	s3 =	sld [smem:$0x3FAA]  }
0x31: {  	[smem:$0x3FB3] =	sst s10  }
0x32: {  	s10 =	sld [smem:$0x3FB1];
	_ =	sdelay $0x3  }
0x33: {  	p0 =	seq.s32 s10, $0x1;
	s10 =	sld [smem:$0x3FB3];
	_ =	sdelay $0x3  }
0x34: {  	[smem:$0x3FB3] =	sst s10  }
0x35: {  	s10 =	sld [smem:$0x3FB2];
	_ =	sdelay $0x3  }
0x36: {  	p1 =	seq.s32 s10, $0x1;
	s10 =	sld [smem:$0x3FB3];
	_ =	sdelay $0x3  }
0x37: {  	[smem:$0x3FB3] =	sst s10  }
0x38: {  	s10 =	sld [smem:$0x3FB4]  }
0x39: {  	_ = 	snop;
	(pc) =	sbr.ind lr, $3  }
0x3a: {  	_ = 	snop  }
0x3b: {  	_ = 	snop  }
0x3c: {  	p2 =	seq.s32 s10, $0x1;
	s10 =	sld [smem:$0x3FB3]  }
0x3d: {  	_ =	shalt  }
0x3e: {  	_ =	shalt  }
0x3f: {  	_ =	shalt  }
0x40: {  	_ =	shalt  }
0x41: {  	_ =	shalt  }
0x42: {  	_ =	shalt  }
0x43: {  	_ =	shalt  }
0x44: {  	_ =	shalt  }
0x45: {  	_ =	shalt  }
0x46: {  	_ =	shalt  }
0x47: {  	_ =	shalt  }
0x48: {  	_ =	shalt  }
0x49: {  	_ =	shalt  }
0x4a: {  	_ =	shalt  }
0x4b: {  	_ =	shalt  }
0x4c: {  	_ =	shalt  }
0x4d: {  	_ =	shalt  }
0x4e: {  	_ =	shalt  }
0x4f: {  	_ =	shalt  }
0x50: {  	_ =	shalt  }
0x51: {  	_ =	shalt  }
0x52: {  	_ =	shalt  }
0x53: {  	_ =	shalt  }
0x54: {  	_ =	shalt  }
0x55: {  	_ =	shalt  }
0x56: {  	_ =	shalt  }
0x57: {  	_ =	shalt  }
0x58: {  	_ =	shalt  }
0x59: {  	_ =	shalt  }
0x5a: {  	_ =	shalt  }
0x5b: {  	_ =	shalt  }
0x5c: {  	_ =	shalt  }
0x5d: {  	_ =	shalt  }
0x5e: {  	_ =	shalt  }
0x5f: {  	_ =	shalt  }
0x60: {  	_ =	shalt  }
0x61: {  	_ =	shalt  }
0x62: {  	_ =	shalt  }
0x63: {  	_ =	shalt  }
0x64: {  	_ =	shalt  }
0x65: {  	_ =	shalt  }
0x66: {  	_ =	shalt  }
0x67: {  	_ =	shalt  }
0x68: {  	_ =	shalt  }
0x69: {  	_ =	shalt  }
0x6a: {  	_ =	shalt  }
0x6b: {  	_ =	shalt  }
0x6c: {  	_ =	shalt  }
0x6d: {  	_ =	shalt  }
0x6e: {  	_ =	shalt  }
0x6f: {  	_ =	shalt  }
0x70: {  	_ =	shalt  }
0x71: {  	_ =	shalt  }
0x72: {  	_ =	shalt  }
0x73: {  	_ =	shalt  }
0x74: {  	_ =	shalt  }
0x75: {  	_ =	shalt  }
0x76: {  	_ =	shalt  }
0x77: {  	_ =	shalt  }
0x78: {  	_ =	shalt  }
0x79: {  	_ =	shalt  }
0x7a: {  	_ =	shalt  }
0x7b: {  	_ =	shalt  }
0x7c: {  	_ =	shalt  }
0x7d: {  	_ =	shalt  }
0x7e: {  	_ =	shalt  }
0x7f: {  	_ =	shalt  }
0x80: {  	_ =	shalt  }
0x81: {  	_ =	shalt  }
0x82: {  	_ =	shalt  }
0x83: {  	_ =	shalt  }
0x84: {  	_ =	shalt  }
0x85: {  	_ =	shalt  }
0x86: {  	_ =	shalt  }
0x87: {  	_ =	shalt  }
.Lfunc_end0:
.L_simem_size_0:
called_computation_lowered:
.L_overlay_start_0:
0x88: {  	s0 =	sld [smem:$0x3FD9]  }
0x89: {  	s1 =	sld [smem:$0x3FFE];
	_ =	sdelay $0x3  }
0x8a: {  	s0 =	sadd.s32 s1, s0  }
0x8b: {  	[smem:$0x3FBF] =	sst s0  }
0x8c: {  	_ = 	snop  }
0x8d: {  	(tm) =	ssettm $0x1  }
0x8e: {  	s15 =	sld [smem:$0x3FFB];
	_ =	sdelay $0x3  }
0x8f: {  	_ =	strace s15  }
0x90: {  	s0 =	sld [smem:$0x3FFC];
	_ =	sdelay $0x3  }
0x91: {  	_ =	strace s0  }
0x92: {  	s0 =	sld [smem:$0x3FFD];
	_ =	sdelay $0x3  }
0x93: {  	_ =	strace s0  }
0x94: {  	_ =	strace $0x8FFFFFFF  }
0x95: {  	s16 =	sld [smem:$0x3FDB];
	_ =	sdelay $0x1  }
0x96: {  	s17 =	simm.s32 $_scs_section_size  }
0x97: {  	s2 =	simm.s32 $_size__tile_overlayer_lowered;
	s3 =	simm.s32 $_tile_overlayer_lowered  }
0x98: {  	s20 =	simm.s32 $0x1BFF;
	s19 =	sshll.u32 s3, $0x1;
	s0 =	sadd.s32 s17, s16  }
0x99: {  	s4 =	simm.s32 $0x0;
	s18 =	sshll.u32 s2, $0x1;
	s2 =	sadd.s32 s19, s0  }
0x9a: {  	[timem:s4], [sflag:s20] =	dma.local [hbm:s2], s18  }
0x9b: {  	_ =	swait.ge [sflag:s20], s18  }
0x9c: {  	s1 =	ssub.s32 $0x0, s18;
	[sflag:s20] =	ssyncset.done $0x0  }
0x9d: {  	[sflag:s20] =	ssyncadd.s32 s1;
	_ =	sdelay $0x1  }
0x9e: {  	s21 =	simm.s32 $0x1B8B  }
0x9f: {  	_ =	swait.ge [sflag:s21], $0x1  }
0xa0: {  	[sflag:s21] =	ssyncset.done $0x0  }
0xa1: {  	s23 =	simm.s32 $0x1B8E;
	s22 =	sld [smem:$0x3FFE];
	[sflag:s21] =	ssyncadd.s32 $0xFFFFFFFF  }
0xa2: {  	s24 =	simm.s32 $execute0_lowered;
	[smem:$0x3FD2] =	sst s23  }
0xa3: {  	s2 =	sshll.u32 s24, $0x1;
	_ =	strace $0x80000049;
	[dreg:$0x1] =	wrdreg $0xFFFFFFFF  }
0xa4: {  	s25 =	simm.s32 $_size_execute0_lowered;
	s0 =	sadd.s32 s0, s2;
	[dreg:$0x0] =	wrdreg $0x0  }
0xa5: {  	s2 =	sshll.u32 s25, $0x1;
	[dreg:$0x2] =	wrdreg s0  }
0xa6: {  	[dreg:$0x3] =	wrdreg s2  }
0xa7: {  	[dreg:$0x4] =	wrdreg $0xC0  }
0xa8: {  	_ =	task [dreg:s4], $0x5FFFF  }
0xa9: {  	[dreg:$0x1] =	wrdreg $0xFFFFFFFF  }
0xaa: {  	[dreg:$0x0] =	wrdreg $0x60  }
0xab: {  	[dreg:$0x2] =	wrdreg s22  }
0xac: {  	[dreg:$0x3] =	wrdreg $0x9  }
0xad: {  	_ =	task.clear_ibuf [dreg:s4], $0x4FFFF;
	_ =	strace $0x90000049  }
0xae: {  	s26 =	simm.s32 $0x9;
	_ =	strace $0x8000004B  }
0xaf: {  	_ =	swait.ge [sflag:s26], $0x1  }
0xb0: {  	[sflag:s26] =	ssyncadd.s32 $0xFFFFFFFF  }
0xb1: {  	_ =	strace $0x9000004B  }
0xb2: {  	_ =	sfence  }
0xb3: {  	s28 =	sld [smem:$0x0];
	_ =	sdelay $0x1  }
0xb4: {  	s29 =	srdreg.scid  }
0xb5: {  	s30 =	sshll.u32 s29, $0xD;
	s31 =	sshrl.u32 s29, $0x2  }
0xb6: {  	s1 =	sand.u32 $0x1, s29;
	s2 =	sand.u32 $0x4000, s30;
	s0 =	sadd.s32 s31, s28  }
0xb7: {  	s1 =	sor.u32 s2, s1;
	s0 =	sshll.u32 s0, $0x11  }
0xb8: {  	s0 =	sor.u32 s0, s1  }
0xb9: {  	s0 =	sadd.s32 $0x8F2B, s0  }
0xba: {  	[sflag:s0] =	ssyncadd.remote.s32 $0x1  }
0xbb: {  	_ =	sfence.sel $0xFFFF  }
0xbc: {  	[dreg:$0x0] =	wrdreg $0xFFFFFFFF;
	(pc) =	sbr.abs _section_cstart, $3  }
0xbd: {  	[dreg:$0x1] =	wrdreg $0xFFFFFFFF  }
0xbe: {  	_ =	task.clear_ibuf [dreg:s4], $0x2FFFF;
	_ =	strace $0x9FFFFFFF  }
0xbf: {  	(tm) =	ssettm $0x7FFFFFFF  }
tec
execute0_lowered:
.L_overlay_start_1:
0x0: {  	(tag) =	ssettag $0x1  }
0x1: {  	s3 =	rddreg [dreg:$0x0];
	_ =	strace $0x8000004A;
	s15 =	stileid.u32  }
0x2: {  	s0 =	simm.s32 $0x1;
	s1 =	smin.u32 s15, $0x8;
	s4 =	sshll.u32 s15, $0x1  }
0x3: {  	v1 =	vimm.s32 $0xFFFFFFFF;
	[sflag:s0] =	ssyncpa.u1 $0x0;
	s1 =	sadd.s32 s1, s4  }
0x4: {  	p0 =	slt.u32 s15, $0x8;
	[tilespmem:$0x10] =	vst v1;
	s5 =	smul.u32 $0x1F40, s1;
	s1 =	simm.s32 $0x5DC0  }
0x5: {  	v0 =	vimm.f32 $0.0e+00;
	[tilespmem:$0x20] =	vst v1;
	s1 =	simm.s32 @!p0 $0x3E80  }
0x6: {  	[tilespmem:$0x30] =	vst v0;
	s1 =	sadd.s32 s1, s5  }
0x7: {  	[tilespmem:$0x40] =	vst v0;
	s6 =	smin.u32 s1, $0x4E200  }
0x8: {  	s7 =	simm.s32 $0x2;
	[tilespmem:$0x50] =	vst v0;
	s2 =	ssub.s32 s6, s5  }
0x9: {  	s8 =	simm.s32 $0x8;
	s31 =	simm.s32 $0x9;
	[tilespmem:$0x60] =	vst v1;
	p0 =	sgt.s32 s2, $0x0  }
0xa: {  	s16 =	simm.s32 $0x0;
	s17 =	simm.s32 $0xF0;
	[tilespmem:$0x70] =	vst v1;
	s2 =	simm.s32 @!p0 $0x0  }
0xb: {  	s18 =	simm.s32 $0xFFFFFFFF;
	s19 =	simm.s32 $0xFFFFC280;
	[tilespmem:$0x80] =	vst v1;
	s30 =	smulhi.u32 $0x10624DD3, s2  }
0xc: {  	s20 =	simm.s32 $0xFFFFFFFE;
	s21 =	simm.s32 $0xF;
	s25 =	simm.s32 $0x0;
	v1 =	vimm.s32 $0x0;
	[tilespmem:$0xB0] =	vst v0  }
0xd: {  	s24 =	simm.s32 $0x0;
	s15 =	sshllo.u32 s15, $0x1;
	[tilespmem:$0x90] =	vst v1;
	s10 =	sshrl.u32 s30, $0x9  }
0xe: {  	[tilespmem:$0xA0] =	vst v1;
	[sflag:s7] =	ssyncpa.u1 $0x0;
	s7 =	simm.s32 $0x7;
	s9 =	smul.u32 $0x1F40, s10  }
.Ltmp0:
0xf: {  	s13 =	sor.u32 $0x80, s4;
	[sflag:s7] =	ssyncpa.u1 $0x0;
	(pc) =	sbr.rel .LBB2_1-.Ltmp0, $4  }
0x10: {  	s14 =	sor.u32 $0x81, s4;
	[sflag:s8] =	ssyncpa.u1 $0x0;
	p0 =	sne.s32 s2, s9  }
0x11: {  	s23 =	smov.u32 s5;
	s1 =	sadd.s32 $0x51D400, s3;
	s0 =	simm.s32 @!p0 $0x0  }
0x12: {  	vm0 =	vmmov $0xffff;
	v2 =	vlaneseq.u32;
	[sflag:s31] =	ssyncpa.u1 $0x0;
	s9 =	sadd.s32 $0x4EBE00, s3;
	s10 =	sadd.s32 s0, s10  }
0x13: {  	vm1 =	vmxor vm1, vm1;
	vm2 =	vmmov $0x1;
	vm3 =	vcmask $0x3F3C;
	p0 =	por $0x0, $0x0;
	s11 =	sadd.s32 $0x1, s10;
	s12 =	sadd.s32 $0x2, s10  }
.LBB2_9:
0x14: {  	p1 =	slt.u32 s24, $0x3  }
0x15: {  	s0 =	simm.s32 @!p1 $0x2  }
0x16: {  	_ =	swait.ge @!p1 [sflag:s0], $0x1F40  }
0x17: {  	[sflag:s0] =	ssyncset.done @!p1 $0x0  }
0x18: {  	[sflag:s0] =	ssyncadd.s32 @!p1 $0xFFFFE0C0;
	s0 =	simm.s32 @!p1 $0x9  }
0x19: {  	_ =	swait.ge @!p1 [sflag:s0], $0x10  }
0x1a: {  	[sflag:s0] =	ssyncset.done @!p1 $0x0  }
0x1b: {  	[sflag:s0] =	ssyncadd.s32 @!p1 $0xFFFFFFF0;
	p1 =	sne.s32 s24, s12  }
.Ltmp1:
0x1c: {  	s2 =	sadd.s32 $0x1F40, s23;
	(pc) =	sbr.rel @!p1 .LBB2_10-.Ltmp1, $4  }
0x1d: {  	s22 =	smov.u32 s5;
	s31 =	sadd.s32 $0x1, s24;
	s17 =	sadd.s32 $0x1F40, s17  }
0x1e: {  	s18 =	sadd.s32 $0x1, s18;
	s25 =	smov.u32 s23;
	p2 =	slt.s32 s2, s6  }
0x1f: {  	p0 =	por !p0, !p0;
	s19 =	sadd.s32 $0x1F40, s19;
	s22 =	smov.u32 @p2 s2  }
0x20: {  	s20 =	sadd.s32 $0x1, s20;
	s23 =	smov.u32 s22;
	s24 =	smov.u32 s31  }
.LBB2_1:
0x21: {  	p1 =	sge.u32 s24, s10  }
0x22: {  	s0 =	smulhi.u32 @!p1 $0xAAAAAAAB, s24;
	_ =	sdelay $0x1  }
0x23: {  	s0 =	sshrl.u32 @!p1 s0, $0x1  }
0x24: {  	s0 =	smul.u32 @!p1 $0x3, s0;
	_ =	sdelay $0x1  }
0x25: {  	s0 =	ssub.s32 @!p1 s24, s0  }
0x26: {  	s0 =	smul.u32 @!p1 $0x7D00, s0;
	_ =	sdelay $0x1  }
0x27: {  	s2 =	sshrl.u32 @!p1 s23, $0x3;
	s0 =	sshrl.u32 @!p1 s0, $0x2  }
0x28: {  	s22 =	sand.u32 @!p1 $0x7, s23;
	s2 =	sadd.s32 @!p1 s3, s2;
	s0 =	sadd.s32 @!p1 $0x100, s0  }
0x29: {  	[tilespmem:s0], [sflag:$0x7] =	stream.linear.gather @!p1 [hbm4b:s2+s22], $0x1F40, $0x38;
	[tilespmem:$0x11A60] =	vst v63  }
0x2a: {  	s0 =	sadd.s32 $0xFFFFFFFF, s24  }
0x2b: {  	p1 =	sge.u32 s0, s10  }
.Ltmp2:
0x2c: {  	_ = 	snop;
	(pc) =	sbr.rel @p1 .LBB2_5-.Ltmp2, $1  }
0x2d: {  	_ =	sdelay $0x3  }
0x2e: {  	s2 =	smulhi.u32 $0xAAAAAAAB, s0;
	_ =	sdelay $0x1  }
0x2f: {  	s2 =	sshrl.u32 s2, $0x1  }
0x30: {  	s2 =	smul.u32 $0x3, s2;
	_ =	sdelay $0x1  }
0x31: {  	s2 =	ssub.s32 s0, s2  }
0x32: {  	s2 =	smul.u32 $0x7D00, s2  }
0x33: {  	_ =	swait.ge [sflag:s7], $0x1F40  }
0x34: {  	[sflag:s7] =	ssyncset.done $0x0;
	s2 =	sshrl.u32 s2, $0x2  }
0x35: {  	[sflag:s7] =	ssyncadd.s32 $0xFFFFE0C0;
	(ifvalue) =	ssetifvalue $0xFFFFFFFF;
	v3 =	vld.msk [tilespmem:s2+$0x100 ss:$0x1], $0xffff;
	_ =	sdelay $0x2  }
0x36: {  	s30 =	smulhi.u32 $0xAAAAAAAB, s18;
	p1 =	sne.s32 s24, $0x1  }
0x37: {  	v4 =	vimm.s32 @!p1 $0x0  }
0x38: {  	s2 =	sshrl.u32 s30, $0x1;
	v4 =	vperm.xlane @!p1 v3, v4  }
0x39: {  	s22 =	sshll.u32 s24, $0x4;
	s2 =	smul.u32 $0xFFFE8900, s2;
	vm4 =	vlt.u32 v3, $0x2800  }
0x3a: {  	s22 =	sand.u32 $0x10, s22;
	v3 =	vnsel vm4, $0xFFFFFFFE, v3;
	vm4 =	vlt.u32 @!p1 v4, $0x2800  }
0x3b: {  	s2 =	sshra.s32 s2, $0x2;
	[tilespmem:s22+$0x60] =	vst v3;
	v3 =	vnsel @!p1 vm4, $0xFFFFFFFE, v4  }
0x3c: {  	s28 =	sadd.s32 s2, s17;
	[tilespmem:$0x80] =	vst @!p1 v3  }
0x3d: {  	v3 =	vld.msk [tilespmem:s28+$0x0 ss:$0x1], $0xffff;
	_ =	sdelay $0x4  }
0x3e: {  	(xrf1) =	vunique.msk.u32 $0xffff, v3;
	_ =	sdelay $0xd  }
0x3f: {  	v4 =	vimm.s32 $0xFFFFFFFF;
	v5, _, _ =	vpop (xrf1)  }
0x40: {  	vm5 =	vne.s32 v3, v4;
	vm4 =	veq.s32 v5, v2  }
0x41: {  	vm6 =	vlt.u32 v3, $0x2800;
	vm4 =	vmand vm5, vm4  }
0x42: {  	vm4 =	vmand vm6, vm4  }
0x43: {  	v4 =	vnsel vm4, $0xFFFFFFFF, v3  }
0x44: {  	s31 =	sand.u32 $0x1, s0  }
0x45: {  	s0 =	simm.s32 $0x1F40;
	p1 =	seq.s32 s31, $0x1  }
0x46: {  	s0 =	simm.s32 @!p1 $0x0  }
0x47: {  	s26 =	sadd.s32 $0x7DF0, s0;
	(ifvalue) =	ssetifvalue $0xFFFFFFFF  }
0x48: {  	v3 =	vperm.xlane v3, v1;
	[tilespmem:s26], [sflag:$0x8] =	stream.indirect_vreg.gather [hbm4b:s1+s16], $0x1, v4, vm0, $0x4038;
	v4 =	vnsel vm6, $0xFFFFFFFE, v4;
	[tilespmem:$0x11A60] =	vst v63  }
0x49: {  	s2 =	simm.s32 $0x0;
	s22 =	sadd.s32 $0xFFFFFFF0, s28;
	[tilespmem:s28+$0x0] =	vst v4  }
.LBB2_3:
0x4a: {  	v4 =	vld.msk [tilespmem:s22+$0x0 ss:$0x1], $0xffff;
	s2 =	sadd.s32 $0x10, s2;
	v5 =	vmov v3;
	s28 =	smov.u32 s22  }
0x4b: {  	p1 =	slt.u32 s2, $0x1F30;
	_ =	sdelay $0x4  }
0x4c: {  	v3 =	vperm.xlane v4, v1;
	(xrf1) =	vunique.msk.u32 $0xffff, v4;
	_ =	sdelay $0xd  }
0x4d: {  	v6, _, _ =	vpop (xrf1)  }
0x4e: {  	vm5 =	vne.s32 v4, v5;
	vm4 =	veq.s32 v6, v2  }
0x4f: {  	vm6 =	vlt.u32 v4, $0x2800;
	vm4 =	vmand vm5, vm4  }
0x50: {  	vm4 =	vmand vm6, vm4  }
0x51: {  	v4 =	vnsel vm4, $0xFFFFFFFF, v4  }
.Ltmp3:
0x52: {  	v5 =	vnsel vm6, $0xFFFFFFFE, v4;
	(pc) =	sbr.rel @p1 .LBB2_3-.Ltmp3, $3  }
0x53: {  	_ =	sdelay $0x1  }
0x54: {  	s22 =	sadd.s32 $0xFFFFFFF0, s22;
	s26 =	sadd.s32 $0xFFFFFFF0, s26;
	(ifvalue) =	ssetifvalue $0xFFFFFFFF  }
0x55: {  	[tilespmem:s26], [sflag:$0x8] =	stream.indirect_vreg.gather [hbm4b:s1+s16], $0x1, v4, vm0, $0x4038;
	[tilespmem:s28+$0x0] =	vst v5  }
0x56: {  	s2 =	sshrl.u32 s25, $0x3  }
0x57: {  	s0 =	sadd.s32 $0x9D40, s0;
	s2 =	sadd.s32 s9, s2  }
0x58: {  	[tilespmem:s0], [sflag:$0x8] =	stream.linear.gather [hbm:s2], $0x1F40, $0x38;
	[tilespmem:$0x11A60] =	vst v63  }
.LBB2_5:
0x59: {  	p1 =	slt.u32 s24, $0x2  }
0x5a: {  	p2 =	sge.u32 @!p1 s24, s12  }
0x5b: {  	p1 =	por p1, p2  }
.Ltmp4:
0x5c: {  	_ = 	snop;
	(pc) =	sbr.rel @p1 .LBB2_9-.Ltmp4, $1  }
0x5d: {  	_ =	sdelay $0x3  }
0x5e: {  	s0 =	sadd.s32 $0xFFFFFFFE, s24  }
0x5f: {  	s2 =	smulhi.u32 $0xAAAAAAAB, s0;
	_ =	sdelay $0x1  }
0x60: {  	s2 =	sshrl.u32 s2, $0x1  }
0x61: {  	s2 =	smul.u32 $0x3, s2;
	_ =	sdelay $0x1  }
0x62: {  	s0 =	ssub.s32 s0, s2  }
0x63: {  	_ =	swait.ge [sflag:s8], $0x3E80;
	s0 =	smul.u32 $0x1F40, s0  }
0x64: {  	p1 =	sne.s32 s24, s11;
	[sflag:s8] =	ssyncset.done $0x0  }
0x65: {  	[sflag:s8] =	ssyncadd.s32 $0xFFFFC180;
	s2 =	sadd.s32 @!p1 $0x203F, s0  }
0x66: {  	[spmem:s14] =	stream.linear.scatter @!p1 [tilespmem:s2], [sflag:$0x1], $0x1, $0x38;
	[tilespmem:$0x11A60] =	vst v63  }
0x67: {  	s2 =	simm.s32 @!p1 $0x1  }
0x68: {  	_ =	swait.ge @!p1 [sflag:s2], $0x1  }
0x69: {  	s22 =	sshll.u32 s24, $0x4;
	[sflag:s2] =	ssyncset.done @!p1 $0x0  }
0x6a: {  	s25 =	sand.u32 $0x10, s22;
	[sflag:s2] =	ssyncadd.s32 @!p1 $0xFFFFFFFF  }
0x6b: {  	s2 =	sxor.u32 $0x10, s25;
	v4 =	vld [tilespmem:s25+$0x10]  }
0x6c: {  	v5 =	vld [tilespmem:s2+$0x60]  }
0x6d: {  	v3 =	vld [tilespmem:$0x80];
	_ =	sdelay $0x2  }
0x6e: {  	(v2sf) =	vpush v4, $0x0  }
0x6f: {  	(v2sf) =	vpush v5, $0x0  }
0x70: {  	(v2sf) =	vpush v3, $0x0;
	_ =	sdelay $0xc  }
0x71: {  	s22 =	spop (v2sf)  }
0x72: {  	s26 =	spop (v2sf)  }
0x73: {  	s28 =	spop (v2sf)  }
0x74: {  	p2 =	seq.s32 s22, s26;
	p3 =	seq.s32 s28, s22  }
0x75: {  	p3 =	por p2, p3  }
0x76: {  	s26 =	sand.u32 $0x1, s24;
	v4 =	vpsel p3, $0xFFFFFFFF, v4  }
0x77: {  	s29 =	smul.u32 $0x1F40, s26;
	[tilespmem:s25+$0x10] =	vst.msk $0x1, v4  }
0x78: {  	v4 =	vld [tilespmem:$0x30]  }
0x79: {  	v5 =	vld [tilespmem:s29+$0x9D40]  }
0x7a: {  	v6 =	vld [tilespmem:s25+$0x40];
	_ =	sdelay $0x3  }
0x7b: {  	vm4 =	vmmov vm1;
	v5 =	vadd.f32 v5, v4  }
0x7c: {  	vm5 =	vmmov vm2;
	vm4 =	vmmov @p2 vm2;
	s22 =	sshll.u32 s26, $0x4;
	v4 =	vadd.f32 v6, v4  }
0x7d: {  	s26 =	sor.u32 $0x11A40, s22;
	vm5 =	vmmov @p3 vm1;
	[tilespmem:s29+$0x9D40] =	vst.msk vm4, v5  }
0x7e: {  	[tilespmem:s26+$0x0] =	vst.msk vm5, v4  }
0x7f: {  	v4 =	vld [tilespmem:s29+$0x7DF0];
	_ =	sdelay $0x3  }
0x80: {  	v5 =	vimm.f32 $0.0e+00  }
0x81: {  	v4 =	vshift.insert v4, v5, s21  }
0x82: {  	s22 =	sor.u32 $0x40, s2  }
0x83: {  	[tilespmem:s22+$0x0] =	vst.msk $0x1, v4  }
0x84: {  	[tilespmem:s29+$0x7DFF] =	vst.msk $0x1, v5  }
0x85: {  	v4 =	vld [tilespmem:s0+$0x2030];
	_ =	sdelay $0x1  }
0x86: {  	s22 =	smulhi.u32 $0xAAAAAAAB, s20;
	s0 =	simm.s32 $0x1  }
0x87: {  	s0 =	simm.s32 @!p0 $0x0  }
0x88: {  	s22 =	sshrl.u32 s22, $0x1;
	s0 =	smul.u32 $0x7D00, s0  }
0x89: {  	s22 =	smul.u32 $0xFFFE8900, s22;
	v4 =	vshift.insert v4, v1, s21  }
0x8a: {  	s0 =	sshrl.u32 s0, $0x2  }
0x8b: {  	s22 =	sshra.s32 s22, $0x2;
	s30 =	sadd.s32 $0x9D40, s0;
	[tilespmem:s2+$0x10] =	vst.msk $0x1, v4  }
0x8c: {  	s22 =	sadd.s32 s22, s19;
	v6 =	vld [tilespmem:s30+$0x0]  }
0x8d: {  	v7 =	vld [tilespmem:s22+$0x0];
	_ =	sdelay $0x3  }
0x8e: {  	v5 =	vadd.f32 v6, v5  }
0x8f: {  	vm4 =	vne.s32 v7, $0xFFFFFFFF  }
0x90: {  	(xrf2) =	vadd.seg.scan.f32 vm4, v5;
	_ =	sdelay $0x3  }
0x91: {  	s31 =	sadd.s32 $0x5EC0, s0;
	v5 =	vperm.xlane v4, v1  }
0x92: {  	v6 =	vld [tilespmem:s31+$0x0]  }
0x93: {  	vm5 =	veq.s32 v7, v3;
	vm6 =	veq.s32 v7, v5  }
0x94: {  	vm7 =	vgt.u32 v7, $0xFFFFFFFD;
	vm6 =	vmor vm6, vm5  }
0x95: {  	vm6 =	vmor vm6, vm7  }
0x96: {  	v9 =	vld [tilespmem:$0xA0];
	v7 =	vsel vm6, $0xFFFFFFFF, v7  }
0x97: {  	v10 =	vld [tilespmem:$0x90];
	v6 =	vsel vm5, $0x0, v6;
	v8, _, _ =	vpop (xrf2)  }
0x98: {  	v6 =	vadd.f32 v8, v6  }
0x99: {  	s0 =	sadd.s32 $0xDBC0, s0  }
0x9a: {  	vm4 =	vmand vm4, vm3;
	[tilespmem:s0+$0x0] =	vst v6;
	(ifvalue) =	ssetifvalue $0xFFFFFFFF  }
0x9b: {  	vm6 =	veq.s32 v9, $0x1;
	[hbm4b:s1+s16] =	stream.indirect_vreg.scatter [tilespmem:s0], [sflag:$0x2], $0x1, v7, vm0, $0x4038;
	v7 =	vsel vm4, $0x0, v8;
	[tilespmem:$0x11A60] =	vst v63  }
0x9c: {  	s2 =	simm.s32 $0x0;
	s22 =	sadd.s32 $0x10, s22;
	vm4 =	vmor vm6, vm5;
	v6 =	vsel vm5, v8, v10;
	v7 =	vshift.insert v7, v0, s21  }
.LBB2_7:
0x9d: {  	v8 =	vld [tilespmem:s22+$0x0];
	s30 =	sadd.s32 $0x10, s30  }
0x9e: {  	s31 =	sadd.s32 $0x10, s31;
	v9 =	vld [tilespmem:s30+$0x0]  }
0x9f: {  	s2 =	sadd.s32 $0x10, s2;
	v10 =	vld [tilespmem:s31+$0x0]  }
0xa0: {  	p2 =	slt.u32 s2, $0x1F30;
	_ =	sdelay $0x2  }
0xa1: {  	v7 =	vadd.f32 v9, v7  }
0xa2: {  	vm5 =	vne.s32 v8, $0xFFFFFFFF  }
0xa3: {  	vm6 =	vmand vm5, vm3;
	(xrf2) =	vadd.seg.scan.f32 vm5, v7;
	_ =	sdelay $0x5  }
0xa4: {  	vm7 =	veq.s32 v8, v5;
	vm5 =	veq.s32 v8, v3  }
0xa5: {  	vm8 =	vgt.u32 v8, $0xFFFFFFFD;
	vm4 =	vmor vm4, vm5;
	vm7 =	vmor vm7, vm5  }
0xa6: {  	vm7 =	vmor vm7, vm8  }
0xa7: {  	v8 =	vsel vm7, $0xFFFFFFFF, v8  }
.Ltmp5:
0xa8: {  	v7 =	vsel vm5, $0x0, v10;
	v9, _, _ =	vpop (xrf2);
	(pc) =	sbr.rel @p2 .LBB2_7-.Ltmp5, $4  }
0xa9: {  	v6 =	vsel vm5, v9, v6;
	v10 =	vadd.f32 v9, v7;
	v7 =	vsel vm6, $0x0, v9  }
0xaa: {  	s0 =	sadd.s32 $0x10, s0;
	v7 =	vshift.insert v7, v0, s21  }
0xab: {  	s22 =	sadd.s32 $0x10, s22;
	[tilespmem:s0+$0x0] =	vst v10;
	(ifvalue) =	ssetifvalue $0xFFFFFFFF  }
0xac: {  	[hbm4b:s1+s16] =	stream.indirect_vreg.scatter [tilespmem:s0], [sflag:$0x2], $0x1, v8, vm0, $0x4038;
	[tilespmem:$0x11A60] =	vst v63  }
0xad: {  	v3 =	vld [tilespmem:s29+$0xFAF0];
	_ =	sdelay $0x4  }
0xae: {  	v3 =	vshift.insert v3, v0, s21  }
0xaf: {  	s0 =	simm.s32 $0x30  }
0xb0: {  	[tilespmem:s0+$0x0] =	vst.msk $0x1, v3  }
0xb1: {  	v3 =	vsel vm4, $0x1, v1;
	[tilespmem:$0x90] =	vst v6  }
0xb2: {  	s0 =	sadd.s32 @!p1 $0xFAFF, s29;
	[tilespmem:$0xA0] =	vst v3  }
0xb3: {  	[spmem:s15] =	stream.linear.scatter @!p1 [tilespmem:s0], [sflag:$0x1], $0x1, $0x38;
	[tilespmem:$0x11A60] =	vst v63  }
0xb4: {  	s0 =	simm.s32 @!p1 $0x1  }
0xb5: {  	v3 =	vmctz.xlane @!p1 vm4;
	_ =	swait.ge @!p1 [sflag:s0], $0x1  }
0xb6: {  	(v2sf) =	vpush @!p1 v4, $0x0  }
0xb7: {  	(v2sf) =	vpush @!p1 v3, $0x0;
	_ =	sdelay $0xd  }
0xb8: {  	s2 =	spop @!p1 (v2sf)  }
0xb9: {  	s22 =	spop @!p1 (v2sf)  }
0xba: {  	p2 =	sne.s32 @!p1 s28, s2;
	p3 =	slt.s32 @!p1 s22, $0xF  }
0xbb: {  	[sflag:s0] =	ssyncset.done @!p1 $0x0;
	p2 =	por p2, p1;
	p3 =	por !p3, p1  }
0xbc: {  	[sflag:s0] =	ssyncadd.s32 @!p1 $0xFFFFFFFF;
	v3 =	vimm.s32 @!p2 $0xFFFFFFFF;
	s22 =	simm.s32 @p3 $0xF  }
0xbd: {  	[tilespmem:$0x80] =	vst @!p2 v3;
	s2 =	sadd.s32 @!p1 $0x90, s22  }
0xbe: {  	[spmem:s4] =	stream.linear.scatter @!p1 [tilespmem:s2], [sflag:$0x1], $0x1, $0x38;
	[tilespmem:$0x11A60] =	vst v63  }
0xbf: {  	_ =	swait.ge @!p1 [sflag:s0], $0x1  }
0xc0: {  	[sflag:s0] =	ssyncset.done @!p1 $0x0  }
0xc1: {  	s2 =	simm.s32 @!p1 $0x80;
	[sflag:s0] =	ssyncadd.s32 @!p1 $0xFFFFFFFF  }
0xc2: {  	[spmem:s13] =	stream.linear.scatter @!p1 [tilespmem:s2], [sflag:$0x1], $0x1, $0x38;
	[tilespmem:$0x11A60] =	vst v63  }
0xc3: {  	_ =	swait.ge @!p1 [sflag:s0], $0x1  }
0xc4: {  	[sflag:s0] =	ssyncset.done @!p1 $0x0  }
0xc5: {  	[sflag:s0] =	ssyncadd.s32 @!p1 $0xFFFFFFFF;
	(ifvalue) =	ssetifvalue $0xFFFFFFFF;
	v3 =	vld [tilespmem:s25+$0x10];
	_ =	sdelay $0x3  }
.Ltmp6:
0xc6: {  	_ = 	snop;
	(pc) =	sbr.rel .LBB2_9-.Ltmp6, $3  }
0xc7: {  	_ =	sdelay $0x1  }
0xc8: {  	(ifvalue) =	ssetifvalue $0xFFFFFFFF  }
0xc9: {  	[hbm4b:s1+s16] =	stream.indirect_vreg.scatter [tilespmem:s26], [sflag:$0x9], $0x1, v3, vm0, $0x4038;
	[tilespmem:$0x11A60] =	vst v63  }
.LBB2_10:
0xca: {  	_ =	sfence.sel $0x180000  }
0xcb: {  	s0 =	simm.s32 $0x7;
	[bflag:$0x0] =	sbarrier.arrive $0xFFFF  }
0xcc: {  	s26 =	simm.s32 $0x8;
	[sflag:s0] =	ssyncpa.u1 $0x1  }
0xcd: {  	s28 =	simm.s32 $0x9;
	[sflag:s26] =	ssyncpa.u1 $0x1  }
0xce: {  	[sflag:s28] =	ssyncpa.u1 $0x1  }
0xcf: {  	_ =	sfence.stream.spmem  }
0xd0: {  	s29 =	simm.s32 $0x3;
	[bflag:$0x0] =	sbarrier.arrive $0xFFFF  }
0xd1: {  	s30 =	simm.s32 $0x4;
	[sflag:s29] =	ssyncpa.u1 $0x1  }
0xd2: {  	s31 =	simm.s32 $0x3C;
	s2 =	stileid.u32;
	[sflag:s30] =	ssyncpa.u1 $0x1  }
0xd3: {  	p0 =	sne.s32 s2, $0x0;
	[sflag:s31] =	ssyncpa.u1 $0x1  }
0xd4: {  	s0 =	simm.s32 @p0 $0x1;
	_ =	sfence @p0  }
0xd5: {  	[sflag:s0] =	ssyncpa.u1 @p0 $0x1;
	s0 =	simm.s32 @p0 $0x2  }
0xd6: {  	[sflag:s0] =	ssyncpa.u1 @p0 $0x1  }
0xd7: {  	_ =	strace @p0 $0x9000004A  }
0xd8: {  	[bflag:$0x2] =	sbarrier.arrive @p0 $0xFFFF  }
0xd9: {  	_ =	shalt @p0  }
.LBB2_11:
0xda: {  	_ =	sfence.stream.spmem;
	s0 =	simm.s32 $0x5  }
0xdb: {  	s2 =	simm.s32 $0x80;
	s3 =	simm.s32 $0xC0;
	[sflag:s0] =	ssyncpa.u1 $0x0  }
0xdc: {  	[tilespmem:s3], [sflag:$0x5] =	stream.linear.gather [spmem:s2], $0x20, $0x38;
	[tilespmem:$0x11A60] =	vst v63  }
0xdd: {  	s2 =	simm.s32 $0x0;
	s3 =	simm.s32 $0xE0  }
0xde: {  	[tilespmem:s3], [sflag:$0x5] =	stream.linear.gather [spmem:s2], $0x20, $0x38;
	[tilespmem:$0x11A60] =	vst v63  }
.Ltmp7:
0xdf: {  	_ = 	snop;
	(pc) =	sbr.rel .LBB2_12-.Ltmp7, $4  }
0xe0: {  	_ =	swait.ge [sflag:s0], $0x40  }
0xe1: {  	[sflag:s0] =	ssyncset.done $0x0  }
0xe2: {  	s31 =	simm.s32 $0x6;
	[sflag:s0] =	ssyncadd.s32 $0xFFFFFFC0  }
0xe3: {  	s4 =	simm.s32 $0x0;
	[sflag:s31] =	ssyncpa.u1 $0x0  }
.LBB2_17:
0xe4: {  	p0 =	sgt.u32 s5, $0x27FF  }
0xe5: {  	s0 =	sshrl.u32 @!p0 s5, $0x3  }
0xe6: {  	s5 =	sand.u32 @!p0 $0x7, s5;
	s6 =	simm.s32 @!p0 $0xB0;
	s0 =	sadd.s32 @!p0 s1, s0  }
0xe7: {  	[tilespmem:s6], [sflag:$0x6] =	stream.linear.gather @!p0 [hbm4b:s0+s5], $0x1, $0x38;
	[tilespmem:$0x11A60] =	vst v63  }
0xe8: {  	s0 =	simm.s32 @!p0 $0x6  }
0xe9: {  	_ =	swait.ge @!p0 [sflag:s0], $0x1  }
0xea: {  	[sflag:s0] =	ssyncset.done @!p0 $0x0  }
0xeb: {  	[sflag:s0] =	ssyncadd.s32 @!p0 $0xFFFFFFFF  }
0xec: {  	v2 =	vmov @!p0 s4;
	v1 =	vld.msk @!p0 [tilespmem:$0xB0], $0x1;
	_ =	sdelay $0x3  }
0xed: {  	s0 =	simm.s32 @!p0 $0xE0  }
0xee: {  	[tilespmem:v2+s0+$0x0], v1 =	vst.idx.ret.add.f32.msk @!p0 $0x1, v1  }
0xef: {  	[tilespmem:s2+$0xC0] =	vst.msk $0x1, v0  }
0xf0: {  	v0 =	vld.msk [tilespmem:s4+$0xE0], $0x1;
	_ =	sdelay $0x4  }
0xf1: {  	[tilespmem:s2+$0xE0] =	vst.msk $0x1, v0;
	s2 =	sadd.s32 $0x1, s2  }
.LBB2_19:
0xf2: {  	s4 =	sadd.s32 $0x1, s4  }
0xf3: {  	p0 =	sne.s32 s4, $0x20  }
.Ltmp8:
0xf4: {  	_ = 	snop;
	(pc) =	sbr.rel @!p0 .LBB2_20-.Ltmp8, $1  }
0xf5: {  	_ =	sdelay $0x3  }
.LBB2_12:
0xf6: {  	v0 =	vld.msk [tilespmem:s4+$0xC0], $0x1;
	_ =	sdelay $0x4  }
0xf7: {  	(v2sf) =	vpush v0, $0x0;
	_ =	sdelay $0xe  }
0xf8: {  	s5 =	spop (v2sf)  }
0xf9: {  	p0 =	seq.s32 s5, $0xFFFFFFFF  }
.Ltmp9:
0xfa: {  	_ = 	snop;
	(pc) =	sbr.rel @p0 .LBB2_19-.Ltmp9, $1  }
0xfb: {  	_ =	sdelay $0x3  }
0xfc: {  	p0 =	slt.s32 s2, $0x1  }
.Ltmp10:
0xfd: {  	_ = 	snop;
	(pc) =	sbr.rel @p0 .LBB2_17-.Ltmp10, $1  }
0xfe: {  	_ =	sdelay $0x3  }
0xff: {  	s0 =	simm.s32 $0xC0;
	p0 =	por $0x0, $0x0  }
0x100: {  	v1 =	vld.msk @!p0 [tilespmem:s0+$0x0], $0x1;
	_ =	sdelay $0x4  }
0x101: {  	(v2sf) =	vpush @!p0 v1, $0x0;
	_ =	sdelay $0xd  }
0x102: {  	p2 =	sne.s32 s2, $0x1  }
.Ltmp11:
0x103: {  	s6 =	spop @!p0 (v2sf);
	(pc) =	sbr.rel @!p2 .LBB2_16-.Ltmp11, $4  }
0x104: {  	p1 =	seq.s32 @!p0 s5, s6  }
0x105: {  	s6 =	simm.s32 $0x0;
	p1 =	por !p1, p0  }
0x106: {  	s8 =	simm.s32 $0xFFFFFFFF;
	s6 =	simm.s32 @p1 $0xFFFFFFFF  }
0x107: {  	s7 =	simm.s32 $0x1;
	s6 =	smov.u32 @p0 s8  }
.LBB2_15:
0x108: {  	s8 =	smov.u32 s6;
	p0 =	sne.s32 s6, $0xFFFFFFFF  }
0x109: {  	s0 =	sadd.s32 $0x1, s0;
	s6 =	smov.u32 s7;
	s7 =	sadd.s32 $0x1, s7  }
0x10a: {  	p1 =	sne.s32 s2, s7;
	v1 =	vld.msk @!p0 [tilespmem:s0+$0x0], $0x1;
	_ =	sdelay $0x4  }
0x10b: {  	(v2sf) =	vpush @!p0 v1, $0x0;
	_ =	sdelay $0xe  }
.Ltmp12:
0x10c: {  	s9 =	spop @!p0 (v2sf);
	(pc) =	sbr.rel @p1 .LBB2_15-.Ltmp12, $4  }
0x10d: {  	p2 =	seq.s32 @!p0 s5, s9  }
0x10e: {  	p2 =	por !p2, p0  }
0x10f: {  	s6 =	simm.s32 @p2 $0xFFFFFFFF  }
0x110: {  	s6 =	smov.u32 @p0 s8  }
.LBB2_16:
0x111: {  	p0 =	sne.s32 s6, $0xFFFFFFFF  }
.Ltmp13:
0x112: {  	_ = 	snop;
	(pc) =	sbr.rel @!p0 .LBB2_17-.Ltmp13, $1  }
0x113: {  	_ =	sdelay $0x3  }
0x114: {  	v0 =	vld.msk [tilespmem:s4+$0xE0], $0x1;
	v1 =	vmov s6  }
.Ltmp14:
0x115: {  	_ = 	snop;
	(pc) =	sbr.rel .LBB2_19-.Ltmp14, $2  }
0x116: {  	_ =	sdelay $0x2  }
0x117: {  	[tilespmem:v1+s3+$0x0], v0 =	vst.idx.ret.add.f32.msk $0x1, v0  }
.LBB2_20:
0x118: {  	p0 =	slt.s32 s2, $0x1  }
.Ltmp15:
0x119: {  	_ = 	snop;
	(pc) =	sbr.rel @p0 .LBB2_24-.Ltmp15, $3  }
0x11a: {  	_ =	sdelay $0x1  }
0x11b: {  	s0 =	simm.s32 $0x6  }
0x11c: {  	s3 =	simm.s32 $0x0;
	[sflag:s0] =	ssyncpa.u1 $0x1  }
0x11d: {  	s0 =	simm.s32 $0xC0  }
0x11e: {  	v0 =	vld.msk [tilespmem:s0+$0x0], $0x1;
	_ =	sdelay $0x4  }
0x11f: {  	(v2sf) =	vpush v0, $0x0;
	_ =	sdelay $0xe  }
0x120: {  	s2 =	sadd.s32 $0xFFFFFFFF, s2;
	s4 =	spop (v2sf)  }
0x121: {  	p1 =	sne.s32 s2, $0x0;
	p0 =	sgt.u32 s4, $0x27FF  }
.Ltmp16:
0x122: {  	s5 =	sshrl.u32 @!p0 s4, $0x3;
	(pc) =	sbr.rel @!p1 .LBB2_23-.Ltmp16, $4  }
0x123: {  	s0 =	simm.s32 $0xE0;
	s4 =	sand.u32 @!p0 $0x7, s4;
	s5 =	sadd.s32 @!p0 s1, s5  }
0x124: {  	[hbm4b:s5+s4] =	stream.linear.scatter @!p0 [tilespmem:s0], [sflag:$0x5], $0x1, $0x38;
	[tilespmem:$0x11A60] =	vst v63  }
0x125: {  	s5 =	simm.s32 $0x0  }
0x126: {  	s4 =	simm.s32 $0xC1;
	s5 =	simm.s32 @!p0 $0x4  }
.LBB2_22:
0x127: {  	v0 =	vld.msk [tilespmem:s4+$0x0], $0x1;
	s2 =	sadd.s32 $0xFFFFFFFF, s2;
	s3 =	sadd.s32 s3, s5  }
0x128: {  	p0 =	sne.s32 s2, $0x0;
	_ =	sdelay $0x3  }
0x129: {  	(v2sf) =	vpush v0, $0x0;
	_ =	sdelay $0xe  }
.Ltmp17:
0x12a: {  	s6 =	spop (v2sf);
	(pc) =	sbr.rel @p0 .LBB2_22-.Ltmp17, $4  }
0x12b: {  	s5 =	simm.s32 $0x0;
	p1 =	sgt.u32 s6, $0x27FF  }
0x12c: {  	s0 =	sadd.s32 $0x1, s0;
	s5 =	simm.s32 @!p1 $0x4;
	s7 =	sshrl.u32 @!p1 s6, $0x3  }
0x12d: {  	s4 =	sadd.s32 $0x1, s4;
	s6 =	sand.u32 @!p1 $0x7, s6;
	s7 =	sadd.s32 @!p1 s1, s7  }
0x12e: {  	[hbm4b:s7+s6] =	stream.linear.scatter @!p1 [tilespmem:s0], [sflag:$0x5], $0x1, $0x38;
	[tilespmem:$0x11A60] =	vst v63  }
.LBB2_23:
0x12f: {  	s0 =	sadd.s32 s3, s5  }
0x130: {  	s3 =	sshrl.u32 s0, $0x2  }
.LBB2_24:
0x131: {  	s0 =	simm.s32 $0x5  }
0x132: {  	_ =	swait.ge [sflag:s0], s3  }
0x133: {  	s1 =	ssub.s32 $0x0, s3;
	[sflag:s0] =	ssyncset.done $0x0  }
0x134: {  	[sflag:s0] =	ssyncadd.s32 s1  }
0x135: {  	[sflag:s0] =	ssyncpa.u1 $0x1  }
0x136: {  	s29 =	simm.s32 $0x1;
	_ =	sfence  }
0x137: {  	s30 =	simm.s32 $0x2;
	[sflag:s29] =	ssyncpa.u1 $0x1  }
0x138: {  	[sflag:s30] =	ssyncpa.u1 $0x1  }
0x139: {  	_ =	strace $0x9000004A  }
0x13a: {  	[bflag:$0x2] =	sbarrier.arrive $0xFFFF  }
0x13b: {  	s31 =	rddreg [dreg:$0x1]  }
0x13c: {  	s0 =	sadd.s32 $0x100000, s31  }
0x13d: {  	[sflag:s0] =	ssyncadd.tile.s32 $0x1;
	_ =	shalt  }
.Lfunc_end2:
_tile_overlayer_lowered:
.L_overlay_start_2:
0x13e: {  	(tag) =	ssettag $0x2  }
0x13f: {  	s0 =	rddreg [dreg:$0x0];
	s2 =	stileid.u32  }
0x140: {  	s1 =	rddreg [dreg:$0x1];
	p0 =	sne.s32 s2, $0x0  }
0x141: {  	s3 =	rddreg [dreg:$0x2];
	[bflag:$0x3] =	sbarrier.arrive $0xFFFF;
	s2 =	simm.s32 @!p0 $0x1C01  }
0x142: {  	[timem:s3], [sflag:s2] =	dma.local @!p0 [hbm:s0], s1  }
0x143: {  	s0 =	simm.s32 @!p0 $0x1  }
0x144: {  	_ =	swait.ge @!p0 [sflag:s0], s1  }
0x145: {  	s1 =	ssub.s32 @!p0 $0x0, s1;
	[sflag:s0] =	ssyncset.done @!p0 $0x0  }
0x146: {  	[sflag:s0] =	ssyncadd.s32 @!p0 s1  }
0x147: {  	[bflag:$0x3] =	sbarrier.arrive $0xFFFF  }
0x148: {  	_ =	shalt  }

</sc_bundles>
